<compile_context>
chip_gen: v7x
topology: tpu7x:2x2x1
jax: 0.10.2.dev20260603
libtpu: 0.0.44.dev20260713+nightly
codegen_flags: <defaults>
</compile_context>

<pallas_src>
import functools
import jax
import jax.numpy as jnp
from jax import lax
from jax.experimental import pallas as pl
from jax.experimental.pallas import tpu as pltpu
from jax.experimental.pallas import tpu_sc as plsc

_B, _S, _V = 16, 20, 100000
_ROWS = _B * _S
_NW = 32
_RPW = _ROWS // _NW
_L = 16
_SCH = 4000
_NCH = _V // _SCH
_STEPS = _SCH // _L
_AUN = 10
_NEG = float("-inf")
_BIGI = 2.0**30

_sc_mesh = plsc.VectorSubcoreMesh(core_axis_name="c", subcore_axis_name="s")


def _make_phase1(nb):
  nrows = nb * _S
  rpw = nrows // _NW

  @functools.partial(
      pl.kernel,
      mesh=_sc_mesh,
      out_type=jax.ShapeDtypeStruct((nrows * _L,), jnp.float32),
      scratch_types=[
          pltpu.VMEM((1, 1, _V), jnp.float32),
          pltpu.VMEM((rpw * _L,), jnp.float32),
      ],
      compiler_params=pltpu.CompilerParams(needs_layout_passes=False),
  )
  def _phase1(logit_hbm, out_hbm, buf, outbuf):
      wid = lax.axis_index("s") * 2 + lax.axis_index("c")
      base = wid * rpw
      lane = lax.iota(jnp.int32, _L)
      lane_f = lane.astype(jnp.float32)

      def row_body(r, _):
          row = base + r
          pltpu.sync_copy(
              logit_hbm.at[pl.ds(row // _S, 1), pl.ds(row % _S, 1)], buf)

          def chunk_body(ch, carry):
              s_l, m1, c1, m2, c2 = carry

              def body_a(i, carry2):
                  s_l, m_c = carry2
                  for u in range(_AUN):
                      v = buf[0, 0, pl.ds(ch * _SCH + (i * _AUN + u) * _L, _L)]
                      s_l = s_l + jnp.exp(v)
                      m_c = jnp.maximum(m_c, v)
                  return s_l, m_c

              s_l, m_c = lax.fori_loop(
                  0, _STEPS // _AUN, body_a,
                  (s_l, jnp.full((_L,), _NEG, jnp.float32)))
              cm = jnp.max(m_c)
              gt1 = cm > m1
              dem_v = jnp.where(gt1, m1, cm)
              dem_c = jnp.where(gt1, c1, ch)
              m1 = jnp.where(gt1, cm, m1)
              c1 = jnp.where(gt1, ch, c1)
              gt2 = (dem_v > m2) | ((dem_v == m2) & (dem_c < c2))
              m2 = jnp.where(gt2, dem_v, m2)
              c2 = jnp.where(gt2, dem_c, c2)
              return s_l, m1, c1, m2, c2

          s_l, m1, c1, m2, c2 = lax.fori_loop(
              0, _NCH, chunk_body,
              (jnp.zeros((_L,), jnp.float32), jnp.float32(_NEG),
               jnp.int32(_NCH), jnp.float32(_NEG), jnp.int32(_NCH)))

          eos = buf[0, 0, pl.ds(_V - _L, _L)][_L - 1]
          t1 = m1

          c1 = jnp.minimum(c1, jnp.int32(_NCH - 1))
          cbase1 = c1 * _SCH
          idx0 = lane_f + cbase1.astype(jnp.float32)

          def body_r1(i, carry):
              w1, j1, w2, j2, idx = carry
              for u in range(_AUN):
                  v = buf[0, 0, pl.ds(cbase1 + (i * _AUN + u) * _L, _L)]
                  gt1v = v > w1
                  dv = jnp.where(gt1v, w1, v)
                  di = jnp.where(gt1v, j1, idx)
                  w1 = jnp.where(gt1v, v, w1)
                  j1 = jnp.where(gt1v, idx, j1)
                  gt2v = (dv > w2) | ((dv == w2) & (di < j2))
                  w2 = jnp.where(gt2v, dv, w2)
                  j2 = jnp.where(gt2v, di, j2)
                  idx = idx + jnp.float32(_L)
              return w1, j1, w2, j2, idx

          big = jnp.full((_L,), _BIGI, jnp.float32)
          w1, j1, w2, j2, _x = lax.fori_loop(
              0, _STEPS // _AUN, body_r1,
              (jnp.full((_L,), _NEG, jnp.float32), big,
               jnp.full((_L,), _NEG, jnp.float32), big, idx0))
          e1 = w1 == t1
          i1 = jnp.min(jnp.where(e1, j1, big))
          chosen = e1 & (j1 == i1)
          cand_v = jnp.where(chosen, w2, w1)
          cand_i = jnp.where(chosen, j2, j1)
          v2c = jnp.max(cand_v)
          i2c = jnp.min(jnp.where(cand_v == v2c, cand_i, big))

          t2 = jnp.maximum(v2c, m2)

          c2 = jnp.minimum(c2, jnp.int32(_NCH - 1))
          cbase2 = c2 * _SCH
          jdx0 = lane_f + cbase2.astype(jnp.float32)

          def body_r2(i, carry):
              mn, idx = carry
              for u in range(_AUN):
                  v = buf[0, 0, pl.ds(cbase2 + (i * _AUN + u) * _L, _L)]
                  mn = jnp.minimum(mn, jnp.where(v == t2, idx, big))
                  idx = idx + jnp.float32(_L)
              return mn, idx

          mnv, _y = lax.fori_loop(0, _STEPS // _AUN, body_r2, (big, jdx0))
          j2s = jnp.min(mnv)
          i2 = jnp.minimum(jnp.where(v2c == t2, i2c, jnp.float32(_BIGI)), j2s)

          ssum = jnp.sum(s_l)
          res = jnp.zeros((_L,), jnp.float32)
          for slot, val in ((0, ssum), (1, t1), (2, i1), (3, t2), (4, i2), (5, eos)):
              res = jnp.where(lane == slot, val, res)
          outbuf[pl.ds(r * _L, _L)] = res
          return 0

      lax.fori_loop(0, rpw, row_body, 0)
      pltpu.sync_copy(outbuf, out_hbm.at[pl.ds(base * _L, rpw * _L)])

  return _phase1


_phase1_full = _make_phase1(_B)


def _phase2_body(sums, t1, i1, t2, i2, eosv, msk, asd, out_ref):
    lse = jnp.log(sums[...])
    l1 = t1[...] - lse
    l2 = t2[...] - lse
    le = eosv[...] - lse
    j1 = i1[...]
    j2 = i2[...]
    m = msk[...]
    vf = jnp.float32(_V)

    def col(a, s):
        return a[:, s:s + 1]

    zero = jnp.zeros((_B, 1), jnp.float32)
    ninf = jnp.full((_B, 1), _NEG, jnp.float32)

    flag0 = col(m, 0) > 0.5
    lp0 = jnp.where(flag0, zero, col(l1, 0))
    lp1 = jnp.where(flag0, ninf, col(l2, 0))
    g0 = jnp.where(flag0, col(le, 0), col(l1, 0))
    g1 = jnp.where(flag0, col(le, 0), col(l2, 0))
    g0sum = jnp.where(flag0, zero, g0)
    g1sum = jnp.where(flag0, zero, g1)
    flag = flag0

    for s in range(1, _S):
        c1, c2 = col(l1, s), col(l2, s)
        a1, a2 = col(j1, s), col(j2, s)
        cv = (lp0 + c1, lp0 + c2, lp1 + c1, lp1 + c2)
        ci = (a1, a2, vf + a1, vf + a2)
        cg = (c1, c2, c1, c2)
        bv, bi, bg = cv[0], ci[0], cg[0]
        sv = ninf
        si = jnp.full((_B, 1), jnp.float32(2.0**30))
        sg = zero
        for k in (1, 2, 3):
            cb = (cv[k] > bv) | ((cv[k] == bv) & (ci[k] < bi))
            cs = jnp.logical_not(cb) & ((cv[k] > sv) | ((cv[k] == sv) & (ci[k] < si)))
            sv = jnp.where(cb, bv, jnp.where(cs, cv[k], sv))
            si = jnp.where(cb, bi, jnp.where(cs, ci[k], si))
            sg = jnp.where(cb, bg, jnp.where(cs, cg[k], sg))
            bv = jnp.where(cb, cv[k], bv)
            bi = jnp.where(cb, ci[k], bi)
            bg = jnp.where(cb, cg[k], bg)
        les = col(le, s)
        nlp0 = jnp.where(flag, lp0, bv)
        nlp1 = jnp.where(flag, lp1, sv)
        g0 = jnp.where(flag, les, bg)
        g1 = jnp.where(flag, les, sg)
        ms = col(m, s) > 0.5
        g0sum = g0sum + jnp.where(ms, zero, g0)
        g1sum = g1sum + jnp.where(ms, zero, g1)
        lp0, lp1 = nlp0, nlp1
        flag = ms

    m2 = jnp.maximum(g0sum, g1sum)
    lsum = m2 + jnp.log(jnp.exp(g0sum - m2) + jnp.exp(g1sum - m2))
    n0 = jnp.exp(g0sum - lsum)
    n1 = jnp.exp(g1sum - lsum)
    a = asd[...]
    loss = n0 * a[:, 0:1] + n1 * a[:, 1:2]
    out_ref[...] = jnp.sum(loss * jnp.float32(1.0 / _B), axis=(0, 1), keepdims=True)


def kernel(logit, masks, asd_scores):
    stats = _phase1_full(logit).reshape(_B, _S, _L)
    sums = stats[:, :, 0]
    t1 = stats[:, :, 1]
    i1 = stats[:, :, 2]
    t2 = stats[:, :, 3]
    i2 = stats[:, :, 4]
    eosv = stats[:, :, 5]
    msk = masks.astype(jnp.float32)
    asd = asd_scores.T.astype(jnp.float32)
    out = pl.pallas_call(
        _phase2_body,
        out_shape=jax.ShapeDtypeStruct((1, 1), jnp.float32),
    )(sums, t1, i1, t2, i2, eosv, msk, asd)
    return out[0, 0]

# --- scband reference (transcript-rebuilt; emitter-appended) ---
"""Pipeline reference for scband-seq2seq-masdloss-24730421690616 (READ-ONLY COPY).

The authoritative reference and input builder live on the scoring server;
editing this copy changes nothing except your own understanding.
"""

import jax, jax.numpy as jnp
import numpy as np

BEAM = 2

def mask_finished_scores(score, flag):
    # score: (B, K) float, flag: (B, 1) bool. If finished: col 0 -> 0, cols>0 -> -inf.
    K = score.shape[-1]
    col = jnp.arange(K)[None, :]
    unfinished = flag & (col > 0)
    finished = flag & (col == 0)
    score = jnp.where(unfinished, -jnp.inf, score)
    score = jnp.where(finished, 0.0, score)
    return score

def mask_finished_preds(pred, flag, eos):
    # pred: (B, K) int, flag: (B, 1) bool
    return jnp.where(flag, eos, pred)

def batch_beam_search(logit, beam_size, masks):
    B, S, V = logit.shape
    eos = V - 1
    log_post = jax.nn.log_softmax(logit, axis=-1)
    log_prob, indices = jax.lax.top_k(log_post[:, 0, :], beam_size)
    end_flag = masks[:, 0].reshape(-1, 1)
    log_prob = mask_finished_scores(log_prob, end_flag)
    indices = mask_finished_preds(indices, end_flag, eos)
    indices = indices[..., None]
    for i in range(1, S):
        scores = mask_finished_scores(log_post[:, i, :], end_flag)
        top_k_logp = log_prob[:, :, None] + scores[:, None, :]
        log_prob, top_k_index = jax.lax.top_k(top_k_logp.reshape(B, -1), beam_size)
        index = mask_finished_preds(top_k_index, end_flag, eos)
        indices = jnp.concatenate([indices, index[..., None]], axis=-1)
        end_flag = masks[:, i].reshape(-1, 1)
    indices = jnp.mod(indices, V)
    return jax.lax.stop_gradient(indices), jax.lax.stop_gradient(log_prob)

def beam_search_decoder_mod(logit, beam_size, masks):
    indices, _ = batch_beam_search(logit, beam_size, masks)  # (B, beam, S) int
    log_post = jax.nn.log_softmax(logit, axis=-1)  # (B, S, V)
    # gather per-step token log-probs: (B, S, beam) -> (B, beam, S)
    gathered = jnp.take_along_axis(log_post, jnp.transpose(indices, (0, 2, 1)), axis=2)
    top_k_log_post = jnp.transpose(gathered, (0, 2, 1))
    topk_log_prob = jnp.sum(jnp.where(masks[:, None, :], 0.0, top_k_log_post), axis=-1)  # (B, beam)
    return topk_log_prob.T, jnp.transpose(indices, (1, 0, 2))

def compute_masd_loss_ver2(nbest_log_distribution, asd_scores):
    sum_nbest = jax.nn.logsumexp(nbest_log_distribution, axis=0)
    normal_nbest = jnp.exp(nbest_log_distribution - sum_nbest)
    return jnp.sum(normal_nbest * asd_scores, axis=0)

def setup_inputs(seed: int = 0) -> dict:
    key = jax.random.key(seed)
    k1, k2, k3 = jax.random.split(key, 3)
    B, S, V = 16, 20, 100000
    logit = jax.random.normal(k1, (B, S, V), dtype=jnp.float32)
    lengths = jax.random.randint(k2, (B,), S // 2, S + 1)
    masks = (jnp.arange(S)[None, :] >= lengths[:, None])  # bool (B, S), True = padded/finished
    asd_scores = jax.random.uniform(k3, (BEAM, B), dtype=jnp.float32) * 5.0
    return {"logit": logit, "masks": masks, "asd_scores": asd_scores}

def reference(logit, masks, asd_scores):
    nbest_log_distribution, nbest_pred = beam_search_decoder_mod(logit, BEAM, masks)
    loss = compute_masd_loss_ver2(nbest_log_distribution, asd_scores)
    return jnp.mean(loss)

if __name__ == "__main__":
    import jax
    _d = setup_inputs()
    print(jax.jit(kernel)(*tuple(_d.values())))

</pallas_src>

<mosaic_0001>
#map = affine_map<(d0, d1) -> (0, 0, 0)>
#map1 = affine_map<(d0, d1) -> (0)>
module attributes {stable_mosaic.version = 14 : i64} {
  func.func @_phase1(%arg0: i32, %arg1: i32, %arg2: memref<16x20x100000xf32, #tpu.memory_space<hbm>>, %arg3: memref<5120xf32, #tpu.memory_space<hbm>>, %arg4: memref<1x1x100000xf32, #tpu.memory_space<vmem>>, %arg5: memref<160xf32, #tpu.memory_space<vmem>>) attributes {dimension_semantics = [#tpu.dimension_semantics<core_parallel>, #tpu.dimension_semantics<subcore_parallel>], iteration_bounds = array<i64: 2, 16>, scalar_prefetch = 0 : i64, scratch_operands = 2 : i64, tpu.core_type = #tpu.core_type<sc_vector_subcore>, window_params = [{transform_indices = #map}, {transform_indices = #map1}]} {
    %mul3A = arith.constant 2 : i32
    %mul3A_0 = arith.muli %arg1, %mul3A : i32
    %add3A = arith.addi %mul3A_0, %arg0 : i32
    %mul3A_1 = arith.constant 10 : i32
    %mul3A_2 = arith.muli %add3A, %mul3A_1 : i32
    %iota3A = tpu.iota {dimensions = array<i32: 0>} : vector<16xi32>
    %convert_element_type3A = arith.sitofp %iota3A : vector<16xi32> to vector<16xf32>
    %scan3A = arith.constant 0 : i32
    %scan3A_3 = arith.constant 0 : i32
    %scan3A_4 = arith.constant 10 : i32
    %scan3A_5 = arith.addi %scan3A_3, %scan3A_4 : i32
    %scan3A_6 = arith.constant 1 : i32
    %scan3A_7 = scf.for %scan3A_11 = %scan3A_3 to %scan3A_5 step %scan3A_6 iter_args(%scan3A_12 = %scan3A) -> (i32)  : i32 {
      %add3A_13 = arith.addi %mul3A_2, %scan3A_11 : i32
      %jit3A = arith.constant 20 : i32
      %div3A = arith.divsi %add3A_13, %jit3A : i32
      %sign3A = arith.constant 0 : i32
      %sign3A_14 = arith.cmpi sgt, %add3A_13, %sign3A : i32
      %sign3A_15 = arith.extui %sign3A_14 : i1 to i32
      %sign3A_16 = arith.constant 0 : i32
      %sign3A_17 = arith.cmpi slt, %add3A_13, %sign3A_16 : i32
      %sign3A_18 = arith.extui %sign3A_17 : i1 to i32
      %sign3A_19 = arith.subi %sign3A_15, %sign3A_18 : i32
      %sign3A_20 = arith.constant 0 : i32
      %sign3A_21 = arith.cmpi sgt, %jit3A, %sign3A_20 : i32
      %sign3A_22 = arith.extui %sign3A_21 : i1 to i32
      %sign3A_23 = arith.constant 0 : i32
      %sign3A_24 = arith.cmpi slt, %jit3A, %sign3A_23 : i32
      %sign3A_25 = arith.extui %sign3A_24 : i1 to i32
      %sign3A_26 = arith.subi %sign3A_22, %sign3A_25 : i32
      %ne3A = arith.cmpi ne, %sign3A_19, %sign3A_26 : i32
      %rem3A = arith.remsi %add3A_13, %jit3A : i32
      %ne3A_27 = arith.constant 0 : i32
      %ne3A_28 = arith.cmpi ne, %rem3A, %ne3A_27 : i32
      %and3A = arith.andi %ne3A, %ne3A_28 : i1
      %sub3A = arith.constant 1 : i32
      %sub3A_29 = arith.subi %div3A, %sub3A : i32
      %select_n3A = arith.select %and3A, %sub3A_29, %div3A : i32
      %jit3A_30 = arith.constant 20 : i32
      %eq3A = arith.constant 0 : i32
      %eq3A_31 = arith.cmpi eq, %jit3A_30, %eq3A : i32
      %jit3A_32 = arith.constant 1 : i32
      %select_n3A_33 = arith.select %eq3A_31, %jit3A_32, %jit3A_30 : i32
      %rem3A_34 = arith.remsi %add3A_13, %select_n3A_33 : i32
      %ne3A_35 = arith.constant 0 : i32
      %ne3A_36 = arith.cmpi ne, %rem3A_34, %ne3A_35 : i32
      %lt3A = arith.constant 0 : i32
      %lt3A_37 = arith.cmpi slt, %rem3A_34, %lt3A : i32
      %lt3A_38 = arith.constant 0 : i32
      %lt3A_39 = arith.cmpi slt, %select_n3A_33, %lt3A_38 : i32
      %ne3A_40 = arith.xori %lt3A_37, %lt3A_39 : i1
      %and3A_41 = arith.andi %ne3A_40, %ne3A_36 : i1
      %add3A_42 = arith.addi %rem3A_34, %select_n3A_33 : i32
      %select_n3A_43 = arith.select %and3A_41, %add3A_42, %rem3A_34 : i32
      "tpu.region"() ({
        %run_scoped3A = tpu.sem_alloc : memref<!tpu.dma_semaphore, #tpu.memory_space<semaphore_mem>>
        %dma_start3A = arith.constant 0 : i32
        %dma_start3A_159 = tpu.memref_slice %arg2[%select_n3A, %select_n3A_43, %dma_start3A] : memref<16x20x100000xf32, #tpu.memory_space<hbm>> -> memref<1x1x100000xf32, #tpu.memory_space<hbm>>
        %dma_start3A_160 = arith.constant 0 : i32
        %dma_start3A_161 = tpu.memref_slice %arg2[%select_n3A, %select_n3A_43, %dma_start3A_160] : memref<16x20x100000xf32, #tpu.memory_space<hbm>> -> memref<1x1x100000xf32, #tpu.memory_space<hbm>>
        tpu.enqueue_dma source(%dma_start3A_161 : memref<1x1x100000xf32, #tpu.memory_space<hbm>>) target(%arg4 : memref<1x1x100000xf32, #tpu.memory_space<vmem>>) target_semaphore(%run_scoped3A : memref<!tpu.dma_semaphore, #tpu.memory_space<semaphore_mem>>)
        %dma_wait3A = arith.constant 0 : i32
        %dma_wait3A_162 = tpu.memref_slice %arg2[%select_n3A, %select_n3A_43, %dma_wait3A] : memref<16x20x100000xf32, #tpu.memory_space<hbm>> -> memref<1x1x100000xf32, #tpu.memory_space<hbm>>
        %dma_wait3A_163 = arith.constant 0 : i32
        %dma_wait3A_164 = tpu.memref_slice %arg2[%select_n3A, %select_n3A_43, %dma_wait3A_163] : memref<16x20x100000xf32, #tpu.memory_space<hbm>> -> memref<1x1x100000xf32, #tpu.memory_space<hbm>>
        tpu.wait_dma2 semaphore(%run_scoped3A : memref<!tpu.dma_semaphore, #tpu.memory_space<semaphore_mem>>) src(%dma_wait3A_164 : memref<1x1x100000xf32, #tpu.memory_space<hbm>>) dst(%arg4 : memref<1x1x100000xf32, #tpu.memory_space<vmem>>)
        tpu.yield
      }) : () -> ()
      %broadcast_in_dim3A = arith.constant 0.000000e+00 : f32
      %broadcast_in_dim3A_44 = vector.broadcast %broadcast_in_dim3A : f32 to vector<16xf32>
      %scan3A_45 = arith.constant 0xFF800000 : f32
      %scan3A_46 = arith.constant 25 : i32
      %scan3A_47 = arith.constant 0xFF800000 : f32
      %scan3A_48 = arith.constant 25 : i32
      %scan3A_49 = arith.constant 0 : i32
      %scan3A_50 = arith.constant 25 : i32
      %scan3A_51 = arith.addi %scan3A_49, %scan3A_50 : i32
      %scan3A_52 = arith.constant 1 : i32
      %scan3A_53:5 = scf.for %scan3A_159 = %scan3A_49 to %scan3A_51 step %scan3A_52 iter_args(%scan3A_160 = %broadcast_in_dim3A_44, %scan3A_161 = %scan3A_45, %scan3A_162 = %scan3A_46, %scan3A_163 = %scan3A_47, %scan3A_164 = %scan3A_48) -> (vector<16xf32>, f32, i32, f32, i32)  : i32 {
        %broadcast_in_dim3A_165 = arith.constant 0xFF800000 : f32
        %broadcast_in_dim3A_166 = vector.broadcast %broadcast_in_dim3A_165 : f32 to vector<16xf32>
        %scan3A_167 = arith.constant 0 : i32
        %scan3A_168 = arith.constant 25 : i32
        %scan3A_169 = arith.addi %scan3A_167, %scan3A_168 : i32
        %scan3A_170 = arith.constant 1 : i32
        %scan3A_171:2 = scf.for %scan3A_187 = %scan3A_167 to %scan3A_169 step %scan3A_170 iter_args(%scan3A_188 = %scan3A_160, %scan3A_189 = %broadcast_in_dim3A_166) -> (vector<16xf32>, vector<16xf32>)  : i32 {
          %mul3A_190 = arith.constant 4000 : i32
          %mul3A_191 = arith.muli %scan3A_159, %mul3A_190 : i32
          %mul3A_192 = arith.constant 10 : i32
          %mul3A_193 = arith.muli %scan3A_187, %mul3A_192 : i32
          %add3A_194 = arith.constant 0 : i32
          %add3A_195 = arith.addi %mul3A_193, %add3A_194 : i32
          %mul3A_196 = arith.constant 16 : i32
          %mul3A_197 = arith.muli %add3A_195, %mul3A_196 : i32
          %add3A_198 = arith.addi %mul3A_191, %mul3A_197 : i32
          %get3A_199 = arith.constant 0 : i32
          %get3A_200 = arith.constant 0 : i32
          %get3A_201 = arith.index_cast %get3A_199 : i32 to index
          %get3A_202 = arith.index_cast %get3A_200 : i32 to index
          %get3A_203 = arith.index_cast %add3A_198 : i32 to index
          %get3A_204 = tpu.vector_load %arg4[%get3A_201, %get3A_202, %get3A_203] {strides = array<i32>} : memref<1x1x100000xf32, #tpu.memory_space<vmem>>, vector<16xf32>,
          %exp3A = math.exp %get3A_204 : vector<16xf32>
          %add3A_205 = arith.addf %scan3A_188, %exp3A : vector<16xf32>
          %max3A_206 = arith.maximumf %scan3A_189, %get3A_204 : vector<16xf32>
          %mul3A_207 = arith.constant 4000 : i32
          %mul3A_208 = arith.muli %scan3A_159, %mul3A_207 : i32
          %mul3A_209 = arith.constant 10 : i32
          %mul3A_210 = arith.muli %scan3A_187, %mul3A_209 : i32
          %add3A_211 = arith.constant 1 : i32
          %add3A_212 = arith.addi %mul3A_210, %add3A_211 : i32
          %mul3A_213 = arith.constant 16 : i32
          %mul3A_214 = arith.muli %add3A_212, %mul3A_213 : i32
          %add3A_215 = arith.addi %mul3A_208, %mul3A_214 : i32
          %get3A_216 = arith.constant 0 : i32
          %get3A_217 = arith.constant 0 : i32
          %get3A_218 = arith.index_cast %get3A_216 : i32 to index
          %get3A_219 = arith.index_cast %get3A_217 : i32 to index
          %get3A_220 = arith.index_cast %add3A_215 : i32 to index
          %get3A_221 = tpu.vector_load %arg4[%get3A_218, %get3A_219, %get3A_220] {strides = array<i32>} : memref<1x1x100000xf32, #tpu.memory_space<vmem>>, vector<16xf32>,
          %exp3A_222 = math.exp %get3A_221 : vector<16xf32>
          %add3A_223 = arith.addf %add3A_205, %exp3A_222 : vector<16xf32>
          %max3A_224 = arith.maximumf %max3A_206, %get3A_221 : vector<16xf32>
          %mul3A_225 = arith.constant 4000 : i32
          %mul3A_226 = arith.muli %scan3A_159, %mul3A_225 : i32
          %mul3A_227 = arith.constant 10 : i32
          %mul3A_228 = arith.muli %scan3A_187, %mul3A_227 : i32
          %add3A_229 = arith.constant 2 : i32
          %add3A_230 = arith.addi %mul3A_228, %add3A_229 : i32
          %mul3A_231 = arith.constant 16 : i32
          %mul3A_232 = arith.muli %add3A_230, %mul3A_231 : i32
          %add3A_233 = arith.addi %mul3A_226, %mul3A_232 : i32
          %get3A_234 = arith.constant 0 : i32
          %get3A_235 = arith.constant 0 : i32
          %get3A_236 = arith.index_cast %get3A_234 : i32 to index
          %get3A_237 = arith.index_cast %get3A_235 : i32 to index
          %get3A_238 = arith.index_cast %add3A_233 : i32 to index
          %get3A_239 = tpu.vector_load %arg4[%get3A_236, %get3A_237, %get3A_238] {strides = array<i32>} : memref<1x1x100000xf32, #tpu.memory_space<vmem>>, vector<16xf32>,
          %exp3A_240 = math.exp %get3A_239 : vector<16xf32>
          %add3A_241 = arith.addf %add3A_223, %exp3A_240 : vector<16xf32>
          %max3A_242 = arith.maximumf %max3A_224, %get3A_239 : vector<16xf32>
          %mul3A_243 = arith.constant 4000 : i32
          %mul3A_244 = arith.muli %scan3A_159, %mul3A_243 : i32
          %mul3A_245 = arith.constant 10 : i32
          %mul3A_246 = arith.muli %scan3A_187, %mul3A_245 : i32
          %add3A_247 = arith.constant 3 : i32
          %add3A_248 = arith.addi %mul3A_246, %add3A_247 : i32
          %mul3A_249 = arith.constant 16 : i32
          %mul3A_250 = arith.muli %add3A_248, %mul3A_249 : i32
          %add3A_251 = arith.addi %mul3A_244, %mul3A_250 : i32
          %get3A_252 = arith.constant 0 : i32
          %get3A_253 = arith.constant 0 : i32
          %get3A_254 = arith.index_cast %get3A_252 : i32 to index
          %get3A_255 = arith.index_cast %get3A_253 : i32 to index
          %get3A_256 = arith.index_cast %add3A_251 : i32 to index
          %get3A_257 = tpu.vector_load %arg4[%get3A_254, %get3A_255, %get3A_256] {strides = array<i32>} : memref<1x1x100000xf32, #tpu.memory_space<vmem>>, vector<16xf32>,
          %exp3A_258 = math.exp %get3A_257 : vector<16xf32>
          %add3A_259 = arith.addf %add3A_241, %exp3A_258 : vector<16xf32>
          %max3A_260 = arith.maximumf %max3A_242, %get3A_257 : vector<16xf32>
          %mul3A_261 = arith.constant 4000 : i32
          %mul3A_262 = arith.muli %scan3A_159, %mul3A_261 : i32
          %mul3A_263 = arith.constant 10 : i32
          %mul3A_264 = arith.muli %scan3A_187, %mul3A_263 : i32
          %add3A_265 = arith.constant 4 : i32
          %add3A_266 = arith.addi %mul3A_264, %add3A_265 : i32
          %mul3A_267 = arith.constant 16 : i32
          %mul3A_268 = arith.muli %add3A_266, %mul3A_267 : i32
          %add3A_269 = arith.addi %mul3A_262, %mul3A_268 : i32
          %get3A_270 = arith.constant 0 : i32
          %get3A_271 = arith.constant 0 : i32
          %get3A_272 = arith.index_cast %get3A_270 : i32 to index
          %get3A_273 = arith.index_cast %get3A_271 : i32 to index
          %get3A_274 = arith.index_cast %add3A_269 : i32 to index
          %get3A_275 = tpu.vector_load %arg4[%get3A_272, %get3A_273, %get3A_274] {strides = array<i32>} : memref<1x1x100000xf32, #tpu.memory_space<vmem>>, vector<16xf32>,
          %exp3A_276 = math.exp %get3A_275 : vector<16xf32>
          %add3A_277 = arith.addf %add3A_259, %exp3A_276 : vector<16xf32>
          %max3A_278 = arith.maximumf %max3A_260, %get3A_275 : vector<16xf32>
          %mul3A_279 = arith.constant 4000 : i32
          %mul3A_280 = arith.muli %scan3A_159, %mul3A_279 : i32
          %mul3A_281 = arith.constant 10 : i32
          %mul3A_282 = arith.muli %scan3A_187, %mul3A_281 : i32
          %add3A_283 = arith.constant 5 : i32
          %add3A_284 = arith.addi %mul3A_282, %add3A_283 : i32
          %mul3A_285 = arith.constant 16 : i32
          %mul3A_286 = arith.muli %add3A_284, %mul3A_285 : i32
          %add3A_287 = arith.addi %mul3A_280, %mul3A_286 : i32
          %get3A_288 = arith.constant 0 : i32
          %get3A_289 = arith.constant 0 : i32
          %get3A_290 = arith.index_cast %get3A_288 : i32 to index
          %get3A_291 = arith.index_cast %get3A_289 : i32 to index
          %get3A_292 = arith.index_cast %add3A_287 : i32 to index
          %get3A_293 = tpu.vector_load %arg4[%get3A_290, %get3A_291, %get3A_292] {strides = array<i32>} : memref<1x1x100000xf32, #tpu.memory_space<vmem>>, vector<16xf32>,
          %exp3A_294 = math.exp %get3A_293 : vector<16xf32>
          %add3A_295 = arith.addf %add3A_277, %exp3A_294 : vector<16xf32>
          %max3A_296 = arith.maximumf %max3A_278, %get3A_293 : vector<16xf32>
          %mul3A_297 = arith.constant 4000 : i32
          %mul3A_298 = arith.muli %scan3A_159, %mul3A_297 : i32
          %mul3A_299 = arith.constant 10 : i32
          %mul3A_300 = arith.muli %scan3A_187, %mul3A_299 : i32
          %add3A_301 = arith.constant 6 : i32
          %add3A_302 = arith.addi %mul3A_300, %add3A_301 : i32
          %mul3A_303 = arith.constant 16 : i32
          %mul3A_304 = arith.muli %add3A_302, %mul3A_303 : i32
          %add3A_305 = arith.addi %mul3A_298, %mul3A_304 : i32
          %get3A_306 = arith.constant 0 : i32
          %get3A_307 = arith.constant 0 : i32
          %get3A_308 = arith.index_cast %get3A_306 : i32 to index
          %get3A_309 = arith.index_cast %get3A_307 : i32 to index
          %get3A_310 = arith.index_cast %add3A_305 : i32 to index
          %get3A_311 = tpu.vector_load %arg4[%get3A_308, %get3A_309, %get3A_310] {strides = array<i32>} : memref<1x1x100000xf32, #tpu.memory_space<vmem>>, vector<16xf32>,
          %exp3A_312 = math.exp %get3A_311 : vector<16xf32>
          %add3A_313 = arith.addf %add3A_295, %exp3A_312 : vector<16xf32>
          %max3A_314 = arith.maximumf %max3A_296, %get3A_311 : vector<16xf32>
          %mul3A_315 = arith.constant 4000 : i32
          %mul3A_316 = arith.muli %scan3A_159, %mul3A_315 : i32
          %mul3A_317 = arith.constant 10 : i32
          %mul3A_318 = arith.muli %scan3A_187, %mul3A_317 : i32
          %add3A_319 = arith.constant 7 : i32
          %add3A_320 = arith.addi %mul3A_318, %add3A_319 : i32
          %mul3A_321 = arith.constant 16 : i32
          %mul3A_322 = arith.muli %add3A_320, %mul3A_321 : i32
          %add3A_323 = arith.addi %mul3A_316, %mul3A_322 : i32
          %get3A_324 = arith.constant 0 : i32
          %get3A_325 = arith.constant 0 : i32
          %get3A_326 = arith.index_cast %get3A_324 : i32 to index
          %get3A_327 = arith.index_cast %get3A_325 : i32 to index
          %get3A_328 = arith.index_cast %add3A_323 : i32 to index
          %get3A_329 = tpu.vector_load %arg4[%get3A_326, %get3A_327, %get3A_328] {strides = array<i32>} : memref<1x1x100000xf32, #tpu.memory_space<vmem>>, vector<16xf32>,
          %exp3A_330 = math.exp %get3A_329 : vector<16xf32>
          %add3A_331 = arith.addf %add3A_313, %exp3A_330 : vector<16xf32>
          %max3A_332 = arith.maximumf %max3A_314, %get3A_329 : vector<16xf32>
          %mul3A_333 = arith.constant 4000 : i32
          %mul3A_334 = arith.muli %scan3A_159, %mul3A_333 : i32
          %mul3A_335 = arith.constant 10 : i32
          %mul3A_336 = arith.muli %scan3A_187, %mul3A_335 : i32
          %add3A_337 = arith.constant 8 : i32
          %add3A_338 = arith.addi %mul3A_336, %add3A_337 : i32
          %mul3A_339 = arith.constant 16 : i32
          %mul3A_340 = arith.muli %add3A_338, %mul3A_339 : i32
          %add3A_341 = arith.addi %mul3A_334, %mul3A_340 : i32
          %get3A_342 = arith.constant 0 : i32
          %get3A_343 = arith.constant 0 : i32
          %get3A_344 = arith.index_cast %get3A_342 : i32 to index
          %get3A_345 = arith.index_cast %get3A_343 : i32 to index
          %get3A_346 = arith.index_cast %add3A_341 : i32 to index
          %get3A_347 = tpu.vector_load %arg4[%get3A_344, %get3A_345, %get3A_346] {strides = array<i32>} : memref<1x1x100000xf32, #tpu.memory_space<vmem>>, vector<16xf32>,
          %exp3A_348 = math.exp %get3A_347 : vector<16xf32>
          %add3A_349 = arith.addf %add3A_331, %exp3A_348 : vector<16xf32>
          %max3A_350 = arith.maximumf %max3A_332, %get3A_347 : vector<16xf32>
          %mul3A_351 = arith.constant 4000 : i32
          %mul3A_352 = arith.muli %scan3A_159, %mul3A_351 : i32
          %mul3A_353 = arith.constant 10 : i32
          %mul3A_354 = arith.muli %scan3A_187, %mul3A_353 : i32
          %add3A_355 = arith.constant 9 : i32
          %add3A_356 = arith.addi %mul3A_354, %add3A_355 : i32
          %mul3A_357 = arith.constant 16 : i32
          %mul3A_358 = arith.muli %add3A_356, %mul3A_357 : i32
          %add3A_359 = arith.addi %mul3A_352, %mul3A_358 : i32
          %get3A_360 = arith.constant 0 : i32
          %get3A_361 = arith.constant 0 : i32
          %get3A_362 = arith.index_cast %get3A_360 : i32 to index
          %get3A_363 = arith.index_cast %get3A_361 : i32 to index
          %get3A_364 = arith.index_cast %add3A_359 : i32 to index
          %get3A_365 = tpu.vector_load %arg4[%get3A_362, %get3A_363, %get3A_364] {strides = array<i32>} : memref<1x1x100000xf32, #tpu.memory_space<vmem>>, vector<16xf32>,
          %exp3A_366 = math.exp %get3A_365 : vector<16xf32>
          %add3A_367 = arith.addf %add3A_349, %exp3A_366 : vector<16xf32>
          %max3A_368 = arith.maximumf %max3A_350, %get3A_365 : vector<16xf32>
          scf.yield %add3A_367, %max3A_368 : vector<16xf32>, vector<16xf32>
        }
        %scan3A_172 = arith.constant 25 : i32
        %reduce_max3A_173 = arith.constant true
        %reduce_max3A_174 = vector.broadcast %reduce_max3A_173 : i1 to vector<16xi1>
        %reduce_max3A_175 = tpu.scan <max>, %scan3A_171#1 masked %reduce_max3A_174 : vector<16xf32>, vector<16xi1> -> vector<16xf32>
        %reduce_max3A_176 = vector.extract %reduce_max3A_175[15] : f32 from vector<16xf32>
        %gt3A = arith.cmpf ogt, %reduce_max3A_176, %scan3A_161 : f32
        %select_n3A_177 = arith.select %gt3A, %scan3A_161, %reduce_max3A_176 : f32
        %select_n3A_178 = arith.select %gt3A, %scan3A_162, %scan3A_159 : i32
        %select_n3A_179 = arith.select %gt3A, %reduce_max3A_176, %scan3A_161 : f32
        %select_n3A_180 = arith.select %gt3A, %scan3A_159, %scan3A_162 : i32
        %gt3A_181 = arith.cmpf ogt, %select_n3A_177, %scan3A_163 : f32
        %eq3A_182 = arith.cmpf oeq, %select_n3A_177, %scan3A_163 : f32
        %lt3A_183 = arith.cmpi slt, %select_n3A_178, %scan3A_164 : i32
        %and3A_184 = arith.andi %eq3A_182, %lt3A_183 : i1
        %or3A = arith.ori %gt3A_181, %and3A_184 : i1
        %select_n3A_185 = arith.select %or3A, %select_n3A_177, %scan3A_163 : f32
        %select_n3A_186 = arith.select %or3A, %select_n3A_178, %scan3A_164 : i32
        scf.yield %scan3A_171#0, %select_n3A_179, %select_n3A_180, %select_n3A_185, %select_n3A_186 : vector<16xf32>, f32, i32, f32, i32
      }
      %scan3A_54 = arith.constant 25 : i32
      %get3A = arith.constant 0 : i32
      %get3A_55 = arith.constant 0 : i32
      %get3A_56 = arith.index_cast %get3A : i32 to index
      %get3A_57 = arith.index_cast %get3A_55 : i32 to index
      %get3A_58 = arith.constant 99984 : index
      %get3A_59 = tpu.vector_load %arg4[%get3A_56, %get3A_57, %get3A_58] {strides = array<i32>} : memref<1x1x100000xf32, #tpu.memory_space<vmem>>, vector<16xf32>,
      %slice3A = vector.extract_strided_slice %get3A_59 {offsets = [15], sizes = [1], strides = [1]} : vector<16xf32> to vector<1xf32>
      %squeeze3A = vector.extract %slice3A[0] : f32 from vector<1xf32>
      %min3A = arith.constant 24 : i32
      %min3A_60 = arith.minsi %scan3A_53#2, %min3A : i32
      %mul3A_61 = arith.constant 4000 : i32
      %mul3A_62 = arith.muli %min3A_60, %mul3A_61 : i32
      %convert_element_type3A_63 = arith.sitofp %mul3A_62 : i32 to f32
      %add3A_64 = vector.broadcast %convert_element_type3A_63 : f32 to vector<16xf32>
      %add3A_65 = arith.addf %convert_element_type3A, %add3A_64 : vector<16xf32>
      %broadcast_in_dim3A_66 = arith.constant 1.07374182E+9 : f32
      %broadcast_in_dim3A_67 = vector.broadcast %broadcast_in_dim3A_66 : f32 to vector<16xf32>
      %broadcast_in_dim3A_68 = arith.constant 0xFF800000 : f32
      %broadcast_in_dim3A_69 = vector.broadcast %broadcast_in_dim3A_68 : f32 to vector<16xf32>
      %broadcast_in_dim3A_70 = arith.constant 0xFF800000 : f32
      %broadcast_in_dim3A_71 = vector.broadcast %broadcast_in_dim3A_70 : f32 to vector<16xf32>
      %scan3A_72 = arith.constant 0 : i32
      %scan3A_73 = arith.constant 25 : i32
      %scan3A_74 = arith.addi %scan3A_72, %scan3A_73 : i32
      %scan3A_75 = arith.constant 1 : i32
      %scan3A_76:5 = scf.for %scan3A_159 = %scan3A_72 to %scan3A_74 step %scan3A_75 iter_args(%scan3A_160 = %broadcast_in_dim3A_69, %scan3A_161 = %broadcast_in_dim3A_67, %scan3A_162 = %broadcast_in_dim3A_71, %scan3A_163 = %broadcast_in_dim3A_67, %scan3A_164 = %add3A_65) -> (vector<16xf32>, vector<16xf32>, vector<16xf32>, vector<16xf32>, vector<16xf32>)  : i32 {
        %mul3A_165 = arith.constant 10 : i32
        %mul3A_166 = arith.muli %scan3A_159, %mul3A_165 : i32
        %add3A_167 = arith.constant 0 : i32
        %add3A_168 = arith.addi %mul3A_166, %add3A_167 : i32
        %mul3A_169 = arith.constant 16 : i32
        %mul3A_170 = arith.muli %add3A_168, %mul3A_169 : i32
        %add3A_171 = arith.addi %mul3A_62, %mul3A_170 : i32
        %get3A_172 = arith.constant 0 : i32
        %get3A_173 = arith.constant 0 : i32
        %get3A_174 = arith.index_cast %get3A_172 : i32 to index
        %get3A_175 = arith.index_cast %get3A_173 : i32 to index
        %get3A_176 = arith.index_cast %add3A_171 : i32 to index
        %get3A_177 = tpu.vector_load %arg4[%get3A_174, %get3A_175, %get3A_176] {strides = array<i32>} : memref<1x1x100000xf32, #tpu.memory_space<vmem>>, vector<16xf32>,
        %gt3A = arith.cmpf ogt, %get3A_177, %scan3A_160 : vector<16xf32>
        %select_n3A_178 = arith.select %gt3A, %scan3A_160, %get3A_177 : vector<16xi1>, vector<16xf32>
        %select_n3A_179 = arith.select %gt3A, %scan3A_161, %scan3A_164 : vector<16xi1>, vector<16xf32>
        %select_n3A_180 = arith.select %gt3A, %get3A_177, %scan3A_160 : vector<16xi1>, vector<16xf32>
        %select_n3A_181 = arith.select %gt3A, %scan3A_164, %scan3A_161 : vector<16xi1>, vector<16xf32>
        %gt3A_182 = arith.cmpf ogt, %select_n3A_178, %scan3A_162 : vector<16xf32>
        %eq3A_183 = arith.cmpf oeq, %select_n3A_178, %scan3A_162 : vector<16xf32>
        %lt3A_184 = arith.cmpf olt, %select_n3A_179, %scan3A_163 : vector<16xf32>
        %and3A_185 = arith.andi %eq3A_183, %lt3A_184 : vector<16xi1>
        %or3A = arith.ori %gt3A_182, %and3A_185 : vector<16xi1>
        %select_n3A_186 = arith.select %or3A, %select_n3A_178, %scan3A_162 : vector<16xi1>, vector<16xf32>
        %select_n3A_187 = arith.select %or3A, %select_n3A_179, %scan3A_163 : vector<16xi1>, vector<16xf32>
        %add3A_188 = arith.constant 1.600000e+01 : f32
        %add3A_189 = vector.broadcast %add3A_188 : f32 to vector<16xf32>
        %add3A_190 = arith.addf %scan3A_164, %add3A_189 : vector<16xf32>
        %mul3A_191 = arith.constant 10 : i32
        %mul3A_192 = arith.muli %scan3A_159, %mul3A_191 : i32
        %add3A_193 = arith.constant 1 : i32
        %add3A_194 = arith.addi %mul3A_192, %add3A_193 : i32
        %mul3A_195 = arith.constant 16 : i32
        %mul3A_196 = arith.muli %add3A_194, %mul3A_195 : i32
        %add3A_197 = arith.addi %mul3A_62, %mul3A_196 : i32
        %get3A_198 = arith.constant 0 : i32
        %get3A_199 = arith.constant 0 : i32
        %get3A_200 = arith.index_cast %get3A_198 : i32 to index
        %get3A_201 = arith.index_cast %get3A_199 : i32 to index
        %get3A_202 = arith.index_cast %add3A_197 : i32 to index
        %get3A_203 = tpu.vector_load %arg4[%get3A_200, %get3A_201, %get3A_202] {strides = array<i32>} : memref<1x1x100000xf32, #tpu.memory_space<vmem>>, vector<16xf32>,
        %gt3A_204 = arith.cmpf ogt, %get3A_203, %select_n3A_180 : vector<16xf32>
        %select_n3A_205 = arith.select %gt3A_204, %select_n3A_180, %get3A_203 : vector<16xi1>, vector<16xf32>
        %select_n3A_206 = arith.select %gt3A_204, %select_n3A_181, %add3A_190 : vector<16xi1>, vector<16xf32>
        %select_n3A_207 = arith.select %gt3A_204, %get3A_203, %select_n3A_180 : vector<16xi1>, vector<16xf32>
        %select_n3A_208 = arith.select %gt3A_204, %add3A_190, %select_n3A_181 : vector<16xi1>, vector<16xf32>
        %gt3A_209 = arith.cmpf ogt, %select_n3A_205, %select_n3A_186 : vector<16xf32>
        %eq3A_210 = arith.cmpf oeq, %select_n3A_205, %select_n3A_186 : vector<16xf32>
        %lt3A_211 = arith.cmpf olt, %select_n3A_206, %select_n3A_187 : vector<16xf32>
        %and3A_212 = arith.andi %eq3A_210, %lt3A_211 : vector<16xi1>
        %or3A_213 = arith.ori %gt3A_209, %and3A_212 : vector<16xi1>
        %select_n3A_214 = arith.select %or3A_213, %select_n3A_205, %select_n3A_186 : vector<16xi1>, vector<16xf32>
        %select_n3A_215 = arith.select %or3A_213, %select_n3A_206, %select_n3A_187 : vector<16xi1>, vector<16xf32>
        %add3A_216 = arith.constant 1.600000e+01 : f32
        %add3A_217 = vector.broadcast %add3A_216 : f32 to vector<16xf32>
        %add3A_218 = arith.addf %add3A_190, %add3A_217 : vector<16xf32>
        %mul3A_219 = arith.constant 10 : i32
        %mul3A_220 = arith.muli %scan3A_159, %mul3A_219 : i32
        %add3A_221 = arith.constant 2 : i32
        %add3A_222 = arith.addi %mul3A_220, %add3A_221 : i32
        %mul3A_223 = arith.constant 16 : i32
        %mul3A_224 = arith.muli %add3A_222, %mul3A_223 : i32
        %add3A_225 = arith.addi %mul3A_62, %mul3A_224 : i32
        %get3A_226 = arith.constant 0 : i32
        %get3A_227 = arith.constant 0 : i32
        %get3A_228 = arith.index_cast %get3A_226 : i32 to index
        %get3A_229 = arith.index_cast %get3A_227 : i32 to index
        %get3A_230 = arith.index_cast %add3A_225 : i32 to index
        %get3A_231 = tpu.vector_load %arg4[%get3A_228, %get3A_229, %get3A_230] {strides = array<i32>} : memref<1x1x100000xf32, #tpu.memory_space<vmem>>, vector<16xf32>,
        %gt3A_232 = arith.cmpf ogt, %get3A_231, %select_n3A_207 : vector<16xf32>
        %select_n3A_233 = arith.select %gt3A_232, %select_n3A_207, %get3A_231 : vector<16xi1>, vector<16xf32>
        %select_n3A_234 = arith.select %gt3A_232, %select_n3A_208, %add3A_218 : vector<16xi1>, vector<16xf32>
        %select_n3A_235 = arith.select %gt3A_232, %get3A_231, %select_n3A_207 : vector<16xi1>, vector<16xf32>
        %select_n3A_236 = arith.select %gt3A_232, %add3A_218, %select_n3A_208 : vector<16xi1>, vector<16xf32>
        %gt3A_237 = arith.cmpf ogt, %select_n3A_233, %select_n3A_214 : vector<16xf32>
        %eq3A_238 = arith.cmpf oeq, %select_n3A_233, %select_n3A_214 : vector<16xf32>
        %lt3A_239 = arith.cmpf olt, %select_n3A_234, %select_n3A_215 : vector<16xf32>
        %and3A_240 = arith.andi %eq3A_238, %lt3A_239 : vector<16xi1>
        %or3A_241 = arith.ori %gt3A_237, %and3A_240 : vector<16xi1>
        %select_n3A_242 = arith.select %or3A_241, %select_n3A_233, %select_n3A_214 : vector<16xi1>, vector<16xf32>
        %select_n3A_243 = arith.select %or3A_241, %select_n3A_234, %select_n3A_215 : vector<16xi1>, vector<16xf32>
        %add3A_244 = arith.constant 1.600000e+01 : f32
        %add3A_245 = vector.broadcast %add3A_244 : f32 to vector<16xf32>
        %add3A_246 = arith.addf %add3A_218, %add3A_245 : vector<16xf32>
        %mul3A_247 = arith.constant 10 : i32
        %mul3A_248 = arith.muli %scan3A_159, %mul3A_247 : i32
        %add3A_249 = arith.constant 3 : i32
        %add3A_250 = arith.addi %mul3A_248, %add3A_249 : i32
        %mul3A_251 = arith.constant 16 : i32
        %mul3A_252 = arith.muli %add3A_250, %mul3A_251 : i32
        %add3A_253 = arith.addi %mul3A_62, %mul3A_252 : i32
        %get3A_254 = arith.constant 0 : i32
        %get3A_255 = arith.constant 0 : i32
        %get3A_256 = arith.index_cast %get3A_254 : i32 to index
        %get3A_257 = arith.index_cast %get3A_255 : i32 to index
        %get3A_258 = arith.index_cast %add3A_253 : i32 to index
        %get3A_259 = tpu.vector_load %arg4[%get3A_256, %get3A_257, %get3A_258] {strides = array<i32>} : memref<1x1x100000xf32, #tpu.memory_space<vmem>>, vector<16xf32>,
        %gt3A_260 = arith.cmpf ogt, %get3A_259, %select_n3A_235 : vector<16xf32>
        %select_n3A_261 = arith.select %gt3A_260, %select_n3A_235, %get3A_259 : vector<16xi1>, vector<16xf32>
        %select_n3A_262 = arith.select %gt3A_260, %select_n3A_236, %add3A_246 : vector<16xi1>, vector<16xf32>
        %select_n3A_263 = arith.select %gt3A_260, %get3A_259, %select_n3A_235 : vector<16xi1>, vector<16xf32>
        %select_n3A_264 = arith.select %gt3A_260, %add3A_246, %select_n3A_236 : vector<16xi1>, vector<16xf32>
        %gt3A_265 = arith.cmpf ogt, %select_n3A_261, %select_n3A_242 : vector<16xf32>
        %eq3A_266 = arith.cmpf oeq, %select_n3A_261, %select_n3A_242 : vector<16xf32>
        %lt3A_267 = arith.cmpf olt, %select_n3A_262, %select_n3A_243 : vector<16xf32>
        %and3A_268 = arith.andi %eq3A_266, %lt3A_267 : vector<16xi1>
        %or3A_269 = arith.ori %gt3A_265, %and3A_268 : vector<16xi1>
        %select_n3A_270 = arith.select %or3A_269, %select_n3A_261, %select_n3A_242 : vector<16xi1>, vector<16xf32>
        %select_n3A_271 = arith.select %or3A_269, %select_n3A_262, %select_n3A_243 : vector<16xi1>, vector<16xf32>
        %add3A_272 = arith.constant 1.600000e+01 : f32
        %add3A_273 = vector.broadcast %add3A_272 : f32 to vector<16xf32>
        %add3A_274 = arith.addf %add3A_246, %add3A_273 : vector<16xf32>
        %mul3A_275 = arith.constant 10 : i32
        %mul3A_276 = arith.muli %scan3A_159, %mul3A_275 : i32
        %add3A_277 = arith.constant 4 : i32
        %add3A_278 = arith.addi %mul3A_276, %add3A_277 : i32
        %mul3A_279 = arith.constant 16 : i32
        %mul3A_280 = arith.muli %add3A_278, %mul3A_279 : i32
        %add3A_281 = arith.addi %mul3A_62, %mul3A_280 : i32
        %get3A_282 = arith.constant 0 : i32
        %get3A_283 = arith.constant 0 : i32
        %get3A_284 = arith.index_cast %get3A_282 : i32 to index
        %get3A_285 = arith.index_cast %get3A_283 : i32 to index
        %get3A_286 = arith.index_cast %add3A_281 : i32 to index
        %get3A_287 = tpu.vector_load %arg4[%get3A_284, %get3A_285, %get3A_286] {strides = array<i32>} : memref<1x1x100000xf32, #tpu.memory_space<vmem>>, vector<16xf32>,
        %gt3A_288 = arith.cmpf ogt, %get3A_287, %select_n3A_263 : vector<16xf32>
        %select_n3A_289 = arith.select %gt3A_288, %select_n3A_263, %get3A_287 : vector<16xi1>, vector<16xf32>
        %select_n3A_290 = arith.select %gt3A_288, %select_n3A_264, %add3A_274 : vector<16xi1>, vector<16xf32>
        %select_n3A_291 = arith.select %gt3A_288, %get3A_287, %select_n3A_263 : vector<16xi1>, vector<16xf32>
        %select_n3A_292 = arith.select %gt3A_288, %add3A_274, %select_n3A_264 : vector<16xi1>, vector<16xf32>
        %gt3A_293 = arith.cmpf ogt, %select_n3A_289, %select_n3A_270 : vector<16xf32>
        %eq3A_294 = arith.cmpf oeq, %select_n3A_289, %select_n3A_270 : vector<16xf32>
        %lt3A_295 = arith.cmpf olt, %select_n3A_290, %select_n3A_271 : vector<16xf32>
        %and3A_296 = arith.andi %eq3A_294, %lt3A_295 : vector<16xi1>
        %or3A_297 = arith.ori %gt3A_293, %and3A_296 : vector<16xi1>
        %select_n3A_298 = arith.select %or3A_297, %select_n3A_289, %select_n3A_270 : vector<16xi1>, vector<16xf32>
        %select_n3A_299 = arith.select %or3A_297, %select_n3A_290, %select_n3A_271 : vector<16xi1>, vector<16xf32>
        %add3A_300 = arith.constant 1.600000e+01 : f32
        %add3A_301 = vector.broadcast %add3A_300 : f32 to vector<16xf32>
        %add3A_302 = arith.addf %add3A_274, %add3A_301 : vector<16xf32>
        %mul3A_303 = arith.constant 10 : i32
        %mul3A_304 = arith.muli %scan3A_159, %mul3A_303 : i32
        %add3A_305 = arith.constant 5 : i32
        %add3A_306 = arith.addi %mul3A_304, %add3A_305 : i32
        %mul3A_307 = arith.constant 16 : i32
        %mul3A_308 = arith.muli %add3A_306, %mul3A_307 : i32
        %add3A_309 = arith.addi %mul3A_62, %mul3A_308 : i32
        %get3A_310 = arith.constant 0 : i32
        %get3A_311 = arith.constant 0 : i32
        %get3A_312 = arith.index_cast %get3A_310 : i32 to index
        %get3A_313 = arith.index_cast %get3A_311 : i32 to index
        %get3A_314 = arith.index_cast %add3A_309 : i32 to index
        %get3A_315 = tpu.vector_load %arg4[%get3A_312, %get3A_313, %get3A_314] {strides = array<i32>} : memref<1x1x100000xf32, #tpu.memory_space<vmem>>, vector<16xf32>,
        %gt3A_316 = arith.cmpf ogt, %get3A_315, %select_n3A_291 : vector<16xf32>
        %select_n3A_317 = arith.select %gt3A_316, %select_n3A_291, %get3A_315 : vector<16xi1>, vector<16xf32>
        %select_n3A_318 = arith.select %gt3A_316, %select_n3A_292, %add3A_302 : vector<16xi1>, vector<16xf32>
        %select_n3A_319 = arith.select %gt3A_316, %get3A_315, %select_n3A_291 : vector<16xi1>, vector<16xf32>
        %select_n3A_320 = arith.select %gt3A_316, %add3A_302, %select_n3A_292 : vector<16xi1>, vector<16xf32>
        %gt3A_321 = arith.cmpf ogt, %select_n3A_317, %select_n3A_298 : vector<16xf32>
        %eq3A_322 = arith.cmpf oeq, %select_n3A_317, %select_n3A_298 : vector<16xf32>
        %lt3A_323 = arith.cmpf olt, %select_n3A_318, %select_n3A_299 : vector<16xf32>
        %and3A_324 = arith.andi %eq3A_322, %lt3A_323 : vector<16xi1>
        %or3A_325 = arith.ori %gt3A_321, %and3A_324 : vector<16xi1>
        %select_n3A_326 = arith.select %or3A_325, %select_n3A_317, %select_n3A_298 : vector<16xi1>, vector<16xf32>
        %select_n3A_327 = arith.select %or3A_325, %select_n3A_318, %select_n3A_299 : vector<16xi1>, vector<16xf32>
        %add3A_328 = arith.constant 1.600000e+01 : f32
        %add3A_329 = vector.broadcast %add3A_328 : f32 to vector<16xf32>
        %add3A_330 = arith.addf %add3A_302, %add3A_329 : vector<16xf32>
        %mul3A_331 = arith.constant 10 : i32
        %mul3A_332 = arith.muli %scan3A_159, %mul3A_331 : i32
        %add3A_333 = arith.constant 6 : i32
        %add3A_334 = arith.addi %mul3A_332, %add3A_333 : i32
        %mul3A_335 = arith.constant 16 : i32
        %mul3A_336 = arith.muli %add3A_334, %mul3A_335 : i32
        %add3A_337 = arith.addi %mul3A_62, %mul3A_336 : i32
        %get3A_338 = arith.constant 0 : i32
        %get3A_339 = arith.constant 0 : i32
        %get3A_340 = arith.index_cast %get3A_338 : i32 to index
        %get3A_341 = arith.index_cast %get3A_339 : i32 to index
        %get3A_342 = arith.index_cast %add3A_337 : i32 to index
        %get3A_343 = tpu.vector_load %arg4[%get3A_340, %get3A_341, %get3A_342] {strides = array<i32>} : memref<1x1x100000xf32, #tpu.memory_space<vmem>>, vector<16xf32>,
        %gt3A_344 = arith.cmpf ogt, %get3A_343, %select_n3A_319 : vector<16xf32>
        %select_n3A_345 = arith.select %gt3A_344, %select_n3A_319, %get3A_343 : vector<16xi1>, vector<16xf32>
        %select_n3A_346 = arith.select %gt3A_344, %select_n3A_320, %add3A_330 : vector<16xi1>, vector<16xf32>
        %select_n3A_347 = arith.select %gt3A_344, %get3A_343, %select_n3A_319 : vector<16xi1>, vector<16xf32>
        %select_n3A_348 = arith.select %gt3A_344, %add3A_330, %select_n3A_320 : vector<16xi1>, vector<16xf32>
        %gt3A_349 = arith.cmpf ogt, %select_n3A_345, %select_n3A_326 : vector<16xf32>
        %eq3A_350 = arith.cmpf oeq, %select_n3A_345, %select_n3A_326 : vector<16xf32>
        %lt3A_351 = arith.cmpf olt, %select_n3A_346, %select_n3A_327 : vector<16xf32>
        %and3A_352 = arith.andi %eq3A_350, %lt3A_351 : vector<16xi1>
        %or3A_353 = arith.ori %gt3A_349, %and3A_352 : vector<16xi1>
        %select_n3A_354 = arith.select %or3A_353, %select_n3A_345, %select_n3A_326 : vector<16xi1>, vector<16xf32>
        %select_n3A_355 = arith.select %or3A_353, %select_n3A_346, %select_n3A_327 : vector<16xi1>, vector<16xf32>
        %add3A_356 = arith.constant 1.600000e+01 : f32
        %add3A_357 = vector.broadcast %add3A_356 : f32 to vector<16xf32>
        %add3A_358 = arith.addf %add3A_330, %add3A_357 : vector<16xf32>
        %mul3A_359 = arith.constant 10 : i32
        %mul3A_360 = arith.muli %scan3A_159, %mul3A_359 : i32
        %add3A_361 = arith.constant 7 : i32
        %add3A_362 = arith.addi %mul3A_360, %add3A_361 : i32
        %mul3A_363 = arith.constant 16 : i32
        %mul3A_364 = arith.muli %add3A_362, %mul3A_363 : i32
        %add3A_365 = arith.addi %mul3A_62, %mul3A_364 : i32
        %get3A_366 = arith.constant 0 : i32
        %get3A_367 = arith.constant 0 : i32
        %get3A_368 = arith.index_cast %get3A_366 : i32 to index
        %get3A_369 = arith.index_cast %get3A_367 : i32 to index
        %get3A_370 = arith.index_cast %add3A_365 : i32 to index
        %get3A_371 = tpu.vector_load %arg4[%get3A_368, %get3A_369, %get3A_370] {strides = array<i32>} : memref<1x1x100000xf32, #tpu.memory_space<vmem>>, vector<16xf32>,
        %gt3A_372 = arith.cmpf ogt, %get3A_371, %select_n3A_347 : vector<16xf32>
        %select_n3A_373 = arith.select %gt3A_372, %select_n3A_347, %get3A_371 : vector<16xi1>, vector<16xf32>
        %select_n3A_374 = arith.select %gt3A_372, %select_n3A_348, %add3A_358 : vector<16xi1>, vector<16xf32>
        %select_n3A_375 = arith.select %gt3A_372, %get3A_371, %select_n3A_347 : vector<16xi1>, vector<16xf32>
        %select_n3A_376 = arith.select %gt3A_372, %add3A_358, %select_n3A_348 : vector<16xi1>, vector<16xf32>
        %gt3A_377 = arith.cmpf ogt, %select_n3A_373, %select_n3A_354 : vector<16xf32>
        %eq3A_378 = arith.cmpf oeq, %select_n3A_373, %select_n3A_354 : vector<16xf32>
        %lt3A_379 = arith.cmpf olt, %select_n3A_374, %select_n3A_355 : vector<16xf32>
        %and3A_380 = arith.andi %eq3A_378, %lt3A_379 : vector<16xi1>
        %or3A_381 = arith.ori %gt3A_377, %and3A_380 : vector<16xi1>
        %select_n3A_382 = arith.select %or3A_381, %select_n3A_373, %select_n3A_354 : vector<16xi1>, vector<16xf32>
        %select_n3A_383 = arith.select %or3A_381, %select_n3A_374, %select_n3A_355 : vector<16xi1>, vector<16xf32>
        %add3A_384 = arith.constant 1.600000e+01 : f32
        %add3A_385 = vector.broadcast %add3A_384 : f32 to vector<16xf32>
        %add3A_386 = arith.addf %add3A_358, %add3A_385 : vector<16xf32>
        %mul3A_387 = arith.constant 10 : i32
        %mul3A_388 = arith.muli %scan3A_159, %mul3A_387 : i32
        %add3A_389 = arith.constant 8 : i32
        %add3A_390 = arith.addi %mul3A_388, %add3A_389 : i32
        %mul3A_391 = arith.constant 16 : i32
        %mul3A_392 = arith.muli %add3A_390, %mul3A_391 : i32
        %add3A_393 = arith.addi %mul3A_62, %mul3A_392 : i32
        %get3A_394 = arith.constant 0 : i32
        %get3A_395 = arith.constant 0 : i32
        %get3A_396 = arith.index_cast %get3A_394 : i32 to index
        %get3A_397 = arith.index_cast %get3A_395 : i32 to index
        %get3A_398 = arith.index_cast %add3A_393 : i32 to index
        %get3A_399 = tpu.vector_load %arg4[%get3A_396, %get3A_397, %get3A_398] {strides = array<i32>} : memref<1x1x100000xf32, #tpu.memory_space<vmem>>, vector<16xf32>,
        %gt3A_400 = arith.cmpf ogt, %get3A_399, %select_n3A_375 : vector<16xf32>
        %select_n3A_401 = arith.select %gt3A_400, %select_n3A_375, %get3A_399 : vector<16xi1>, vector<16xf32>
        %select_n3A_402 = arith.select %gt3A_400, %select_n3A_376, %add3A_386 : vector<16xi1>, vector<16xf32>
        %select_n3A_403 = arith.select %gt3A_400, %get3A_399, %select_n3A_375 : vector<16xi1>, vector<16xf32>
        %select_n3A_404 = arith.select %gt3A_400, %add3A_386, %select_n3A_376 : vector<16xi1>, vector<16xf32>
        %gt3A_405 = arith.cmpf ogt, %select_n3A_401, %select_n3A_382 : vector<16xf32>
        %eq3A_406 = arith.cmpf oeq, %select_n3A_401, %select_n3A_382 : vector<16xf32>
        %lt3A_407 = arith.cmpf olt, %select_n3A_402, %select_n3A_383 : vector<16xf32>
        %and3A_408 = arith.andi %eq3A_406, %lt3A_407 : vector<16xi1>
        %or3A_409 = arith.ori %gt3A_405, %and3A_408 : vector<16xi1>
        %select_n3A_410 = arith.select %or3A_409, %select_n3A_401, %select_n3A_382 : vector<16xi1>, vector<16xf32>
        %select_n3A_411 = arith.select %or3A_409, %select_n3A_402, %select_n3A_383 : vector<16xi1>, vector<16xf32>
        %add3A_412 = arith.constant 1.600000e+01 : f32
        %add3A_413 = vector.broadcast %add3A_412 : f32 to vector<16xf32>
        %add3A_414 = arith.addf %add3A_386, %add3A_413 : vector<16xf32>
        %mul3A_415 = arith.constant 10 : i32
        %mul3A_416 = arith.muli %scan3A_159, %mul3A_415 : i32
        %add3A_417 = arith.constant 9 : i32
        %add3A_418 = arith.addi %mul3A_416, %add3A_417 : i32
        %mul3A_419 = arith.constant 16 : i32
        %mul3A_420 = arith.muli %add3A_418, %mul3A_419 : i32
        %add3A_421 = arith.addi %mul3A_62, %mul3A_420 : i32
        %get3A_422 = arith.constant 0 : i32
        %get3A_423 = arith.constant 0 : i32
        %get3A_424 = arith.index_cast %get3A_422 : i32 to index
        %get3A_425 = arith.index_cast %get3A_423 : i32 to index
        %get3A_426 = arith.index_cast %add3A_421 : i32 to index
        %get3A_427 = tpu.vector_load %arg4[%get3A_424, %get3A_425, %get3A_426] {strides = array<i32>} : memref<1x1x100000xf32, #tpu.memory_space<vmem>>, vector<16xf32>,
        %gt3A_428 = arith.cmpf ogt, %get3A_427, %select_n3A_403 : vector<16xf32>
        %select_n3A_429 = arith.select %gt3A_428, %select_n3A_403, %get3A_427 : vector<16xi1>, vector<16xf32>
        %select_n3A_430 = arith.select %gt3A_428, %select_n3A_404, %add3A_414 : vector<16xi1>, vector<16xf32>
        %select_n3A_431 = arith.select %gt3A_428, %get3A_427, %select_n3A_403 : vector<16xi1>, vector<16xf32>
        %select_n3A_432 = arith.select %gt3A_428, %add3A_414, %select_n3A_404 : vector<16xi1>, vector<16xf32>
        %gt3A_433 = arith.cmpf ogt, %select_n3A_429, %select_n3A_410 : vector<16xf32>
        %eq3A_434 = arith.cmpf oeq, %select_n3A_429, %select_n3A_410 : vector<16xf32>
        %lt3A_435 = arith.cmpf olt, %select_n3A_430, %select_n3A_411 : vector<16xf32>
        %and3A_436 = arith.andi %eq3A_434, %lt3A_435 : vector<16xi1>
        %or3A_437 = arith.ori %gt3A_433, %and3A_436 : vector<16xi1>
        %select_n3A_438 = arith.select %or3A_437, %select_n3A_429, %select_n3A_410 : vector<16xi1>, vector<16xf32>
        %select_n3A_439 = arith.select %or3A_437, %select_n3A_430, %select_n3A_411 : vector<16xi1>, vector<16xf32>
        %add3A_440 = arith.constant 1.600000e+01 : f32
        %add3A_441 = vector.broadcast %add3A_440 : f32 to vector<16xf32>
        %add3A_442 = arith.addf %add3A_414, %add3A_441 : vector<16xf32>
        scf.yield %select_n3A_431, %select_n3A_432, %select_n3A_438, %select_n3A_439, %add3A_442 : vector<16xf32>, vector<16xf32>, vector<16xf32>, vector<16xf32>, vector<16xf32>
      }
      %scan3A_77 = arith.constant 25 : i32
      %eq3A_78 = vector.broadcast %scan3A_53#1 : f32 to vector<16xf32>
      %eq3A_79 = arith.cmpf oeq, %scan3A_76#0, %eq3A_78 : vector<16xf32>
      %select_n3A_80 = arith.select %eq3A_79, %scan3A_76#1, %broadcast_in_dim3A_67 : vector<16xi1>, vector<16xf32>
      %reduce_min3A = arith.constant true
      %reduce_min3A_81 = vector.broadcast %reduce_min3A : i1 to vector<16xi1>
      %reduce_min3A_82 = tpu.scan <min>, %select_n3A_80 masked %reduce_min3A_81 : vector<16xf32>, vector<16xi1> -> vector<16xf32>
      %reduce_min3A_83 = vector.extract %reduce_min3A_82[15] : f32 from vector<16xf32>
      %eq3A_84 = vector.broadcast %reduce_min3A_83 : f32 to vector<16xf32>
      %eq3A_85 = arith.cmpf oeq, %scan3A_76#1, %eq3A_84 : vector<16xf32>
      %and3A_86 = arith.andi %eq3A_79, %eq3A_85 : vector<16xi1>
      %select_n3A_87 = arith.select %and3A_86, %scan3A_76#2, %scan3A_76#0 : vector<16xi1>, vector<16xf32>
      %select_n3A_88 = arith.select %and3A_86, %scan3A_76#3, %scan3A_76#1 : vector<16xi1>, vector<16xf32>
      %reduce_max3A = arith.constant true
      %reduce_max3A_89 = vector.broadcast %reduce_max3A : i1 to vector<16xi1>
      %reduce_max3A_90 = tpu.scan <max>, %select_n3A_87 masked %reduce_max3A_89 : vector<16xf32>, vector<16xi1> -> vector<16xf32>
      %reduce_max3A_91 = vector.extract %reduce_max3A_90[15] : f32 from vector<16xf32>
      %eq3A_92 = vector.broadcast %reduce_max3A_91 : f32 to vector<16xf32>
      %eq3A_93 = arith.cmpf oeq, %select_n3A_87, %eq3A_92 : vector<16xf32>
      %select_n3A_94 = arith.select %eq3A_93, %select_n3A_88, %broadcast_in_dim3A_67 : vector<16xi1>, vector<16xf32>
      %reduce_min3A_95 = arith.constant true
      %reduce_min3A_96 = vector.broadcast %reduce_min3A_95 : i1 to vector<16xi1>
      %reduce_min3A_97 = tpu.scan <min>, %select_n3A_94 masked %reduce_min3A_96 : vector<16xf32>, vector<16xi1> -> vector<16xf32>
      %reduce_min3A_98 = vector.extract %reduce_min3A_97[15] : f32 from vector<16xf32>
      %max3A = arith.maximumf %reduce_max3A_91, %scan3A_53#3 : f32
      %min3A_99 = arith.constant 24 : i32
      %min3A_100 = arith.minsi %scan3A_53#4, %min3A_99 : i32
      %mul3A_101 = arith.constant 4000 : i32
      %mul3A_102 = arith.muli %min3A_100, %mul3A_101 : i32
      %convert_element_type3A_103 = arith.sitofp %mul3A_102 : i32 to f32
      %add3A_104 = vector.broadcast %convert_element_type3A_103 : f32 to vector<16xf32>
      %add3A_105 = arith.addf %convert_element_type3A, %add3A_104 : vector<16xf32>
      %scan3A_106 = arith.constant 0 : i32
      %scan3A_107 = arith.constant 25 : i32
      %scan3A_108 = arith.addi %scan3A_106, %scan3A_107 : i32
      %scan3A_109 = arith.constant 1 : i32
      %scan3A_110:2 = scf.for %scan3A_159 = %scan3A_106 to %scan3A_108 step %scan3A_109 iter_args(%scan3A_160 = %broadcast_in_dim3A_67, %scan3A_161 = %add3A_105) -> (vector<16xf32>, vector<16xf32>)  : i32 {
        %mul3A_162 = arith.constant 10 : i32
        %mul3A_163 = arith.muli %scan3A_159, %mul3A_162 : i32
        %add3A_164 = arith.constant 0 : i32
        %add3A_165 = arith.addi %mul3A_163, %add3A_164 : i32
        %mul3A_166 = arith.constant 16 : i32
        %mul3A_167 = arith.muli %add3A_165, %mul3A_166 : i32
        %add3A_168 = arith.addi %mul3A_102, %mul3A_167 : i32
        %get3A_169 = arith.constant 0 : i32
        %get3A_170 = arith.constant 0 : i32
        %get3A_171 = arith.index_cast %get3A_169 : i32 to index
        %get3A_172 = arith.index_cast %get3A_170 : i32 to index
        %get3A_173 = arith.index_cast %add3A_168 : i32 to index
        %get3A_174 = tpu.vector_load %arg4[%get3A_171, %get3A_172, %get3A_173] {strides = array<i32>} : memref<1x1x100000xf32, #tpu.memory_space<vmem>>, vector<16xf32>,
        %eq3A_175 = vector.broadcast %max3A : f32 to vector<16xf32>
        %eq3A_176 = arith.cmpf oeq, %get3A_174, %eq3A_175 : vector<16xf32>
        %select_n3A_177 = arith.select %eq3A_176, %scan3A_161, %broadcast_in_dim3A_67 : vector<16xi1>, vector<16xf32>
        %min3A_178 = arith.minimumf %scan3A_160, %select_n3A_177 : vector<16xf32>
        %add3A_179 = arith.constant 1.600000e+01 : f32
        %add3A_180 = vector.broadcast %add3A_179 : f32 to vector<16xf32>
        %add3A_181 = arith.addf %scan3A_161, %add3A_180 : vector<16xf32>
        %mul3A_182 = arith.constant 10 : i32
        %mul3A_183 = arith.muli %scan3A_159, %mul3A_182 : i32
        %add3A_184 = arith.constant 1 : i32
        %add3A_185 = arith.addi %mul3A_183, %add3A_184 : i32
        %mul3A_186 = arith.constant 16 : i32
        %mul3A_187 = arith.muli %add3A_185, %mul3A_186 : i32
        %add3A_188 = arith.addi %mul3A_102, %mul3A_187 : i32
        %get3A_189 = arith.constant 0 : i32
        %get3A_190 = arith.constant 0 : i32
        %get3A_191 = arith.index_cast %get3A_189 : i32 to index
        %get3A_192 = arith.index_cast %get3A_190 : i32 to index
        %get3A_193 = arith.index_cast %add3A_188 : i32 to index
        %get3A_194 = tpu.vector_load %arg4[%get3A_191, %get3A_192, %get3A_193] {strides = array<i32>} : memref<1x1x100000xf32, #tpu.memory_space<vmem>>, vector<16xf32>,
        %eq3A_195 = vector.broadcast %max3A : f32 to vector<16xf32>
        %eq3A_196 = arith.cmpf oeq, %get3A_194, %eq3A_195 : vector<16xf32>
        %select_n3A_197 = arith.select %eq3A_196, %add3A_181, %broadcast_in_dim3A_67 : vector<16xi1>, vector<16xf32>
        %min3A_198 = arith.minimumf %min3A_178, %select_n3A_197 : vector<16xf32>
        %add3A_199 = arith.constant 1.600000e+01 : f32
        %add3A_200 = vector.broadcast %add3A_199 : f32 to vector<16xf32>
        %add3A_201 = arith.addf %add3A_181, %add3A_200 : vector<16xf32>
        %mul3A_202 = arith.constant 10 : i32
        %mul3A_203 = arith.muli %scan3A_159, %mul3A_202 : i32
        %add3A_204 = arith.constant 2 : i32
        %add3A_205 = arith.addi %mul3A_203, %add3A_204 : i32
        %mul3A_206 = arith.constant 16 : i32
        %mul3A_207 = arith.muli %add3A_205, %mul3A_206 : i32
        %add3A_208 = arith.addi %mul3A_102, %mul3A_207 : i32
        %get3A_209 = arith.constant 0 : i32
        %get3A_210 = arith.constant 0 : i32
        %get3A_211 = arith.index_cast %get3A_209 : i32 to index
        %get3A_212 = arith.index_cast %get3A_210 : i32 to index
        %get3A_213 = arith.index_cast %add3A_208 : i32 to index
        %get3A_214 = tpu.vector_load %arg4[%get3A_211, %get3A_212, %get3A_213] {strides = array<i32>} : memref<1x1x100000xf32, #tpu.memory_space<vmem>>, vector<16xf32>,
        %eq3A_215 = vector.broadcast %max3A : f32 to vector<16xf32>
        %eq3A_216 = arith.cmpf oeq, %get3A_214, %eq3A_215 : vector<16xf32>
        %select_n3A_217 = arith.select %eq3A_216, %add3A_201, %broadcast_in_dim3A_67 : vector<16xi1>, vector<16xf32>
        %min3A_218 = arith.minimumf %min3A_198, %select_n3A_217 : vector<16xf32>
        %add3A_219 = arith.constant 1.600000e+01 : f32
        %add3A_220 = vector.broadcast %add3A_219 : f32 to vector<16xf32>
        %add3A_221 = arith.addf %add3A_201, %add3A_220 : vector<16xf32>
        %mul3A_222 = arith.constant 10 : i32
        %mul3A_223 = arith.muli %scan3A_159, %mul3A_222 : i32
        %add3A_224 = arith.constant 3 : i32
        %add3A_225 = arith.addi %mul3A_223, %add3A_224 : i32
        %mul3A_226 = arith.constant 16 : i32
        %mul3A_227 = arith.muli %add3A_225, %mul3A_226 : i32
        %add3A_228 = arith.addi %mul3A_102, %mul3A_227 : i32
        %get3A_229 = arith.constant 0 : i32
        %get3A_230 = arith.constant 0 : i32
        %get3A_231 = arith.index_cast %get3A_229 : i32 to index
        %get3A_232 = arith.index_cast %get3A_230 : i32 to index
        %get3A_233 = arith.index_cast %add3A_228 : i32 to index
        %get3A_234 = tpu.vector_load %arg4[%get3A_231, %get3A_232, %get3A_233] {strides = array<i32>} : memref<1x1x100000xf32, #tpu.memory_space<vmem>>, vector<16xf32>,
        %eq3A_235 = vector.broadcast %max3A : f32 to vector<16xf32>
        %eq3A_236 = arith.cmpf oeq, %get3A_234, %eq3A_235 : vector<16xf32>
        %select_n3A_237 = arith.select %eq3A_236, %add3A_221, %broadcast_in_dim3A_67 : vector<16xi1>, vector<16xf32>
        %min3A_238 = arith.minimumf %min3A_218, %select_n3A_237 : vector<16xf32>
        %add3A_239 = arith.constant 1.600000e+01 : f32
        %add3A_240 = vector.broadcast %add3A_239 : f32 to vector<16xf32>
        %add3A_241 = arith.addf %add3A_221, %add3A_240 : vector<16xf32>
        %mul3A_242 = arith.constant 10 : i32
        %mul3A_243 = arith.muli %scan3A_159, %mul3A_242 : i32
        %add3A_244 = arith.constant 4 : i32
        %add3A_245 = arith.addi %mul3A_243, %add3A_244 : i32
        %mul3A_246 = arith.constant 16 : i32
        %mul3A_247 = arith.muli %add3A_245, %mul3A_246 : i32
        %add3A_248 = arith.addi %mul3A_102, %mul3A_247 : i32
        %get3A_249 = arith.constant 0 : i32
        %get3A_250 = arith.constant 0 : i32
        %get3A_251 = arith.index_cast %get3A_249 : i32 to index
        %get3A_252 = arith.index_cast %get3A_250 : i32 to index
        %get3A_253 = arith.index_cast %add3A_248 : i32 to index
        %get3A_254 = tpu.vector_load %arg4[%get3A_251, %get3A_252, %get3A_253] {strides = array<i32>} : memref<1x1x100000xf32, #tpu.memory_space<vmem>>, vector<16xf32>,
        %eq3A_255 = vector.broadcast %max3A : f32 to vector<16xf32>
        %eq3A_256 = arith.cmpf oeq, %get3A_254, %eq3A_255 : vector<16xf32>
        %select_n3A_257 = arith.select %eq3A_256, %add3A_241, %broadcast_in_dim3A_67 : vector<16xi1>, vector<16xf32>
        %min3A_258 = arith.minimumf %min3A_238, %select_n3A_257 : vector<16xf32>
        %add3A_259 = arith.constant 1.600000e+01 : f32
        %add3A_260 = vector.broadcast %add3A_259 : f32 to vector<16xf32>
        %add3A_261 = arith.addf %add3A_241, %add3A_260 : vector<16xf32>
        %mul3A_262 = arith.constant 10 : i32
        %mul3A_263 = arith.muli %scan3A_159, %mul3A_262 : i32
        %add3A_264 = arith.constant 5 : i32
        %add3A_265 = arith.addi %mul3A_263, %add3A_264 : i32
        %mul3A_266 = arith.constant 16 : i32
        %mul3A_267 = arith.muli %add3A_265, %mul3A_266 : i32
        %add3A_268 = arith.addi %mul3A_102, %mul3A_267 : i32
        %get3A_269 = arith.constant 0 : i32
        %get3A_270 = arith.constant 0 : i32
        %get3A_271 = arith.index_cast %get3A_269 : i32 to index
        %get3A_272 = arith.index_cast %get3A_270 : i32 to index
        %get3A_273 = arith.index_cast %add3A_268 : i32 to index
        %get3A_274 = tpu.vector_load %arg4[%get3A_271, %get3A_272, %get3A_273] {strides = array<i32>} : memref<1x1x100000xf32, #tpu.memory_space<vmem>>, vector<16xf32>,
        %eq3A_275 = vector.broadcast %max3A : f32 to vector<16xf32>
        %eq3A_276 = arith.cmpf oeq, %get3A_274, %eq3A_275 : vector<16xf32>
        %select_n3A_277 = arith.select %eq3A_276, %add3A_261, %broadcast_in_dim3A_67 : vector<16xi1>, vector<16xf32>
        %min3A_278 = arith.minimumf %min3A_258, %select_n3A_277 : vector<16xf32>
        %add3A_279 = arith.constant 1.600000e+01 : f32
        %add3A_280 = vector.broadcast %add3A_279 : f32 to vector<16xf32>
        %add3A_281 = arith.addf %add3A_261, %add3A_280 : vector<16xf32>
        %mul3A_282 = arith.constant 10 : i32
        %mul3A_283 = arith.muli %scan3A_159, %mul3A_282 : i32
        %add3A_284 = arith.constant 6 : i32
        %add3A_285 = arith.addi %mul3A_283, %add3A_284 : i32
        %mul3A_286 = arith.constant 16 : i32
        %mul3A_287 = arith.muli %add3A_285, %mul3A_286 : i32
        %add3A_288 = arith.addi %mul3A_102, %mul3A_287 : i32
        %get3A_289 = arith.constant 0 : i32
        %get3A_290 = arith.constant 0 : i32
        %get3A_291 = arith.index_cast %get3A_289 : i32 to index
        %get3A_292 = arith.index_cast %get3A_290 : i32 to index
        %get3A_293 = arith.index_cast %add3A_288 : i32 to index
        %get3A_294 = tpu.vector_load %arg4[%get3A_291, %get3A_292, %get3A_293] {strides = array<i32>} : memref<1x1x100000xf32, #tpu.memory_space<vmem>>, vector<16xf32>,
        %eq3A_295 = vector.broadcast %max3A : f32 to vector<16xf32>
        %eq3A_296 = arith.cmpf oeq, %get3A_294, %eq3A_295 : vector<16xf32>
        %select_n3A_297 = arith.select %eq3A_296, %add3A_281, %broadcast_in_dim3A_67 : vector<16xi1>, vector<16xf32>
        %min3A_298 = arith.minimumf %min3A_278, %select_n3A_297 : vector<16xf32>
        %add3A_299 = arith.constant 1.600000e+01 : f32
        %add3A_300 = vector.broadcast %add3A_299 : f32 to vector<16xf32>
        %add3A_301 = arith.addf %add3A_281, %add3A_300 : vector<16xf32>
        %mul3A_302 = arith.constant 10 : i32
        %mul3A_303 = arith.muli %scan3A_159, %mul3A_302 : i32
        %add3A_304 = arith.constant 7 : i32
        %add3A_305 = arith.addi %mul3A_303, %add3A_304 : i32
        %mul3A_306 = arith.constant 16 : i32
        %mul3A_307 = arith.muli %add3A_305, %mul3A_306 : i32
        %add3A_308 = arith.addi %mul3A_102, %mul3A_307 : i32
        %get3A_309 = arith.constant 0 : i32
        %get3A_310 = arith.constant 0 : i32
        %get3A_311 = arith.index_cast %get3A_309 : i32 to index
        %get3A_312 = arith.index_cast %get3A_310 : i32 to index
        %get3A_313 = arith.index_cast %add3A_308 : i32 to index
        %get3A_314 = tpu.vector_load %arg4[%get3A_311, %get3A_312, %get3A_313] {strides = array<i32>} : memref<1x1x100000xf32, #tpu.memory_space<vmem>>, vector<16xf32>,
        %eq3A_315 = vector.broadcast %max3A : f32 to vector<16xf32>
        %eq3A_316 = arith.cmpf oeq, %get3A_314, %eq3A_315 : vector<16xf32>
        %select_n3A_317 = arith.select %eq3A_316, %add3A_301, %broadcast_in_dim3A_67 : vector<16xi1>, vector<16xf32>
        %min3A_318 = arith.minimumf %min3A_298, %select_n3A_317 : vector<16xf32>
        %add3A_319 = arith.constant 1.600000e+01 : f32
        %add3A_320 = vector.broadcast %add3A_319 : f32 to vector<16xf32>
        %add3A_321 = arith.addf %add3A_301, %add3A_320 : vector<16xf32>
        %mul3A_322 = arith.constant 10 : i32
        %mul3A_323 = arith.muli %scan3A_159, %mul3A_322 : i32
        %add3A_324 = arith.constant 8 : i32
        %add3A_325 = arith.addi %mul3A_323, %add3A_324 : i32
        %mul3A_326 = arith.constant 16 : i32
        %mul3A_327 = arith.muli %add3A_325, %mul3A_326 : i32
        %add3A_328 = arith.addi %mul3A_102, %mul3A_327 : i32
        %get3A_329 = arith.constant 0 : i32
        %get3A_330 = arith.constant 0 : i32
        %get3A_331 = arith.index_cast %get3A_329 : i32 to index
        %get3A_332 = arith.index_cast %get3A_330 : i32 to index
        %get3A_333 = arith.index_cast %add3A_328 : i32 to index
        %get3A_334 = tpu.vector_load %arg4[%get3A_331, %get3A_332, %get3A_333] {strides = array<i32>} : memref<1x1x100000xf32, #tpu.memory_space<vmem>>, vector<16xf32>,
        %eq3A_335 = vector.broadcast %max3A : f32 to vector<16xf32>
        %eq3A_336 = arith.cmpf oeq, %get3A_334, %eq3A_335 : vector<16xf32>
        %select_n3A_337 = arith.select %eq3A_336, %add3A_321, %broadcast_in_dim3A_67 : vector<16xi1>, vector<16xf32>
        %min3A_338 = arith.minimumf %min3A_318, %select_n3A_337 : vector<16xf32>
        %add3A_339 = arith.constant 1.600000e+01 : f32
        %add3A_340 = vector.broadcast %add3A_339 : f32 to vector<16xf32>
        %add3A_341 = arith.addf %add3A_321, %add3A_340 : vector<16xf32>
        %mul3A_342 = arith.constant 10 : i32
        %mul3A_343 = arith.muli %scan3A_159, %mul3A_342 : i32
        %add3A_344 = arith.constant 9 : i32
        %add3A_345 = arith.addi %mul3A_343, %add3A_344 : i32
        %mul3A_346 = arith.constant 16 : i32
        %mul3A_347 = arith.muli %add3A_345, %mul3A_346 : i32
        %add3A_348 = arith.addi %mul3A_102, %mul3A_347 : i32
        %get3A_349 = arith.constant 0 : i32
        %get3A_350 = arith.constant 0 : i32
        %get3A_351 = arith.index_cast %get3A_349 : i32 to index
        %get3A_352 = arith.index_cast %get3A_350 : i32 to index
        %get3A_353 = arith.index_cast %add3A_348 : i32 to index
        %get3A_354 = tpu.vector_load %arg4[%get3A_351, %get3A_352, %get3A_353] {strides = array<i32>} : memref<1x1x100000xf32, #tpu.memory_space<vmem>>, vector<16xf32>,
        %eq3A_355 = vector.broadcast %max3A : f32 to vector<16xf32>
        %eq3A_356 = arith.cmpf oeq, %get3A_354, %eq3A_355 : vector<16xf32>
        %select_n3A_357 = arith.select %eq3A_356, %add3A_341, %broadcast_in_dim3A_67 : vector<16xi1>, vector<16xf32>
        %min3A_358 = arith.minimumf %min3A_338, %select_n3A_357 : vector<16xf32>
        %add3A_359 = arith.constant 1.600000e+01 : f32
        %add3A_360 = vector.broadcast %add3A_359 : f32 to vector<16xf32>
        %add3A_361 = arith.addf %add3A_341, %add3A_360 : vector<16xf32>
        scf.yield %min3A_358, %add3A_361 : vector<16xf32>, vector<16xf32>
      }
      %scan3A_111 = arith.constant 25 : i32
      %reduce_min3A_112 = arith.constant true
      %reduce_min3A_113 = vector.broadcast %reduce_min3A_112 : i1 to vector<16xi1>
      %reduce_min3A_114 = tpu.scan <min>, %scan3A_110#0 masked %reduce_min3A_113 : vector<16xf32>, vector<16xi1> -> vector<16xf32>
      %reduce_min3A_115 = vector.extract %reduce_min3A_114[15] : f32 from vector<16xf32>
      %eq3A_116 = arith.cmpf oeq, %reduce_max3A_91, %max3A : f32
      %jit3A_117 = arith.constant 1.07374182E+9 : f32
      %select_n3A_118 = arith.select %eq3A_116, %reduce_min3A_98, %jit3A_117 : f32
      %min3A_119 = arith.minimumf %select_n3A_118, %reduce_min3A_115 : f32
      %reduce_sum3A = arith.constant true
      %reduce_sum3A_120 = vector.broadcast %reduce_sum3A : i1 to vector<16xi1>
      %reduce_sum3A_121 = tpu.scan <sum>, %scan3A_53#0 masked %reduce_sum3A_120 : vector<16xf32>, vector<16xi1> -> vector<16xf32>
      %reduce_sum3A_122 = vector.extract %reduce_sum3A_121[15] : f32 from vector<16xf32>
      %broadcast_in_dim3A_123 = arith.constant 0.000000e+00 : f32
      %broadcast_in_dim3A_124 = vector.broadcast %broadcast_in_dim3A_123 : f32 to vector<16xf32>
      %eq3A_125 = arith.constant 0 : i32
      %eq3A_126 = vector.broadcast %eq3A_125 : i32 to vector<16xi32>
      %eq3A_127 = arith.cmpi eq, %iota3A, %eq3A_126 : vector<16xi32>
      %broadcast_in_dim3A_128 = vector.broadcast %reduce_sum3A_122 : f32 to vector<16xf32>
      %select_n3A_129 = arith.select %eq3A_127, %broadcast_in_dim3A_128, %broadcast_in_dim3A_124 : vector<16xi1>, vector<16xf32>
      %eq3A_130 = arith.constant 1 : i32
      %eq3A_131 = vector.broadcast %eq3A_130 : i32 to vector<16xi32>
      %eq3A_132 = arith.cmpi eq, %iota3A, %eq3A_131 : vector<16xi32>
      %broadcast_in_dim3A_133 = vector.broadcast %scan3A_53#1 : f32 to vector<16xf32>
      %select_n3A_134 = arith.select %eq3A_132, %broadcast_in_dim3A_133, %select_n3A_129 : vector<16xi1>, vector<16xf32>
      %eq3A_135 = arith.constant 2 : i32
      %eq3A_136 = vector.broadcast %eq3A_135 : i32 to vector<16xi32>
      %eq3A_137 = arith.cmpi eq, %iota3A, %eq3A_136 : vector<16xi32>
      %broadcast_in_dim3A_138 = vector.broadcast %reduce_min3A_83 : f32 to vector<16xf32>
      %select_n3A_139 = arith.select %eq3A_137, %broadcast_in_dim3A_138, %select_n3A_134 : vector<16xi1>, vector<16xf32>
      %eq3A_140 = arith.constant 3 : i32
      %eq3A_141 = vector.broadcast %eq3A_140 : i32 to vector<16xi32>
      %eq3A_142 = arith.cmpi eq, %iota3A, %eq3A_141 : vector<16xi32>
      %broadcast_in_dim3A_143 = vector.broadcast %max3A : f32 to vector<16xf32>
      %select_n3A_144 = arith.select %eq3A_142, %broadcast_in_dim3A_143, %select_n3A_139 : vector<16xi1>, vector<16xf32>
      %eq3A_145 = arith.constant 4 : i32
      %eq3A_146 = vector.broadcast %eq3A_145 : i32 to vector<16xi32>
      %eq3A_147 = arith.cmpi eq, %iota3A, %eq3A_146 : vector<16xi32>
      %broadcast_in_dim3A_148 = vector.broadcast %min3A_119 : f32 to vector<16xf32>
      %select_n3A_149 = arith.select %eq3A_147, %broadcast_in_dim3A_148, %select_n3A_144 : vector<16xi1>, vector<16xf32>
      %eq3A_150 = arith.constant 5 : i32
      %eq3A_151 = vector.broadcast %eq3A_150 : i32 to vector<16xi32>
      %eq3A_152 = arith.cmpi eq, %iota3A, %eq3A_151 : vector<16xi32>
      %broadcast_in_dim3A_153 = vector.broadcast %squeeze3A : f32 to vector<16xf32>
      %select_n3A_154 = arith.select %eq3A_152, %broadcast_in_dim3A_153, %select_n3A_149 : vector<16xi1>, vector<16xf32>
      %mul3A_155 = arith.constant 16 : i32
      %mul3A_156 = arith.muli %scan3A_11, %mul3A_155 : i32
      %swap3A = arith.index_cast %mul3A_156 : i32 to index
      %swap3A_157 = tpu.vector_load %arg5[%swap3A] {strides = array<i32>} : memref<160xf32, #tpu.memory_space<vmem>>, vector<16xf32>,
      tpu.vector_store %arg5[%swap3A], %select_n3A_154 {strides = array<i32>} : memref<160xf32, #tpu.memory_space<vmem>>, vector<16xf32>,
      %scan3A_158 = arith.constant 0 : i32
      scf.yield %scan3A_158 : i32
    }
    %scan3A_8 = arith.constant 10 : i32
    %mul3A_9 = arith.constant 16 : i32
    %mul3A_10 = arith.muli %mul3A_2, %mul3A_9 : i32
    "tpu.region"() ({
      %run_scoped3A = tpu.sem_alloc : memref<!tpu.dma_semaphore, #tpu.memory_space<semaphore_mem>>
      %dma_start3A = tpu.memref_slice %arg3[%mul3A_10] : memref<5120xf32, #tpu.memory_space<hbm>> -> memref<160xf32, #tpu.memory_space<hbm>>
      %dma_start3A_11 = tpu.memref_slice %arg3[%mul3A_10] : memref<5120xf32, #tpu.memory_space<hbm>> -> memref<160xf32, #tpu.memory_space<hbm>>
      tpu.enqueue_dma source(%arg5 : memref<160xf32, #tpu.memory_space<vmem>>) target(%dma_start3A_11 : memref<160xf32, #tpu.memory_space<hbm>>) target_semaphore(%run_scoped3A : memref<!tpu.dma_semaphore, #tpu.memory_space<semaphore_mem>>)
      %dma_wait3A = tpu.memref_slice %arg3[%mul3A_10] : memref<5120xf32, #tpu.memory_space<hbm>> -> memref<160xf32, #tpu.memory_space<hbm>>
      %dma_wait3A_12 = tpu.memref_slice %arg3[%mul3A_10] : memref<5120xf32, #tpu.memory_space<hbm>> -> memref<160xf32, #tpu.memory_space<hbm>>
      tpu.wait_dma2 semaphore(%run_scoped3A : memref<!tpu.dma_semaphore, #tpu.memory_space<semaphore_mem>>) src(%arg5 : memref<160xf32, #tpu.memory_space<vmem>>) dst(%dma_wait3A_12 : memref<160xf32, #tpu.memory_space<hbm>>)
      tpu.yield
    }) : () -> ()
    return
  }
}

module attributes {stable_mosaic.version = 14 : i64} {
  func.func @_phase2_body(%arg0: memref<16x20xf32, #tpu.memory_space<vmem>>, %arg1: memref<16x20xf32, #tpu.memory_space<vmem>>, %arg2: memref<16x20xf32, #tpu.memory_space<vmem>>, %arg3: memref<16x20xf32, #tpu.memory_space<vmem>>, %arg4: memref<16x20xf32, #tpu.memory_space<vmem>>, %arg5: memref<16x20xf32, #tpu.memory_space<vmem>>, %arg6: memref<16x20xf32, #tpu.memory_space<vmem>>, %arg7: memref<16x2xf32, #tpu.memory_space<vmem>>, %arg8: memref<1x1xf32, #tpu.memory_space<vmem>>) attributes {dimension_semantics = [], scalar_prefetch = 0 : i64, scratch_operands = 0 : i64, tpu.core_type = #tpu.core_type<tc>} {
    %get3A = arith.constant 0 : index
    %get3A_0 = arith.constant 0 : index
    %get3A_1 = vector.load %arg0[%get3A, %get3A_0] : memref<16x20xf32, #tpu.memory_space<vmem>>, vector<16x20xf32>
    %log3A = math.log %get3A_1 : vector<16x20xf32>
    %get3A_2 = arith.constant 0 : index
    %get3A_3 = arith.constant 0 : index
    %get3A_4 = vector.load %arg1[%get3A_2, %get3A_3] : memref<16x20xf32, #tpu.memory_space<vmem>>, vector<16x20xf32>
    %sub3A = arith.subf %get3A_4, %log3A : vector<16x20xf32>
    %get3A_5 = arith.constant 0 : index
    %get3A_6 = arith.constant 0 : index
    %get3A_7 = vector.load %arg3[%get3A_5, %get3A_6] : memref<16x20xf32, #tpu.memory_space<vmem>>, vector<16x20xf32>
    %sub3A_8 = arith.subf %get3A_7, %log3A : vector<16x20xf32>
    %get3A_9 = arith.constant 0 : index
    %get3A_10 = arith.constant 0 : index
    %get3A_11 = vector.load %arg5[%get3A_9, %get3A_10] : memref<16x20xf32, #tpu.memory_space<vmem>>, vector<16x20xf32>
    %sub3A_12 = arith.subf %get3A_11, %log3A : vector<16x20xf32>
    %get3A_13 = arith.constant 0 : index
    %get3A_14 = arith.constant 0 : index
    %get3A_15 = vector.load %arg2[%get3A_13, %get3A_14] : memref<16x20xf32, #tpu.memory_space<vmem>>, vector<16x20xf32>
    %get3A_16 = arith.constant 0 : index
    %get3A_17 = arith.constant 0 : index
    %get3A_18 = vector.load %arg4[%get3A_16, %get3A_17] : memref<16x20xf32, #tpu.memory_space<vmem>>, vector<16x20xf32>
    %get3A_19 = arith.constant 0 : index
    %get3A_20 = arith.constant 0 : index
    %get3A_21 = vector.load %arg6[%get3A_19, %get3A_20] : memref<16x20xf32, #tpu.memory_space<vmem>>, vector<16x20xf32>
    %broadcast_in_dim3A = arith.constant 0.000000e+00 : f32
    %broadcast_in_dim3A_22 = vector.broadcast %broadcast_in_dim3A : f32 to vector<16x1xf32>
    %broadcast_in_dim3A_23 = arith.constant 0xFF800000 : f32
    %broadcast_in_dim3A_24 = vector.broadcast %broadcast_in_dim3A_23 : f32 to vector<16x1xf32>
    %slice3A = vector.extract_strided_slice %get3A_21 {offsets = [0, 0], sizes = [16, 1], strides = [1, 1]} : vector<16x20xf32> to vector<16x1xf32>
    %gt3A = arith.constant 5.000000e-01 : f32
    %gt3A_25 = vector.broadcast %gt3A : f32 to vector<16x1xf32>
    %gt3A_26 = arith.cmpf ogt, %slice3A, %gt3A_25 : vector<16x1xf32>
    %slice3A_27 = vector.extract_strided_slice %sub3A {offsets = [0, 0], sizes = [16, 1], strides = [1, 1]} : vector<16x20xf32> to vector<16x1xf32>
    %select_n3A = arith.select %gt3A_26, %broadcast_in_dim3A_22, %slice3A_27 : vector<16x1xi1>, vector<16x1xf32>
    %slice3A_28 = vector.extract_strided_slice %sub3A_8 {offsets = [0, 0], sizes = [16, 1], strides = [1, 1]} : vector<16x20xf32> to vector<16x1xf32>
    %select_n3A_29 = arith.select %gt3A_26, %broadcast_in_dim3A_24, %slice3A_28 : vector<16x1xi1>, vector<16x1xf32>
    %slice3A_30 = vector.extract_strided_slice %sub3A_12 {offsets = [0, 0], sizes = [16, 1], strides = [1, 1]} : vector<16x20xf32> to vector<16x1xf32>
    %slice3A_31 = vector.extract_strided_slice %sub3A {offsets = [0, 0], sizes = [16, 1], strides = [1, 1]} : vector<16x20xf32> to vector<16x1xf32>
    %select_n3A_32 = arith.select %gt3A_26, %slice3A_30, %slice3A_31 : vector<16x1xi1>, vector<16x1xf32>
    %slice3A_33 = vector.extract_strided_slice %sub3A_12 {offsets = [0, 0], sizes = [16, 1], strides = [1, 1]} : vector<16x20xf32> to vector<16x1xf32>
    %slice3A_34 = vector.extract_strided_slice %sub3A_8 {offsets = [0, 0], sizes = [16, 1], strides = [1, 1]} : vector<16x20xf32> to vector<16x1xf32>
    %select_n3A_35 = arith.select %gt3A_26, %slice3A_33, %slice3A_34 : vector<16x1xi1>, vector<16x1xf32>
    %select_n3A_36 = arith.select %gt3A_26, %broadcast_in_dim3A_22, %select_n3A_32 : vector<16x1xi1>, vector<16x1xf32>
    %select_n3A_37 = arith.select %gt3A_26, %broadcast_in_dim3A_22, %select_n3A_35 : vector<16x1xi1>, vector<16x1xf32>
    %slice3A_38 = vector.extract_strided_slice %sub3A {offsets = [0, 1], sizes = [16, 1], strides = [1, 1]} : vector<16x20xf32> to vector<16x1xf32>
    %slice3A_39 = vector.extract_strided_slice %sub3A_8 {offsets = [0, 1], sizes = [16, 1], strides = [1, 1]} : vector<16x20xf32> to vector<16x1xf32>
    %slice3A_40 = vector.extract_strided_slice %get3A_15 {offsets = [0, 1], sizes = [16, 1], strides = [1, 1]} : vector<16x20xf32> to vector<16x1xf32>
    %slice3A_41 = vector.extract_strided_slice %get3A_18 {offsets = [0, 1], sizes = [16, 1], strides = [1, 1]} : vector<16x20xf32> to vector<16x1xf32>
    %add3A = arith.addf %select_n3A, %slice3A_38 : vector<16x1xf32>
    %add3A_42 = arith.addf %select_n3A, %slice3A_39 : vector<16x1xf32>
    %add3A_43 = arith.addf %select_n3A_29, %slice3A_38 : vector<16x1xf32>
    %add3A_44 = arith.addf %select_n3A_29, %slice3A_39 : vector<16x1xf32>
    %add3A_45 = arith.constant 1.000000e+05 : f32
    %add3A_46 = vector.broadcast %add3A_45 : f32 to vector<16x1xf32>
    %add3A_47 = arith.addf %add3A_46, %slice3A_40 : vector<16x1xf32>
    %add3A_48 = arith.constant 1.000000e+05 : f32
    %add3A_49 = vector.broadcast %add3A_48 : f32 to vector<16x1xf32>
    %add3A_50 = arith.addf %add3A_49, %slice3A_41 : vector<16x1xf32>
    %broadcast_in_dim3A_51 = arith.constant 1.07374182E+9 : f32
    %broadcast_in_dim3A_52 = vector.broadcast %broadcast_in_dim3A_51 : f32 to vector<16x1xf32>
    %gt3A_53 = arith.cmpf ogt, %add3A_42, %add3A : vector<16x1xf32>
    %eq3A = arith.cmpf oeq, %add3A_42, %add3A : vector<16x1xf32>
    %lt3A = arith.cmpf olt, %slice3A_41, %slice3A_40 : vector<16x1xf32>
    %and3A = arith.andi %eq3A, %lt3A : vector<16x1xi1>
    %or3A = arith.ori %gt3A_53, %and3A : vector<16x1xi1>
    %not3A = arith.constant dense<true> : vector<16x1xi1>
    %not3A_54 = arith.xori %or3A, %not3A : vector<16x1xi1>
    %gt3A_55 = arith.cmpf ogt, %add3A_42, %broadcast_in_dim3A_24 : vector<16x1xf32>
    %eq3A_56 = arith.cmpf oeq, %add3A_42, %broadcast_in_dim3A_24 : vector<16x1xf32>
    %lt3A_57 = arith.cmpf olt, %slice3A_41, %broadcast_in_dim3A_52 : vector<16x1xf32>
    %and3A_58 = arith.andi %eq3A_56, %lt3A_57 : vector<16x1xi1>
    %or3A_59 = arith.ori %gt3A_55, %and3A_58 : vector<16x1xi1>
    %and3A_60 = arith.andi %not3A_54, %or3A_59 : vector<16x1xi1>
    %select_n3A_61 = arith.select %and3A_60, %add3A_42, %broadcast_in_dim3A_24 : vector<16x1xi1>, vector<16x1xf32>
    %select_n3A_62 = arith.select %or3A, %add3A, %select_n3A_61 : vector<16x1xi1>, vector<16x1xf32>
    %select_n3A_63 = arith.select %and3A_60, %slice3A_41, %broadcast_in_dim3A_52 : vector<16x1xi1>, vector<16x1xf32>
    %select_n3A_64 = arith.select %or3A, %slice3A_40, %select_n3A_63 : vector<16x1xi1>, vector<16x1xf32>
    %select_n3A_65 = arith.select %and3A_60, %slice3A_39, %broadcast_in_dim3A_22 : vector<16x1xi1>, vector<16x1xf32>
    %select_n3A_66 = arith.select %or3A, %slice3A_38, %select_n3A_65 : vector<16x1xi1>, vector<16x1xf32>
    %select_n3A_67 = arith.select %or3A, %add3A_42, %add3A : vector<16x1xi1>, vector<16x1xf32>
    %select_n3A_68 = arith.select %or3A, %slice3A_41, %slice3A_40 : vector<16x1xi1>, vector<16x1xf32>
    %select_n3A_69 = arith.select %or3A, %slice3A_39, %slice3A_38 : vector<16x1xi1>, vector<16x1xf32>
    %gt3A_70 = arith.cmpf ogt, %add3A_43, %select_n3A_67 : vector<16x1xf32>
    %eq3A_71 = arith.cmpf oeq, %add3A_43, %select_n3A_67 : vector<16x1xf32>
    %lt3A_72 = arith.cmpf olt, %add3A_47, %select_n3A_68 : vector<16x1xf32>
    %and3A_73 = arith.andi %eq3A_71, %lt3A_72 : vector<16x1xi1>
    %or3A_74 = arith.ori %gt3A_70, %and3A_73 : vector<16x1xi1>
    %not3A_75 = arith.constant dense<true> : vector<16x1xi1>
    %not3A_76 = arith.xori %or3A_74, %not3A_75 : vector<16x1xi1>
    %gt3A_77 = arith.cmpf ogt, %add3A_43, %select_n3A_62 : vector<16x1xf32>
    %eq3A_78 = arith.cmpf oeq, %add3A_43, %select_n3A_62 : vector<16x1xf32>
    %lt3A_79 = arith.cmpf olt, %add3A_47, %select_n3A_64 : vector<16x1xf32>
    %and3A_80 = arith.andi %eq3A_78, %lt3A_79 : vector<16x1xi1>
    %or3A_81 = arith.ori %gt3A_77, %and3A_80 : vector<16x1xi1>
    %and3A_82 = arith.andi %not3A_76, %or3A_81 : vector<16x1xi1>
    %select_n3A_83 = arith.select %and3A_82, %add3A_43, %select_n3A_62 : vector<16x1xi1>, vector<16x1xf32>
    %select_n3A_84 = arith.select %or3A_74, %select_n3A_67, %select_n3A_83 : vector<16x1xi1>, vector<16x1xf32>
    %select_n3A_85 = arith.select %and3A_82, %add3A_47, %select_n3A_64 : vector<16x1xi1>, vector<16x1xf32>
    %select_n3A_86 = arith.select %or3A_74, %select_n3A_68, %select_n3A_85 : vector<16x1xi1>, vector<16x1xf32>
    %select_n3A_87 = arith.select %and3A_82, %slice3A_38, %select_n3A_66 : vector<16x1xi1>, vector<16x1xf32>
    %select_n3A_88 = arith.select %or3A_74, %select_n3A_69, %select_n3A_87 : vector<16x1xi1>, vector<16x1xf32>
    %select_n3A_89 = arith.select %or3A_74, %add3A_43, %select_n3A_67 : vector<16x1xi1>, vector<16x1xf32>
    %select_n3A_90 = arith.select %or3A_74, %add3A_47, %select_n3A_68 : vector<16x1xi1>, vector<16x1xf32>
    %select_n3A_91 = arith.select %or3A_74, %slice3A_38, %select_n3A_69 : vector<16x1xi1>, vector<16x1xf32>
    %gt3A_92 = arith.cmpf ogt, %add3A_44, %select_n3A_89 : vector<16x1xf32>
    %eq3A_93 = arith.cmpf oeq, %add3A_44, %select_n3A_89 : vector<16x1xf32>
    %lt3A_94 = arith.cmpf olt, %add3A_50, %select_n3A_90 : vector<16x1xf32>
    %and3A_95 = arith.andi %eq3A_93, %lt3A_94 : vector<16x1xi1>
    %or3A_96 = arith.ori %gt3A_92, %and3A_95 : vector<16x1xi1>
    %not3A_97 = arith.constant dense<true> : vector<16x1xi1>
    %not3A_98 = arith.xori %or3A_96, %not3A_97 : vector<16x1xi1>
    %gt3A_99 = arith.cmpf ogt, %add3A_44, %select_n3A_84 : vector<16x1xf32>
    %eq3A_100 = arith.cmpf oeq, %add3A_44, %select_n3A_84 : vector<16x1xf32>
    %lt3A_101 = arith.cmpf olt, %add3A_50, %select_n3A_86 : vector<16x1xf32>
    %and3A_102 = arith.andi %eq3A_100, %lt3A_101 : vector<16x1xi1>
    %or3A_103 = arith.ori %gt3A_99, %and3A_102 : vector<16x1xi1>
    %and3A_104 = arith.andi %not3A_98, %or3A_103 : vector<16x1xi1>
    %select_n3A_105 = arith.select %and3A_104, %add3A_44, %select_n3A_84 : vector<16x1xi1>, vector<16x1xf32>
    %select_n3A_106 = arith.select %or3A_96, %select_n3A_89, %select_n3A_105 : vector<16x1xi1>, vector<16x1xf32>
    %select_n3A_107 = arith.select %and3A_104, %slice3A_39, %select_n3A_88 : vector<16x1xi1>, vector<16x1xf32>
    %select_n3A_108 = arith.select %or3A_96, %select_n3A_91, %select_n3A_107 : vector<16x1xi1>, vector<16x1xf32>
    %select_n3A_109 = arith.select %or3A_96, %add3A_44, %select_n3A_89 : vector<16x1xi1>, vector<16x1xf32>
    %select_n3A_110 = arith.select %or3A_96, %slice3A_39, %select_n3A_91 : vector<16x1xi1>, vector<16x1xf32>
    %slice3A_111 = vector.extract_strided_slice %sub3A_12 {offsets = [0, 1], sizes = [16, 1], strides = [1, 1]} : vector<16x20xf32> to vector<16x1xf32>
    %select_n3A_112 = arith.select %gt3A_26, %select_n3A, %select_n3A_109 : vector<16x1xi1>, vector<16x1xf32>
    %select_n3A_113 = arith.select %gt3A_26, %select_n3A_29, %select_n3A_106 : vector<16x1xi1>, vector<16x1xf32>
    %select_n3A_114 = arith.select %gt3A_26, %slice3A_111, %select_n3A_110 : vector<16x1xi1>, vector<16x1xf32>
    %select_n3A_115 = arith.select %gt3A_26, %slice3A_111, %select_n3A_108 : vector<16x1xi1>, vector<16x1xf32>
    %slice3A_116 = vector.extract_strided_slice %get3A_21 {offsets = [0, 1], sizes = [16, 1], strides = [1, 1]} : vector<16x20xf32> to vector<16x1xf32>
    %gt3A_117 = arith.constant 5.000000e-01 : f32
    %gt3A_118 = vector.broadcast %gt3A_117 : f32 to vector<16x1xf32>
    %gt3A_119 = arith.cmpf ogt, %slice3A_116, %gt3A_118 : vector<16x1xf32>
    %select_n3A_120 = arith.select %gt3A_119, %broadcast_in_dim3A_22, %select_n3A_114 : vector<16x1xi1>, vector<16x1xf32>
    %add3A_121 = arith.addf %select_n3A_36, %select_n3A_120 : vector<16x1xf32>
    %select_n3A_122 = arith.select %gt3A_119, %broadcast_in_dim3A_22, %select_n3A_115 : vector<16x1xi1>, vector<16x1xf32>
    %add3A_123 = arith.addf %select_n3A_37, %select_n3A_122 : vector<16x1xf32>
    %slice3A_124 = vector.extract_strided_slice %sub3A {offsets = [0, 2], sizes = [16, 1], strides = [1, 1]} : vector<16x20xf32> to vector<16x1xf32>
    %slice3A_125 = vector.extract_strided_slice %sub3A_8 {offsets = [0, 2], sizes = [16, 1], strides = [1, 1]} : vector<16x20xf32> to vector<16x1xf32>
    %slice3A_126 = vector.extract_strided_slice %get3A_15 {offsets = [0, 2], sizes = [16, 1], strides = [1, 1]} : vector<16x20xf32> to vector<16x1xf32>
    %slice3A_127 = vector.extract_strided_slice %get3A_18 {offsets = [0, 2], sizes = [16, 1], strides = [1, 1]} : vector<16x20xf32> to vector<16x1xf32>
    %add3A_128 = arith.addf %select_n3A_112, %slice3A_124 : vector<16x1xf32>
    %add3A_129 = arith.addf %select_n3A_112, %slice3A_125 : vector<16x1xf32>
    %add3A_130 = arith.addf %select_n3A_113, %slice3A_124 : vector<16x1xf32>
    %add3A_131 = arith.addf %select_n3A_113, %slice3A_125 : vector<16x1xf32>
    %add3A_132 = arith.constant 1.000000e+05 : f32
    %add3A_133 = vector.broadcast %add3A_132 : f32 to vector<16x1xf32>
    %add3A_134 = arith.addf %add3A_133, %slice3A_126 : vector<16x1xf32>
    %add3A_135 = arith.constant 1.000000e+05 : f32
    %add3A_136 = vector.broadcast %add3A_135 : f32 to vector<16x1xf32>
    %add3A_137 = arith.addf %add3A_136, %slice3A_127 : vector<16x1xf32>
    %broadcast_in_dim3A_138 = arith.constant 1.07374182E+9 : f32
    %broadcast_in_dim3A_139 = vector.broadcast %broadcast_in_dim3A_138 : f32 to vector<16x1xf32>
    %gt3A_140 = arith.cmpf ogt, %add3A_129, %add3A_128 : vector<16x1xf32>
    %eq3A_141 = arith.cmpf oeq, %add3A_129, %add3A_128 : vector<16x1xf32>
    %lt3A_142 = arith.cmpf olt, %slice3A_127, %slice3A_126 : vector<16x1xf32>
    %and3A_143 = arith.andi %eq3A_141, %lt3A_142 : vector<16x1xi1>
    %or3A_144 = arith.ori %gt3A_140, %and3A_143 : vector<16x1xi1>
    %not3A_145 = arith.constant dense<true> : vector<16x1xi1>
    %not3A_146 = arith.xori %or3A_144, %not3A_145 : vector<16x1xi1>
    %gt3A_147 = arith.cmpf ogt, %add3A_129, %broadcast_in_dim3A_24 : vector<16x1xf32>
    %eq3A_148 = arith.cmpf oeq, %add3A_129, %broadcast_in_dim3A_24 : vector<16x1xf32>
    %lt3A_149 = arith.cmpf olt, %slice3A_127, %broadcast_in_dim3A_139 : vector<16x1xf32>
    %and3A_150 = arith.andi %eq3A_148, %lt3A_149 : vector<16x1xi1>
    %or3A_151 = arith.ori %gt3A_147, %and3A_150 : vector<16x1xi1>
    %and3A_152 = arith.andi %not3A_146, %or3A_151 : vector<16x1xi1>
    %select_n3A_153 = arith.select %and3A_152, %add3A_129, %broadcast_in_dim3A_24 : vector<16x1xi1>, vector<16x1xf32>
    %select_n3A_154 = arith.select %or3A_144, %add3A_128, %select_n3A_153 : vector<16x1xi1>, vector<16x1xf32>
    %select_n3A_155 = arith.select %and3A_152, %slice3A_127, %broadcast_in_dim3A_139 : vector<16x1xi1>, vector<16x1xf32>
    %select_n3A_156 = arith.select %or3A_144, %slice3A_126, %select_n3A_155 : vector<16x1xi1>, vector<16x1xf32>
    %select_n3A_157 = arith.select %and3A_152, %slice3A_125, %broadcast_in_dim3A_22 : vector<16x1xi1>, vector<16x1xf32>
    %select_n3A_158 = arith.select %or3A_144, %slice3A_124, %select_n3A_157 : vector<16x1xi1>, vector<16x1xf32>
    %select_n3A_159 = arith.select %or3A_144, %add3A_129, %add3A_128 : vector<16x1xi1>, vector<16x1xf32>
    %select_n3A_160 = arith.select %or3A_144, %slice3A_127, %slice3A_126 : vector<16x1xi1>, vector<16x1xf32>
    %select_n3A_161 = arith.select %or3A_144, %slice3A_125, %slice3A_124 : vector<16x1xi1>, vector<16x1xf32>
    %gt3A_162 = arith.cmpf ogt, %add3A_130, %select_n3A_159 : vector<16x1xf32>
    %eq3A_163 = arith.cmpf oeq, %add3A_130, %select_n3A_159 : vector<16x1xf32>
    %lt3A_164 = arith.cmpf olt, %add3A_134, %select_n3A_160 : vector<16x1xf32>
    %and3A_165 = arith.andi %eq3A_163, %lt3A_164 : vector<16x1xi1>
    %or3A_166 = arith.ori %gt3A_162, %and3A_165 : vector<16x1xi1>
    %not3A_167 = arith.constant dense<true> : vector<16x1xi1>
    %not3A_168 = arith.xori %or3A_166, %not3A_167 : vector<16x1xi1>
    %gt3A_169 = arith.cmpf ogt, %add3A_130, %select_n3A_154 : vector<16x1xf32>
    %eq3A_170 = arith.cmpf oeq, %add3A_130, %select_n3A_154 : vector<16x1xf32>
    %lt3A_171 = arith.cmpf olt, %add3A_134, %select_n3A_156 : vector<16x1xf32>
    %and3A_172 = arith.andi %eq3A_170, %lt3A_171 : vector<16x1xi1>
    %or3A_173 = arith.ori %gt3A_169, %and3A_172 : vector<16x1xi1>
    %and3A_174 = arith.andi %not3A_168, %or3A_173 : vector<16x1xi1>
    %select_n3A_175 = arith.select %and3A_174, %add3A_130, %select_n3A_154 : vector<16x1xi1>, vector<16x1xf32>
    %select_n3A_176 = arith.select %or3A_166, %select_n3A_159, %select_n3A_175 : vector<16x1xi1>, vector<16x1xf32>
    %select_n3A_177 = arith.select %and3A_174, %add3A_134, %select_n3A_156 : vector<16x1xi1>, vector<16x1xf32>
    %select_n3A_178 = arith.select %or3A_166, %select_n3A_160, %select_n3A_177 : vector<16x1xi1>, vector<16x1xf32>
    %select_n3A_179 = arith.select %and3A_174, %slice3A_124, %select_n3A_158 : vector<16x1xi1>, vector<16x1xf32>
    %select_n3A_180 = arith.select %or3A_166, %select_n3A_161, %select_n3A_179 : vector<16x1xi1>, vector<16x1xf32>
    %select_n3A_181 = arith.select %or3A_166, %add3A_130, %select_n3A_159 : vector<16x1xi1>, vector<16x1xf32>
    %select_n3A_182 = arith.select %or3A_166, %add3A_134, %select_n3A_160 : vector<16x1xi1>, vector<16x1xf32>
    %select_n3A_183 = arith.select %or3A_166, %slice3A_124, %select_n3A_161 : vector<16x1xi1>, vector<16x1xf32>
    %gt3A_184 = arith.cmpf ogt, %add3A_131, %select_n3A_181 : vector<16x1xf32>
    %eq3A_185 = arith.cmpf oeq, %add3A_131, %select_n3A_181 : vector<16x1xf32>
    %lt3A_186 = arith.cmpf olt, %add3A_137, %select_n3A_182 : vector<16x1xf32>
    %and3A_187 = arith.andi %eq3A_185, %lt3A_186 : vector<16x1xi1>
    %or3A_188 = arith.ori %gt3A_184, %and3A_187 : vector<16x1xi1>
    %not3A_189 = arith.constant dense<true> : vector<16x1xi1>
    %not3A_190 = arith.xori %or3A_188, %not3A_189 : vector<16x1xi1>
    %gt3A_191 = arith.cmpf ogt, %add3A_131, %select_n3A_176 : vector<16x1xf32>
    %eq3A_192 = arith.cmpf oeq, %add3A_131, %select_n3A_176 : vector<16x1xf32>
    %lt3A_193 = arith.cmpf olt, %add3A_137, %select_n3A_178 : vector<16x1xf32>
    %and3A_194 = arith.andi %eq3A_192, %lt3A_193 : vector<16x1xi1>
    %or3A_195 = arith.ori %gt3A_191, %and3A_194 : vector<16x1xi1>
    %and3A_196 = arith.andi %not3A_190, %or3A_195 : vector<16x1xi1>
    %select_n3A_197 = arith.select %and3A_196, %add3A_131, %select_n3A_176 : vector<16x1xi1>, vector<16x1xf32>
    %select_n3A_198 = arith.select %or3A_188, %select_n3A_181, %select_n3A_197 : vector<16x1xi1>, vector<16x1xf32>
    %select_n3A_199 = arith.select %and3A_196, %slice3A_125, %select_n3A_180 : vector<16x1xi1>, vector<16x1xf32>
    %select_n3A_200 = arith.select %or3A_188, %select_n3A_183, %select_n3A_199 : vector<16x1xi1>, vector<16x1xf32>
    %select_n3A_201 = arith.select %or3A_188, %add3A_131, %select_n3A_181 : vector<16x1xi1>, vector<16x1xf32>
    %select_n3A_202 = arith.select %or3A_188, %slice3A_125, %select_n3A_183 : vector<16x1xi1>, vector<16x1xf32>
    %slice3A_203 = vector.extract_strided_slice %sub3A_12 {offsets = [0, 2], sizes = [16, 1], strides = [1, 1]} : vector<16x20xf32> to vector<16x1xf32>
    %select_n3A_204 = arith.select %gt3A_119, %select_n3A_112, %select_n3A_201 : vector<16x1xi1>, vector<16x1xf32>
    %select_n3A_205 = arith.select %gt3A_119, %select_n3A_113, %select_n3A_198 : vector<16x1xi1>, vector<16x1xf32>
    %select_n3A_206 = arith.select %gt3A_119, %slice3A_203, %select_n3A_202 : vector<16x1xi1>, vector<16x1xf32>
    %select_n3A_207 = arith.select %gt3A_119, %slice3A_203, %select_n3A_200 : vector<16x1xi1>, vector<16x1xf32>
    %slice3A_208 = vector.extract_strided_slice %get3A_21 {offsets = [0, 2], sizes = [16, 1], strides = [1, 1]} : vector<16x20xf32> to vector<16x1xf32>
    %gt3A_209 = arith.constant 5.000000e-01 : f32
    %gt3A_210 = vector.broadcast %gt3A_209 : f32 to vector<16x1xf32>
    %gt3A_211 = arith.cmpf ogt, %slice3A_208, %gt3A_210 : vector<16x1xf32>
    %select_n3A_212 = arith.select %gt3A_211, %broadcast_in_dim3A_22, %select_n3A_206 : vector<16x1xi1>, vector<16x1xf32>
    %add3A_213 = arith.addf %add3A_121, %select_n3A_212 : vector<16x1xf32>
    %select_n3A_214 = arith.select %gt3A_211, %broadcast_in_dim3A_22, %select_n3A_207 : vector<16x1xi1>, vector<16x1xf32>
    %add3A_215 = arith.addf %add3A_123, %select_n3A_214 : vector<16x1xf32>
    %slice3A_216 = vector.extract_strided_slice %sub3A {offsets = [0, 3], sizes = [16, 1], strides = [1, 1]} : vector<16x20xf32> to vector<16x1xf32>
    %slice3A_217 = vector.extract_strided_slice %sub3A_8 {offsets = [0, 3], sizes = [16, 1], strides = [1, 1]} : vector<16x20xf32> to vector<16x1xf32>
    %slice3A_218 = vector.extract_strided_slice %get3A_15 {offsets = [0, 3], sizes = [16, 1], strides = [1, 1]} : vector<16x20xf32> to vector<16x1xf32>
    %slice3A_219 = vector.extract_strided_slice %get3A_18 {offsets = [0, 3], sizes = [16, 1], strides = [1, 1]} : vector<16x20xf32> to vector<16x1xf32>
    %add3A_220 = arith.addf %select_n3A_204, %slice3A_216 : vector<16x1xf32>
    %add3A_221 = arith.addf %select_n3A_204, %slice3A_217 : vector<16x1xf32>
    %add3A_222 = arith.addf %select_n3A_205, %slice3A_216 : vector<16x1xf32>
    %add3A_223 = arith.addf %select_n3A_205, %slice3A_217 : vector<16x1xf32>
    %add3A_224 = arith.constant 1.000000e+05 : f32
    %add3A_225 = vector.broadcast %add3A_224 : f32 to vector<16x1xf32>
    %add3A_226 = arith.addf %add3A_225, %slice3A_218 : vector<16x1xf32>
    %add3A_227 = arith.constant 1.000000e+05 : f32
    %add3A_228 = vector.broadcast %add3A_227 : f32 to vector<16x1xf32>
    %add3A_229 = arith.addf %add3A_228, %slice3A_219 : vector<16x1xf32>
    %broadcast_in_dim3A_230 = arith.constant 1.07374182E+9 : f32
    %broadcast_in_dim3A_231 = vector.broadcast %broadcast_in_dim3A_230 : f32 to vector<16x1xf32>
    %gt3A_232 = arith.cmpf ogt, %add3A_221, %add3A_220 : vector<16x1xf32>
    %eq3A_233 = arith.cmpf oeq, %add3A_221, %add3A_220 : vector<16x1xf32>
    %lt3A_234 = arith.cmpf olt, %slice3A_219, %slice3A_218 : vector<16x1xf32>
    %and3A_235 = arith.andi %eq3A_233, %lt3A_234 : vector<16x1xi1>
    %or3A_236 = arith.ori %gt3A_232, %and3A_235 : vector<16x1xi1>
    %not3A_237 = arith.constant dense<true> : vector<16x1xi1>
    %not3A_238 = arith.xori %or3A_236, %not3A_237 : vector<16x1xi1>
    %gt3A_239 = arith.cmpf ogt, %add3A_221, %broadcast_in_dim3A_24 : vector<16x1xf32>
    %eq3A_240 = arith.cmpf oeq, %add3A_221, %broadcast_in_dim3A_24 : vector<16x1xf32>
    %lt3A_241 = arith.cmpf olt, %slice3A_219, %broadcast_in_dim3A_231 : vector<16x1xf32>
    %and3A_242 = arith.andi %eq3A_240, %lt3A_241 : vector<16x1xi1>
    %or3A_243 = arith.ori %gt3A_239, %and3A_242 : vector<16x1xi1>
    %and3A_244 = arith.andi %not3A_238, %or3A_243 : vector<16x1xi1>
    %select_n3A_245 = arith.select %and3A_244, %add3A_221, %broadcast_in_dim3A_24 : vector<16x1xi1>, vector<16x1xf32>
    %select_n3A_246 = arith.select %or3A_236, %add3A_220, %select_n3A_245 : vector<16x1xi1>, vector<16x1xf32>
    %select_n3A_247 = arith.select %and3A_244, %slice3A_219, %broadcast_in_dim3A_231 : vector<16x1xi1>, vector<16x1xf32>
    %select_n3A_248 = arith.select %or3A_236, %slice3A_218, %select_n3A_247 : vector<16x1xi1>, vector<16x1xf32>
    %select_n3A_249 = arith.select %and3A_244, %slice3A_217, %broadcast_in_dim3A_22 : vector<16x1xi1>, vector<16x1xf32>
    %select_n3A_250 = arith.select %or3A_236, %slice3A_216, %select_n3A_249 : vector<16x1xi1>, vector<16x1xf32>
    %select_n3A_251 = arith.select %or3A_236, %add3A_221, %add3A_220 : vector<16x1xi1>, vector<16x1xf32>
    %select_n3A_252 = arith.select %or3A_236, %slice3A_219, %slice3A_218 : vector<16x1xi1>, vector<16x1xf32>
    %select_n3A_253 = arith.select %or3A_236, %slice3A_217, %slice3A_216 : vector<16x1xi1>, vector<16x1xf32>
    %gt3A_254 = arith.cmpf ogt, %add3A_222, %select_n3A_251 : vector<16x1xf32>
    %eq3A_255 = arith.cmpf oeq, %add3A_222, %select_n3A_251 : vector<16x1xf32>
    %lt3A_256 = arith.cmpf olt, %add3A_226, %select_n3A_252 : vector<16x1xf32>
    %and3A_257 = arith.andi %eq3A_255, %lt3A_256 : vector<16x1xi1>
    %or3A_258 = arith.ori %gt3A_254, %and3A_257 : vector<16x1xi1>
    %not3A_259 = arith.constant dense<true> : vector<16x1xi1>
    %not3A_260 = arith.xori %or3A_258, %not3A_259 : vector<16x1xi1>
    %gt3A_261 = arith.cmpf ogt, %add3A_222, %select_n3A_246 : vector<16x1xf32>
    %eq3A_262 = arith.cmpf oeq, %add3A_222, %select_n3A_246 : vector<16x1xf32>
    %lt3A_263 = arith.cmpf olt, %add3A_226, %select_n3A_248 : vector<16x1xf32>
    %and3A_264 = arith.andi %eq3A_262, %lt3A_263 : vector<16x1xi1>
    %or3A_265 = arith.ori %gt3A_261, %and3A_264 : vector<16x1xi1>
    %and3A_266 = arith.andi %not3A_260, %or3A_265 : vector<16x1xi1>
    %select_n3A_267 = arith.select %and3A_266, %add3A_222, %select_n3A_246 : vector<16x1xi1>, vector<16x1xf32>
    %select_n3A_268 = arith.select %or3A_258, %select_n3A_251, %select_n3A_267 : vector<16x1xi1>, vector<16x1xf32>
    %select_n3A_269 = arith.select %and3A_266, %add3A_226, %select_n3A_248 : vector<16x1xi1>, vector<16x1xf32>
    %select_n3A_270 = arith.select %or3A_258, %select_n3A_252, %select_n3A_269 : vector<16x1xi1>, vector<16x1xf32>
    %select_n3A_271 = arith.select %and3A_266, %slice3A_216, %select_n3A_250 : vector<16x1xi1>, vector<16x1xf32>
    %select_n3A_272 = arith.select %or3A_258, %select_n3A_253, %select_n3A_271 : vector<16x1xi1>, vector<16x1xf32>
    %select_n3A_273 = arith.select %or3A_258, %add3A_222, %select_n3A_251 : vector<16x1xi1>, vector<16x1xf32>
    %select_n3A_274 = arith.select %or3A_258, %add3A_226, %select_n3A_252 : vector<16x1xi1>, vector<16x1xf32>
    %select_n3A_275 = arith.select %or3A_258, %slice3A_216, %select_n3A_253 : vector<16x1xi1>, vector<16x1xf32>
    %gt3A_276 = arith.cmpf ogt, %add3A_223, %select_n3A_273 : vector<16x1xf32>
    %eq3A_277 = arith.cmpf oeq, %add3A_223, %select_n3A_273 : vector<16x1xf32>
    %lt3A_278 = arith.cmpf olt, %add3A_229, %select_n3A_274 : vector<16x1xf32>
    %and3A_279 = arith.andi %eq3A_277, %lt3A_278 : vector<16x1xi1>
    %or3A_280 = arith.ori %gt3A_276, %and3A_279 : vector<16x1xi1>
    %not3A_281 = arith.constant dense<true> : vector<16x1xi1>
    %not3A_282 = arith.xori %or3A_280, %not3A_281 : vector<16x1xi1>
    %gt3A_283 = arith.cmpf ogt, %add3A_223, %select_n3A_268 : vector<16x1xf32>
    %eq3A_284 = arith.cmpf oeq, %add3A_223, %select_n3A_268 : vector<16x1xf32>
    %lt3A_285 = arith.cmpf olt, %add3A_229, %select_n3A_270 : vector<16x1xf32>
    %and3A_286 = arith.andi %eq3A_284, %lt3A_285 : vector<16x1xi1>
    %or3A_287 = arith.ori %gt3A_283, %and3A_286 : vector<16x1xi1>
    %and3A_288 = arith.andi %not3A_282, %or3A_287 : vector<16x1xi1>
    %select_n3A_289 = arith.select %and3A_288, %add3A_223, %select_n3A_268 : vector<16x1xi1>, vector<16x1xf32>
    %select_n3A_290 = arith.select %or3A_280, %select_n3A_273, %select_n3A_289 : vector<16x1xi1>, vector<16x1xf32>
    %select_n3A_291 = arith.select %and3A_288, %slice3A_217, %select_n3A_272 : vector<16x1xi1>, vector<16x1xf32>
    %select_n3A_292 = arith.select %or3A_280, %select_n3A_275, %select_n3A_291 : vector<16x1xi1>, vector<16x1xf32>
    %select_n3A_293 = arith.select %or3A_280, %add3A_223, %select_n3A_273 : vector<16x1xi1>, vector<16x1xf32>
    %select_n3A_294 = arith.select %or3A_280, %slice3A_217, %select_n3A_275 : vector<16x1xi1>, vector<16x1xf32>
    %slice3A_295 = vector.extract_strided_slice %sub3A_12 {offsets = [0, 3], sizes = [16, 1], strides = [1, 1]} : vector<16x20xf32> to vector<16x1xf32>
    %select_n3A_296 = arith.select %gt3A_211, %select_n3A_204, %select_n3A_293 : vector<16x1xi1>, vector<16x1xf32>
    %select_n3A_297 = arith.select %gt3A_211, %select_n3A_205, %select_n3A_290 : vector<16x1xi1>, vector<16x1xf32>
    %select_n3A_298 = arith.select %gt3A_211, %slice3A_295, %select_n3A_294 : vector<16x1xi1>, vector<16x1xf32>
    %select_n3A_299 = arith.select %gt3A_211, %slice3A_295, %select_n3A_292 : vector<16x1xi1>, vector<16x1xf32>
    %slice3A_300 = vector.extract_strided_slice %get3A_21 {offsets = [0, 3], sizes = [16, 1], strides = [1, 1]} : vector<16x20xf32> to vector<16x1xf32>
    %gt3A_301 = arith.constant 5.000000e-01 : f32
    %gt3A_302 = vector.broadcast %gt3A_301 : f32 to vector<16x1xf32>
    %gt3A_303 = arith.cmpf ogt, %slice3A_300, %gt3A_302 : vector<16x1xf32>
    %select_n3A_304 = arith.select %gt3A_303, %broadcast_in_dim3A_22, %select_n3A_298 : vector<16x1xi1>, vector<16x1xf32>
    %add3A_305 = arith.addf %add3A_213, %select_n3A_304 : vector<16x1xf32>
    %select_n3A_306 = arith.select %gt3A_303, %broadcast_in_dim3A_22, %select_n3A_299 : vector<16x1xi1>, vector<16x1xf32>
    %add3A_307 = arith.addf %add3A_215, %select_n3A_306 : vector<16x1xf32>
    %slice3A_308 = vector.extract_strided_slice %sub3A {offsets = [0, 4], sizes = [16, 1], strides = [1, 1]} : vector<16x20xf32> to vector<16x1xf32>
    %slice3A_309 = vector.extract_strided_slice %sub3A_8 {offsets = [0, 4], sizes = [16, 1], strides = [1, 1]} : vector<16x20xf32> to vector<16x1xf32>
    %slice3A_310 = vector.extract_strided_slice %get3A_15 {offsets = [0, 4], sizes = [16, 1], strides = [1, 1]} : vector<16x20xf32> to vector<16x1xf32>
    %slice3A_311 = vector.extract_strided_slice %get3A_18 {offsets = [0, 4], sizes = [16, 1], strides = [1, 1]} : vector<16x20xf32> to vector<16x1xf32>
    %add3A_312 = arith.addf %select_n3A_296, %slice3A_308 : vector<16x1xf32>
    %add3A_313 = arith.addf %select_n3A_296, %slice3A_309 : vector<16x1xf32>
    %add3A_314 = arith.addf %select_n3A_297, %slice3A_308 : vector<16x1xf32>
    %add3A_315 = arith.addf %select_n3A_297, %slice3A_309 : vector<16x1xf32>
    %add3A_316 = arith.constant 1.000000e+05 : f32
    %add3A_317 = vector.broadcast %add3A_316 : f32 to vector<16x1xf32>
    %add3A_318 = arith.addf %add3A_317, %slice3A_310 : vector<16x1xf32>
    %add3A_319 = arith.constant 1.000000e+05 : f32
    %add3A_320 = vector.broadcast %add3A_319 : f32 to vector<16x1xf32>
    %add3A_321 = arith.addf %add3A_320, %slice3A_311 : vector<16x1xf32>
    %broadcast_in_dim3A_322 = arith.constant 1.07374182E+9 : f32
    %broadcast_in_dim3A_323 = vector.broadcast %broadcast_in_dim3A_322 : f32 to vector<16x1xf32>
    %gt3A_324 = arith.cmpf ogt, %add3A_313, %add3A_312 : vector<16x1xf32>
    %eq3A_325 = arith.cmpf oeq, %add3A_313, %add3A_312 : vector<16x1xf32>
    %lt3A_326 = arith.cmpf olt, %slice3A_311, %slice3A_310 : vector<16x1xf32>
    %and3A_327 = arith.andi %eq3A_325, %lt3A_326 : vector<16x1xi1>
    %or3A_328 = arith.ori %gt3A_324, %and3A_327 : vector<16x1xi1>
    %not3A_329 = arith.constant dense<true> : vector<16x1xi1>
    %not3A_330 = arith.xori %or3A_328, %not3A_329 : vector<16x1xi1>
    %gt3A_331 = arith.cmpf ogt, %add3A_313, %broadcast_in_dim3A_24 : vector<16x1xf32>
    %eq3A_332 = arith.cmpf oeq, %add3A_313, %broadcast_in_dim3A_24 : vector<16x1xf32>
    %lt3A_333 = arith.cmpf olt, %slice3A_311, %broadcast_in_dim3A_323 : vector<16x1xf32>
    %and3A_334 = arith.andi %eq3A_332, %lt3A_333 : vector<16x1xi1>
    %or3A_335 = arith.ori %gt3A_331, %and3A_334 : vector<16x1xi1>
    %and3A_336 = arith.andi %not3A_330, %or3A_335 : vector<16x1xi1>
    %select_n3A_337 = arith.select %and3A_336, %add3A_313, %broadcast_in_dim3A_24 : vector<16x1xi1>, vector<16x1xf32>
    %select_n3A_338 = arith.select %or3A_328, %add3A_312, %select_n3A_337 : vector<16x1xi1>, vector<16x1xf32>
    %select_n3A_339 = arith.select %and3A_336, %slice3A_311, %broadcast_in_dim3A_323 : vector<16x1xi1>, vector<16x1xf32>
    %select_n3A_340 = arith.select %or3A_328, %slice3A_310, %select_n3A_339 : vector<16x1xi1>, vector<16x1xf32>
    %select_n3A_341 = arith.select %and3A_336, %slice3A_309, %broadcast_in_dim3A_22 : vector<16x1xi1>, vector<16x1xf32>
    %select_n3A_342 = arith.select %or3A_328, %slice3A_308, %select_n3A_341 : vector<16x1xi1>, vector<16x1xf32>
    %select_n3A_343 = arith.select %or3A_328, %add3A_313, %add3A_312 : vector<16x1xi1>, vector<16x1xf32>
    %select_n3A_344 = arith.select %or3A_328, %slice3A_311, %slice3A_310 : vector<16x1xi1>, vector<16x1xf32>
    %select_n3A_345 = arith.select %or3A_328, %slice3A_309, %slice3A_308 : vector<16x1xi1>, vector<16x1xf32>
    %gt3A_346 = arith.cmpf ogt, %add3A_314, %select_n3A_343 : vector<16x1xf32>
    %eq3A_347 = arith.cmpf oeq, %add3A_314, %select_n3A_343 : vector<16x1xf32>
    %lt3A_348 = arith.cmpf olt, %add3A_318, %select_n3A_344 : vector<16x1xf32>
    %and3A_349 = arith.andi %eq3A_347, %lt3A_348 : vector<16x1xi1>
    %or3A_350 = arith.ori %gt3A_346, %and3A_349 : vector<16x1xi1>
    %not3A_351 = arith.constant dense<true> : vector<16x1xi1>
    %not3A_352 = arith.xori %or3A_350, %not3A_351 : vector<16x1xi1>
    %gt3A_353 = arith.cmpf ogt, %add3A_314, %select_n3A_338 : vector<16x1xf32>
    %eq3A_354 = arith.cmpf oeq, %add3A_314, %select_n3A_338 : vector<16x1xf32>
    %lt3A_355 = arith.cmpf olt, %add3A_318, %select_n3A_340 : vector<16x1xf32>
    %and3A_356 = arith.andi %eq3A_354, %lt3A_355 : vector<16x1xi1>
    %or3A_357 = arith.ori %gt3A_353, %and3A_356 : vector<16x1xi1>
    %and3A_358 = arith.andi %not3A_352, %or3A_357 : vector<16x1xi1>
    %select_n3A_359 = arith.select %and3A_358, %add3A_314, %select_n3A_338 : vector<16x1xi1>, vector<16x1xf32>
    %select_n3A_360 = arith.select %or3A_350, %select_n3A_343, %select_n3A_359 : vector<16x1xi1>, vector<16x1xf32>
    %select_n3A_361 = arith.select %and3A_358, %add3A_318, %select_n3A_340 : vector<16x1xi1>, vector<16x1xf32>
    %select_n3A_362 = arith.select %or3A_350, %select_n3A_344, %select_n3A_361 : vector<16x1xi1>, vector<16x1xf32>
    %select_n3A_363 = arith.select %and3A_358, %slice3A_308, %select_n3A_342 : vector<16x1xi1>, vector<16x1xf32>
    %select_n3A_364 = arith.select %or3A_350, %select_n3A_345, %select_n3A_363 : vector<16x1xi1>, vector<16x1xf32>
    %select_n3A_365 = arith.select %or3A_350, %add3A_314, %select_n3A_343 : vector<16x1xi1>, vector<16x1xf32>
    %select_n3A_366 = arith.select %or3A_350, %add3A_318, %select_n3A_344 : vector<16x1xi1>, vector<16x1xf32>
    %select_n3A_367 = arith.select %or3A_350, %slice3A_308, %select_n3A_345 : vector<16x1xi1>, vector<16x1xf32>
    %gt3A_368 = arith.cmpf ogt, %add3A_315, %select_n3A_365 : vector<16x1xf32>
    %eq3A_369 = arith.cmpf oeq, %add3A_315, %select_n3A_365 : vector<16x1xf32>
    %lt3A_370 = arith.cmpf olt, %add3A_321, %select_n3A_366 : vector<16x1xf32>
    %and3A_371 = arith.andi %eq3A_369, %lt3A_370 : vector<16x1xi1>
    %or3A_372 = arith.ori %gt3A_368, %and3A_371 : vector<16x1xi1>
    %not3A_373 = arith.constant dense<true> : vector<16x1xi1>
    %not3A_374 = arith.xori %or3A_372, %not3A_373 : vector<16x1xi1>
    %gt3A_375 = arith.cmpf ogt, %add3A_315, %select_n3A_360 : vector<16x1xf32>
    %eq3A_376 = arith.cmpf oeq, %add3A_315, %select_n3A_360 : vector<16x1xf32>
    %lt3A_377 = arith.cmpf olt, %add3A_321, %select_n3A_362 : vector<16x1xf32>
    %and3A_378 = arith.andi %eq3A_376, %lt3A_377 : vector<16x1xi1>
    %or3A_379 = arith.ori %gt3A_375, %and3A_378 : vector<16x1xi1>
    %and3A_380 = arith.andi %not3A_374, %or3A_379 : vector<16x1xi1>
    %select_n3A_381 = arith.select %and3A_380, %add3A_315, %select_n3A_360 : vector<16x1xi1>, vector<16x1xf32>
    %select_n3A_382 = arith.select %or3A_372, %select_n3A_365, %select_n3A_381 : vector<16x1xi1>, vector<16x1xf32>
    %select_n3A_383 = arith.select %and3A_380, %slice3A_309, %select_n3A_364 : vector<16x1xi1>, vector<16x1xf32>
    %select_n3A_384 = arith.select %or3A_372, %select_n3A_367, %select_n3A_383 : vector<16x1xi1>, vector<16x1xf32>
    %select_n3A_385 = arith.select %or3A_372, %add3A_315, %select_n3A_365 : vector<16x1xi1>, vector<16x1xf32>
    %select_n3A_386 = arith.select %or3A_372, %slice3A_309, %select_n3A_367 : vector<16x1xi1>, vector<16x1xf32>
    %slice3A_387 = vector.extract_strided_slice %sub3A_12 {offsets = [0, 4], sizes = [16, 1], strides = [1, 1]} : vector<16x20xf32> to vector<16x1xf32>
    %select_n3A_388 = arith.select %gt3A_303, %select_n3A_296, %select_n3A_385 : vector<16x1xi1>, vector<16x1xf32>
    %select_n3A_389 = arith.select %gt3A_303, %select_n3A_297, %select_n3A_382 : vector<16x1xi1>, vector<16x1xf32>
    %select_n3A_390 = arith.select %gt3A_303, %slice3A_387, %select_n3A_386 : vector<16x1xi1>, vector<16x1xf32>
    %select_n3A_391 = arith.select %gt3A_303, %slice3A_387, %select_n3A_384 : vector<16x1xi1>, vector<16x1xf32>
    %slice3A_392 = vector.extract_strided_slice %get3A_21 {offsets = [0, 4], sizes = [16, 1], strides = [1, 1]} : vector<16x20xf32> to vector<16x1xf32>
    %gt3A_393 = arith.constant 5.000000e-01 : f32
    %gt3A_394 = vector.broadcast %gt3A_393 : f32 to vector<16x1xf32>
    %gt3A_395 = arith.cmpf ogt, %slice3A_392, %gt3A_394 : vector<16x1xf32>
    %select_n3A_396 = arith.select %gt3A_395, %broadcast_in_dim3A_22, %select_n3A_390 : vector<16x1xi1>, vector<16x1xf32>
    %add3A_397 = arith.addf %add3A_305, %select_n3A_396 : vector<16x1xf32>
    %select_n3A_398 = arith.select %gt3A_395, %broadcast_in_dim3A_22, %select_n3A_391 : vector<16x1xi1>, vector<16x1xf32>
    %add3A_399 = arith.addf %add3A_307, %select_n3A_398 : vector<16x1xf32>
    %slice3A_400 = vector.extract_strided_slice %sub3A {offsets = [0, 5], sizes = [16, 1], strides = [1, 1]} : vector<16x20xf32> to vector<16x1xf32>
    %slice3A_401 = vector.extract_strided_slice %sub3A_8 {offsets = [0, 5], sizes = [16, 1], strides = [1, 1]} : vector<16x20xf32> to vector<16x1xf32>
    %slice3A_402 = vector.extract_strided_slice %get3A_15 {offsets = [0, 5], sizes = [16, 1], strides = [1, 1]} : vector<16x20xf32> to vector<16x1xf32>
    %slice3A_403 = vector.extract_strided_slice %get3A_18 {offsets = [0, 5], sizes = [16, 1], strides = [1, 1]} : vector<16x20xf32> to vector<16x1xf32>
    %add3A_404 = arith.addf %select_n3A_388, %slice3A_400 : vector<16x1xf32>
    %add3A_405 = arith.addf %select_n3A_388, %slice3A_401 : vector<16x1xf32>
    %add3A_406 = arith.addf %select_n3A_389, %slice3A_400 : vector<16x1xf32>
    %add3A_407 = arith.addf %select_n3A_389, %slice3A_401 : vector<16x1xf32>
    %add3A_408 = arith.constant 1.000000e+05 : f32
    %add3A_409 = vector.broadcast %add3A_408 : f32 to vector<16x1xf32>
    %add3A_410 = arith.addf %add3A_409, %slice3A_402 : vector<16x1xf32>
    %add3A_411 = arith.constant 1.000000e+05 : f32
    %add3A_412 = vector.broadcast %add3A_411 : f32 to vector<16x1xf32>
    %add3A_413 = arith.addf %add3A_412, %slice3A_403 : vector<16x1xf32>
    %broadcast_in_dim3A_414 = arith.constant 1.07374182E+9 : f32
    %broadcast_in_dim3A_415 = vector.broadcast %broadcast_in_dim3A_414 : f32 to vector<16x1xf32>
    %gt3A_416 = arith.cmpf ogt, %add3A_405, %add3A_404 : vector<16x1xf32>
    %eq3A_417 = arith.cmpf oeq, %add3A_405, %add3A_404 : vector<16x1xf32>
    %lt3A_418 = arith.cmpf olt, %slice3A_403, %slice3A_402 : vector<16x1xf32>
    %and3A_419 = arith.andi %eq3A_417, %lt3A_418 : vector<16x1xi1>
    %or3A_420 = arith.ori %gt3A_416, %and3A_419 : vector<16x1xi1>
    %not3A_421 = arith.constant dense<true> : vector<16x1xi1>
    %not3A_422 = arith.xori %or3A_420, %not3A_421 : vector<16x1xi1>
    %gt3A_423 = arith.cmpf ogt, %add3A_405, %broadcast_in_dim3A_24 : vector<16x1xf32>
    %eq3A_424 = arith.cmpf oeq, %add3A_405, %broadcast_in_dim3A_24 : vector<16x1xf32>
    %lt3A_425 = arith.cmpf olt, %slice3A_403, %broadcast_in_dim3A_415 : vector<16x1xf32>
    %and3A_426 = arith.andi %eq3A_424, %lt3A_425 : vector<16x1xi1>
    %or3A_427 = arith.ori %gt3A_423, %and3A_426 : vector<16x1xi1>
    %and3A_428 = arith.andi %not3A_422, %or3A_427 : vector<16x1xi1>
    %select_n3A_429 = arith.select %and3A_428, %add3A_405, %broadcast_in_dim3A_24 : vector<16x1xi1>, vector<16x1xf32>
    %select_n3A_430 = arith.select %or3A_420, %add3A_404, %select_n3A_429 : vector<16x1xi1>, vector<16x1xf32>
    %select_n3A_431 = arith.select %and3A_428, %slice3A_403, %broadcast_in_dim3A_415 : vector<16x1xi1>, vector<16x1xf32>
    %select_n3A_432 = arith.select %or3A_420, %slice3A_402, %select_n3A_431 : vector<16x1xi1>, vector<16x1xf32>
    %select_n3A_433 = arith.select %and3A_428, %slice3A_401, %broadcast_in_dim3A_22 : vector<16x1xi1>, vector<16x1xf32>
    %select_n3A_434 = arith.select %or3A_420, %slice3A_400, %select_n3A_433 : vector<16x1xi1>, vector<16x1xf32>
    %select_n3A_435 = arith.select %or3A_420, %add3A_405, %add3A_404 : vector<16x1xi1>, vector<16x1xf32>
    %select_n3A_436 = arith.select %or3A_420, %slice3A_403, %slice3A_402 : vector<16x1xi1>, vector<16x1xf32>
    %select_n3A_437 = arith.select %or3A_420, %slice3A_401, %slice3A_400 : vector<16x1xi1>, vector<16x1xf32>
    %gt3A_438 = arith.cmpf ogt, %add3A_406, %select_n3A_435 : vector<16x1xf32>
    %eq3A_439 = arith.cmpf oeq, %add3A_406, %select_n3A_435 : vector<16x1xf32>
    %lt3A_440 = arith.cmpf olt, %add3A_410, %select_n3A_436 : vector<16x1xf32>
    %and3A_441 = arith.andi %eq3A_439, %lt3A_440 : vector<16x1xi1>
    %or3A_442 = arith.ori %gt3A_438, %and3A_441 : vector<16x1xi1>
    %not3A_443 = arith.constant dense<true> : vector<16x1xi1>
    %not3A_444 = arith.xori %or3A_442, %not3A_443 : vector<16x1xi1>
    %gt3A_445 = arith.cmpf ogt, %add3A_406, %select_n3A_430 : vector<16x1xf32>
    %eq3A_446 = arith.cmpf oeq, %add3A_406, %select_n3A_430 : vector<16x1xf32>
    %lt3A_447 = arith.cmpf olt, %add3A_410, %select_n3A_432 : vector<16x1xf32>
    %and3A_448 = arith.andi %eq3A_446, %lt3A_447 : vector<16x1xi1>
    %or3A_449 = arith.ori %gt3A_445, %and3A_448 : vector<16x1xi1>
    %and3A_450 = arith.andi %not3A_444, %or3A_449 : vector<16x1xi1>
    %select_n3A_451 = arith.select %and3A_450, %add3A_406, %select_n3A_430 : vector<16x1xi1>, vector<16x1xf32>
    %select_n3A_452 = arith.select %or3A_442, %select_n3A_435, %select_n3A_451 : vector<16x1xi1>, vector<16x1xf32>
    %select_n3A_453 = arith.select %and3A_450, %add3A_410, %select_n3A_432 : vector<16x1xi1>, vector<16x1xf32>
    %select_n3A_454 = arith.select %or3A_442, %select_n3A_436, %select_n3A_453 : vector<16x1xi1>, vector<16x1xf32>
    %select_n3A_455 = arith.select %and3A_450, %slice3A_400, %select_n3A_434 : vector<16x1xi1>, vector<16x1xf32>
    %select_n3A_456 = arith.select %or3A_442, %select_n3A_437, %select_n3A_455 : vector<16x1xi1>, vector<16x1xf32>
    %select_n3A_457 = arith.select %or3A_442, %add3A_406, %select_n3A_435 : vector<16x1xi1>, vector<16x1xf32>
    %select_n3A_458 = arith.select %or3A_442, %add3A_410, %select_n3A_436 : vector<16x1xi1>, vector<16x1xf32>
    %select_n3A_459 = arith.select %or3A_442, %slice3A_400, %select_n3A_437 : vector<16x1xi1>, vector<16x1xf32>
    %gt3A_460 = arith.cmpf ogt, %add3A_407, %select_n3A_457 : vector<16x1xf32>
    %eq3A_461 = arith.cmpf oeq, %add3A_407, %select_n3A_457 : vector<16x1xf32>
    %lt3A_462 = arith.cmpf olt, %add3A_413, %select_n3A_458 : vector<16x1xf32>
    %and3A_463 = arith.andi %eq3A_461, %lt3A_462 : vector<16x1xi1>
    %or3A_464 = arith.ori %gt3A_460, %and3A_463 : vector<16x1xi1>
    %not3A_465 = arith.constant dense<true> : vector<16x1xi1>
    %not3A_466 = arith.xori %or3A_464, %not3A_465 : vector<16x1xi1>
    %gt3A_467 = arith.cmpf ogt, %add3A_407, %select_n3A_452 : vector<16x1xf32>
    %eq3A_468 = arith.cmpf oeq, %add3A_407, %select_n3A_452 : vector<16x1xf32>
    %lt3A_469 = arith.cmpf olt, %add3A_413, %select_n3A_454 : vector<16x1xf32>
    %and3A_470 = arith.andi %eq3A_468, %lt3A_469 : vector<16x1xi1>
    %or3A_471 = arith.ori %gt3A_467, %and3A_470 : vector<16x1xi1>
    %and3A_472 = arith.andi %not3A_466, %or3A_471 : vector<16x1xi1>
    %select_n3A_473 = arith.select %and3A_472, %add3A_407, %select_n3A_452 : vector<16x1xi1>, vector<16x1xf32>
    %select_n3A_474 = arith.select %or3A_464, %select_n3A_457, %select_n3A_473 : vector<16x1xi1>, vector<16x1xf32>
    %select_n3A_475 = arith.select %and3A_472, %slice3A_401, %select_n3A_456 : vector<16x1xi1>, vector<16x1xf32>
    %select_n3A_476 = arith.select %or3A_464, %select_n3A_459, %select_n3A_475 : vector<16x1xi1>, vector<16x1xf32>
    %select_n3A_477 = arith.select %or3A_464, %add3A_407, %select_n3A_457 : vector<16x1xi1>, vector<16x1xf32>
    %select_n3A_478 = arith.select %or3A_464, %slice3A_401, %select_n3A_459 : vector<16x1xi1>, vector<16x1xf32>
    %slice3A_479 = vector.extract_strided_slice %sub3A_12 {offsets = [0, 5], sizes = [16, 1], strides = [1, 1]} : vector<16x20xf32> to vector<16x1xf32>
    %select_n3A_480 = arith.select %gt3A_395, %select_n3A_388, %select_n3A_477 : vector<16x1xi1>, vector<16x1xf32>
    %select_n3A_481 = arith.select %gt3A_395, %select_n3A_389, %select_n3A_474 : vector<16x1xi1>, vector<16x1xf32>
    %select_n3A_482 = arith.select %gt3A_395, %slice3A_479, %select_n3A_478 : vector<16x1xi1>, vector<16x1xf32>
    %select_n3A_483 = arith.select %gt3A_395, %slice3A_479, %select_n3A_476 : vector<16x1xi1>, vector<16x1xf32>
    %slice3A_484 = vector.extract_strided_slice %get3A_21 {offsets = [0, 5], sizes = [16, 1], strides = [1, 1]} : vector<16x20xf32> to vector<16x1xf32>
    %gt3A_485 = arith.constant 5.000000e-01 : f32
    %gt3A_486 = vector.broadcast %gt3A_485 : f32 to vector<16x1xf32>
    %gt3A_487 = arith.cmpf ogt, %slice3A_484, %gt3A_486 : vector<16x1xf32>
    %select_n3A_488 = arith.select %gt3A_487, %broadcast_in_dim3A_22, %select_n3A_482 : vector<16x1xi1>, vector<16x1xf32>
    %add3A_489 = arith.addf %add3A_397, %select_n3A_488 : vector<16x1xf32>
    %select_n3A_490 = arith.select %gt3A_487, %broadcast_in_dim3A_22, %select_n3A_483 : vector<16x1xi1>, vector<16x1xf32>
    %add3A_491 = arith.addf %add3A_399, %select_n3A_490 : vector<16x1xf32>
    %slice3A_492 = vector.extract_strided_slice %sub3A {offsets = [0, 6], sizes = [16, 1], strides = [1, 1]} : vector<16x20xf32> to vector<16x1xf32>
    %slice3A_493 = vector.extract_strided_slice %sub3A_8 {offsets = [0, 6], sizes = [16, 1], strides = [1, 1]} : vector<16x20xf32> to vector<16x1xf32>
    %slice3A_494 = vector.extract_strided_slice %get3A_15 {offsets = [0, 6], sizes = [16, 1], strides = [1, 1]} : vector<16x20xf32> to vector<16x1xf32>
    %slice3A_495 = vector.extract_strided_slice %get3A_18 {offsets = [0, 6], sizes = [16, 1], strides = [1, 1]} : vector<16x20xf32> to vector<16x1xf32>
    %add3A_496 = arith.addf %select_n3A_480, %slice3A_492 : vector<16x1xf32>
    %add3A_497 = arith.addf %select_n3A_480, %slice3A_493 : vector<16x1xf32>
    %add3A_498 = arith.addf %select_n3A_481, %slice3A_492 : vector<16x1xf32>
    %add3A_499 = arith.addf %select_n3A_481, %slice3A_493 : vector<16x1xf32>
    %add3A_500 = arith.constant 1.000000e+05 : f32
    %add3A_501 = vector.broadcast %add3A_500 : f32 to vector<16x1xf32>
    %add3A_502 = arith.addf %add3A_501, %slice3A_494 : vector<16x1xf32>
    %add3A_503 = arith.constant 1.000000e+05 : f32
    %add3A_504 = vector.broadcast %add3A_503 : f32 to vector<16x1xf32>
    %add3A_505 = arith.addf %add3A_504, %slice3A_495 : vector<16x1xf32>
    %broadcast_in_dim3A_506 = arith.constant 1.07374182E+9 : f32
    %broadcast_in_dim3A_507 = vector.broadcast %broadcast_in_dim3A_506 : f32 to vector<16x1xf32>
    %gt3A_508 = arith.cmpf ogt, %add3A_497, %add3A_496 : vector<16x1xf32>
    %eq3A_509 = arith.cmpf oeq, %add3A_497, %add3A_496 : vector<16x1xf32>
    %lt3A_510 = arith.cmpf olt, %slice3A_495, %slice3A_494 : vector<16x1xf32>
    %and3A_511 = arith.andi %eq3A_509, %lt3A_510 : vector<16x1xi1>
    %or3A_512 = arith.ori %gt3A_508, %and3A_511 : vector<16x1xi1>
    %not3A_513 = arith.constant dense<true> : vector<16x1xi1>
    %not3A_514 = arith.xori %or3A_512, %not3A_513 : vector<16x1xi1>
    %gt3A_515 = arith.cmpf ogt, %add3A_497, %broadcast_in_dim3A_24 : vector<16x1xf32>
    %eq3A_516 = arith.cmpf oeq, %add3A_497, %broadcast_in_dim3A_24 : vector<16x1xf32>
    %lt3A_517 = arith.cmpf olt, %slice3A_495, %broadcast_in_dim3A_507 : vector<16x1xf32>
    %and3A_518 = arith.andi %eq3A_516, %lt3A_517 : vector<16x1xi1>
    %or3A_519 = arith.ori %gt3A_515, %and3A_518 : vector<16x1xi1>
    %and3A_520 = arith.andi %not3A_514, %or3A_519 : vector<16x1xi1>
    %select_n3A_521 = arith.select %and3A_520, %add3A_497, %broadcast_in_dim3A_24 : vector<16x1xi1>, vector<16x1xf32>
    %select_n3A_522 = arith.select %or3A_512, %add3A_496, %select_n3A_521 : vector<16x1xi1>, vector<16x1xf32>
    %select_n3A_523 = arith.select %and3A_520, %slice3A_495, %broadcast_in_dim3A_507 : vector<16x1xi1>, vector<16x1xf32>
    %select_n3A_524 = arith.select %or3A_512, %slice3A_494, %select_n3A_523 : vector<16x1xi1>, vector<16x1xf32>
    %select_n3A_525 = arith.select %and3A_520, %slice3A_493, %broadcast_in_dim3A_22 : vector<16x1xi1>, vector<16x1xf32>
    %select_n3A_526 = arith.select %or3A_512, %slice3A_492, %select_n3A_525 : vector<16x1xi1>, vector<16x1xf32>
    %select_n3A_527 = arith.select %or3A_512, %add3A_497, %add3A_496 : vector<16x1xi1>, vector<16x1xf32>
    %select_n3A_528 = arith.select %or3A_512, %slice3A_495, %slice3A_494 : vector<16x1xi1>, vector<16x1xf32>
    %select_n3A_529 = arith.select %or3A_512, %slice3A_493, %slice3A_492 : vector<16x1xi1>, vector<16x1xf32>
    %gt3A_530 = arith.cmpf ogt, %add3A_498, %select_n3A_527 : vector<16x1xf32>
    %eq3A_531 = arith.cmpf oeq, %add3A_498, %select_n3A_527 : vector<16x1xf32>
    %lt3A_532 = arith.cmpf olt, %add3A_502, %select_n3A_528 : vector<16x1xf32>
    %and3A_533 = arith.andi %eq3A_531, %lt3A_532 : vector<16x1xi1>
    %or3A_534 = arith.ori %gt3A_530, %and3A_533 : vector<16x1xi1>
    %not3A_535 = arith.constant dense<true> : vector<16x1xi1>
    %not3A_536 = arith.xori %or3A_534, %not3A_535 : vector<16x1xi1>
    %gt3A_537 = arith.cmpf ogt, %add3A_498, %select_n3A_522 : vector<16x1xf32>
    %eq3A_538 = arith.cmpf oeq, %add3A_498, %select_n3A_522 : vector<16x1xf32>
    %lt3A_539 = arith.cmpf olt, %add3A_502, %select_n3A_524 : vector<16x1xf32>
    %and3A_540 = arith.andi %eq3A_538, %lt3A_539 : vector<16x1xi1>
    %or3A_541 = arith.ori %gt3A_537, %and3A_540 : vector<16x1xi1>
    %and3A_542 = arith.andi %not3A_536, %or3A_541 : vector<16x1xi1>
    %select_n3A_543 = arith.select %and3A_542, %add3A_498, %select_n3A_522 : vector<16x1xi1>, vector<16x1xf32>
    %select_n3A_544 = arith.select %or3A_534, %select_n3A_527, %select_n3A_543 : vector<16x1xi1>, vector<16x1xf32>
    %select_n3A_545 = arith.select %and3A_542, %add3A_502, %select_n3A_524 : vector<16x1xi1>, vector<16x1xf32>
    %select_n3A_546 = arith.select %or3A_534, %select_n3A_528, %select_n3A_545 : vector<16x1xi1>, vector<16x1xf32>
    %select_n3A_547 = arith.select %and3A_542, %slice3A_492, %select_n3A_526 : vector<16x1xi1>, vector<16x1xf32>
    %select_n3A_548 = arith.select %or3A_534, %select_n3A_529, %select_n3A_547 : vector<16x1xi1>, vector<16x1xf32>
    %select_n3A_549 = arith.select %or3A_534, %add3A_498, %select_n3A_527 : vector<16x1xi1>, vector<16x1xf32>
    %select_n3A_550 = arith.select %or3A_534, %add3A_502, %select_n3A_528 : vector<16x1xi1>, vector<16x1xf32>
    %select_n3A_551 = arith.select %or3A_534, %slice3A_492, %select_n3A_529 : vector<16x1xi1>, vector<16x1xf32>
    %gt3A_552 = arith.cmpf ogt, %add3A_499, %select_n3A_549 : vector<16x1xf32>
    %eq3A_553 = arith.cmpf oeq, %add3A_499, %select_n3A_549 : vector<16x1xf32>
    %lt3A_554 = arith.cmpf olt, %add3A_505, %select_n3A_550 : vector<16x1xf32>
    %and3A_555 = arith.andi %eq3A_553, %lt3A_554 : vector<16x1xi1>
    %or3A_556 = arith.ori %gt3A_552, %and3A_555 : vector<16x1xi1>
    %not3A_557 = arith.constant dense<true> : vector<16x1xi1>
    %not3A_558 = arith.xori %or3A_556, %not3A_557 : vector<16x1xi1>
    %gt3A_559 = arith.cmpf ogt, %add3A_499, %select_n3A_544 : vector<16x1xf32>
    %eq3A_560 = arith.cmpf oeq, %add3A_499, %select_n3A_544 : vector<16x1xf32>
    %lt3A_561 = arith.cmpf olt, %add3A_505, %select_n3A_546 : vector<16x1xf32>
    %and3A_562 = arith.andi %eq3A_560, %lt3A_561 : vector<16x1xi1>
    %or3A_563 = arith.ori %gt3A_559, %and3A_562 : vector<16x1xi1>
    %and3A_564 = arith.andi %not3A_558, %or3A_563 : vector<16x1xi1>
    %select_n3A_565 = arith.select %and3A_564, %add3A_499, %select_n3A_544 : vector<16x1xi1>, vector<16x1xf32>
    %select_n3A_566 = arith.select %or3A_556, %select_n3A_549, %select_n3A_565 : vector<16x1xi1>, vector<16x1xf32>
    %select_n3A_567 = arith.select %and3A_564, %slice3A_493, %select_n3A_548 : vector<16x1xi1>, vector<16x1xf32>
    %select_n3A_568 = arith.select %or3A_556, %select_n3A_551, %select_n3A_567 : vector<16x1xi1>, vector<16x1xf32>
    %select_n3A_569 = arith.select %or3A_556, %add3A_499, %select_n3A_549 : vector<16x1xi1>, vector<16x1xf32>
    %select_n3A_570 = arith.select %or3A_556, %slice3A_493, %select_n3A_551 : vector<16x1xi1>, vector<16x1xf32>
    %slice3A_571 = vector.extract_strided_slice %sub3A_12 {offsets = [0, 6], sizes = [16, 1], strides = [1, 1]} : vector<16x20xf32> to vector<16x1xf32>
    %select_n3A_572 = arith.select %gt3A_487, %select_n3A_480, %select_n3A_569 : vector<16x1xi1>, vector<16x1xf32>
    %select_n3A_573 = arith.select %gt3A_487, %select_n3A_481, %select_n3A_566 : vector<16x1xi1>, vector<16x1xf32>
    %select_n3A_574 = arith.select %gt3A_487, %slice3A_571, %select_n3A_570 : vector<16x1xi1>, vector<16x1xf32>
    %select_n3A_575 = arith.select %gt3A_487, %slice3A_571, %select_n3A_568 : vector<16x1xi1>, vector<16x1xf32>
    %slice3A_576 = vector.extract_strided_slice %get3A_21 {offsets = [0, 6], sizes = [16, 1], strides = [1, 1]} : vector<16x20xf32> to vector<16x1xf32>
    %gt3A_577 = arith.constant 5.000000e-01 : f32
    %gt3A_578 = vector.broadcast %gt3A_577 : f32 to vector<16x1xf32>
    %gt3A_579 = arith.cmpf ogt, %slice3A_576, %gt3A_578 : vector<16x1xf32>
    %select_n3A_580 = arith.select %gt3A_579, %broadcast_in_dim3A_22, %select_n3A_574 : vector<16x1xi1>, vector<16x1xf32>
    %add3A_581 = arith.addf %add3A_489, %select_n3A_580 : vector<16x1xf32>
    %select_n3A_582 = arith.select %gt3A_579, %broadcast_in_dim3A_22, %select_n3A_575 : vector<16x1xi1>, vector<16x1xf32>
    %add3A_583 = arith.addf %add3A_491, %select_n3A_582 : vector<16x1xf32>
    %slice3A_584 = vector.extract_strided_slice %sub3A {offsets = [0, 7], sizes = [16, 1], strides = [1, 1]} : vector<16x20xf32> to vector<16x1xf32>
    %slice3A_585 = vector.extract_strided_slice %sub3A_8 {offsets = [0, 7], sizes = [16, 1], strides = [1, 1]} : vector<16x20xf32> to vector<16x1xf32>
    %slice3A_586 = vector.extract_strided_slice %get3A_15 {offsets = [0, 7], sizes = [16, 1], strides = [1, 1]} : vector<16x20xf32> to vector<16x1xf32>
    %slice3A_587 = vector.extract_strided_slice %get3A_18 {offsets = [0, 7], sizes = [16, 1], strides = [1, 1]} : vector<16x20xf32> to vector<16x1xf32>
    %add3A_588 = arith.addf %select_n3A_572, %slice3A_584 : vector<16x1xf32>
    %add3A_589 = arith.addf %select_n3A_572, %slice3A_585 : vector<16x1xf32>
    %add3A_590 = arith.addf %select_n3A_573, %slice3A_584 : vector<16x1xf32>
    %add3A_591 = arith.addf %select_n3A_573, %slice3A_585 : vector<16x1xf32>
    %add3A_592 = arith.constant 1.000000e+05 : f32
    %add3A_593 = vector.broadcast %add3A_592 : f32 to vector<16x1xf32>
    %add3A_594 = arith.addf %add3A_593, %slice3A_586 : vector<16x1xf32>
    %add3A_595 = arith.constant 1.000000e+05 : f32
    %add3A_596 = vector.broadcast %add3A_595 : f32 to vector<16x1xf32>
    %add3A_597 = arith.addf %add3A_596, %slice3A_587 : vector<16x1xf32>
    %broadcast_in_dim3A_598 = arith.constant 1.07374182E+9 : f32
    %broadcast_in_dim3A_599 = vector.broadcast %broadcast_in_dim3A_598 : f32 to vector<16x1xf32>
    %gt3A_600 = arith.cmpf ogt, %add3A_589, %add3A_588 : vector<16x1xf32>
    %eq3A_601 = arith.cmpf oeq, %add3A_589, %add3A_588 : vector<16x1xf32>
    %lt3A_602 = arith.cmpf olt, %slice3A_587, %slice3A_586 : vector<16x1xf32>
    %and3A_603 = arith.andi %eq3A_601, %lt3A_602 : vector<16x1xi1>
    %or3A_604 = arith.ori %gt3A_600, %and3A_603 : vector<16x1xi1>
    %not3A_605 = arith.constant dense<true> : vector<16x1xi1>
    %not3A_606 = arith.xori %or3A_604, %not3A_605 : vector<16x1xi1>
    %gt3A_607 = arith.cmpf ogt, %add3A_589, %broadcast_in_dim3A_24 : vector<16x1xf32>
    %eq3A_608 = arith.cmpf oeq, %add3A_589, %broadcast_in_dim3A_24 : vector<16x1xf32>
    %lt3A_609 = arith.cmpf olt, %slice3A_587, %broadcast_in_dim3A_599 : vector<16x1xf32>
    %and3A_610 = arith.andi %eq3A_608, %lt3A_609 : vector<16x1xi1>
    %or3A_611 = arith.ori %gt3A_607, %and3A_610 : vector<16x1xi1>
    %and3A_612 = arith.andi %not3A_606, %or3A_611 : vector<16x1xi1>
    %select_n3A_613 = arith.select %and3A_612, %add3A_589, %broadcast_in_dim3A_24 : vector<16x1xi1>, vector<16x1xf32>
    %select_n3A_614 = arith.select %or3A_604, %add3A_588, %select_n3A_613 : vector<16x1xi1>, vector<16x1xf32>
    %select_n3A_615 = arith.select %and3A_612, %slice3A_587, %broadcast_in_dim3A_599 : vector<16x1xi1>, vector<16x1xf32>
    %select_n3A_616 = arith.select %or3A_604, %slice3A_586, %select_n3A_615 : vector<16x1xi1>, vector<16x1xf32>
    %select_n3A_617 = arith.select %and3A_612, %slice3A_585, %broadcast_in_dim3A_22 : vector<16x1xi1>, vector<16x1xf32>
    %select_n3A_618 = arith.select %or3A_604, %slice3A_584, %select_n3A_617 : vector<16x1xi1>, vector<16x1xf32>
    %select_n3A_619 = arith.select %or3A_604, %add3A_589, %add3A_588 : vector<16x1xi1>, vector<16x1xf32>
    %select_n3A_620 = arith.select %or3A_604, %slice3A_587, %slice3A_586 : vector<16x1xi1>, vector<16x1xf32>
    %select_n3A_621 = arith.select %or3A_604, %slice3A_585, %slice3A_584 : vector<16x1xi1>, vector<16x1xf32>
    %gt3A_622 = arith.cmpf ogt, %add3A_590, %select_n3A_619 : vector<16x1xf32>
    %eq3A_623 = arith.cmpf oeq, %add3A_590, %select_n3A_619 : vector<16x1xf32>
    %lt3A_624 = arith.cmpf olt, %add3A_594, %select_n3A_620 : vector<16x1xf32>
    %and3A_625 = arith.andi %eq3A_623, %lt3A_624 : vector<16x1xi1>
    %or3A_626 = arith.ori %gt3A_622, %and3A_625 : vector<16x1xi1>
    %not3A_627 = arith.constant dense<true> : vector<16x1xi1>
    %not3A_628 = arith.xori %or3A_626, %not3A_627 : vector<16x1xi1>
    %gt3A_629 = arith.cmpf ogt, %add3A_590, %select_n3A_614 : vector<16x1xf32>
    %eq3A_630 = arith.cmpf oeq, %add3A_590, %select_n3A_614 : vector<16x1xf32>
    %lt3A_631 = arith.cmpf olt, %add3A_594, %select_n3A_616 : vector<16x1xf32>
    %and3A_632 = arith.andi %eq3A_630, %lt3A_631 : vector<16x1xi1>
    %or3A_633 = arith.ori %gt3A_629, %and3A_632 : vector<16x1xi1>
    %and3A_634 = arith.andi %not3A_628, %or3A_633 : vector<16x1xi1>
    %select_n3A_635 = arith.select %and3A_634, %add3A_590, %select_n3A_614 : vector<16x1xi1>, vector<16x1xf32>
    %select_n3A_636 = arith.select %or3A_626, %select_n3A_619, %select_n3A_635 : vector<16x1xi1>, vector<16x1xf32>
    %select_n3A_637 = arith.select %and3A_634, %add3A_594, %select_n3A_616 : vector<16x1xi1>, vector<16x1xf32>
    %select_n3A_638 = arith.select %or3A_626, %select_n3A_620, %select_n3A_637 : vector<16x1xi1>, vector<16x1xf32>
    %select_n3A_639 = arith.select %and3A_634, %slice3A_584, %select_n3A_618 : vector<16x1xi1>, vector<16x1xf32>
    %select_n3A_640 = arith.select %or3A_626, %select_n3A_621, %select_n3A_639 : vector<16x1xi1>, vector<16x1xf32>
    %select_n3A_641 = arith.select %or3A_626, %add3A_590, %select_n3A_619 : vector<16x1xi1>, vector<16x1xf32>
    %select_n3A_642 = arith.select %or3A_626, %add3A_594, %select_n3A_620 : vector<16x1xi1>, vector<16x1xf32>
    %select_n3A_643 = arith.select %or3A_626, %slice3A_584, %select_n3A_621 : vector<16x1xi1>, vector<16x1xf32>
    %gt3A_644 = arith.cmpf ogt, %add3A_591, %select_n3A_641 : vector<16x1xf32>
    %eq3A_645 = arith.cmpf oeq, %add3A_591, %select_n3A_641 : vector<16x1xf32>
    %lt3A_646 = arith.cmpf olt, %add3A_597, %select_n3A_642 : vector<16x1xf32>
    %and3A_647 = arith.andi %eq3A_645, %lt3A_646 : vector<16x1xi1>
    %or3A_648 = arith.ori %gt3A_644, %and3A_647 : vector<16x1xi1>
    %not3A_649 = arith.constant dense<true> : vector<16x1xi1>
    %not3A_650 = arith.xori %or3A_648, %not3A_649 : vector<16x1xi1>
    %gt3A_651 = arith.cmpf ogt, %add3A_591, %select_n3A_636 : vector<16x1xf32>
    %eq3A_652 = arith.cmpf oeq, %add3A_591, %select_n3A_636 : vector<16x1xf32>
    %lt3A_653 = arith.cmpf olt, %add3A_597, %select_n3A_638 : vector<16x1xf32>
    %and3A_654 = arith.andi %eq3A_652, %lt3A_653 : vector<16x1xi1>
    %or3A_655 = arith.ori %gt3A_651, %and3A_654 : vector<16x1xi1>
    %and3A_656 = arith.andi %not3A_650, %or3A_655 : vector<16x1xi1>
    %select_n3A_657 = arith.select %and3A_656, %add3A_591, %select_n3A_636 : vector<16x1xi1>, vector<16x1xf32>
    %select_n3A_658 = arith.select %or3A_648, %select_n3A_641, %select_n3A_657 : vector<16x1xi1>, vector<16x1xf32>
    %select_n3A_659 = arith.select %and3A_656, %slice3A_585, %select_n3A_640 : vector<16x1xi1>, vector<16x1xf32>
    %select_n3A_660 = arith.select %or3A_648, %select_n3A_643, %select_n3A_659 : vector<16x1xi1>, vector<16x1xf32>
    %select_n3A_661 = arith.select %or3A_648, %add3A_591, %select_n3A_641 : vector<16x1xi1>, vector<16x1xf32>
    %select_n3A_662 = arith.select %or3A_648, %slice3A_585, %select_n3A_643 : vector<16x1xi1>, vector<16x1xf32>
    %slice3A_663 = vector.extract_strided_slice %sub3A_12 {offsets = [0, 7], sizes = [16, 1], strides = [1, 1]} : vector<16x20xf32> to vector<16x1xf32>
    %select_n3A_664 = arith.select %gt3A_579, %select_n3A_572, %select_n3A_661 : vector<16x1xi1>, vector<16x1xf32>
    %select_n3A_665 = arith.select %gt3A_579, %select_n3A_573, %select_n3A_658 : vector<16x1xi1>, vector<16x1xf32>
    %select_n3A_666 = arith.select %gt3A_579, %slice3A_663, %select_n3A_662 : vector<16x1xi1>, vector<16x1xf32>
    %select_n3A_667 = arith.select %gt3A_579, %slice3A_663, %select_n3A_660 : vector<16x1xi1>, vector<16x1xf32>
    %slice3A_668 = vector.extract_strided_slice %get3A_21 {offsets = [0, 7], sizes = [16, 1], strides = [1, 1]} : vector<16x20xf32> to vector<16x1xf32>
    %gt3A_669 = arith.constant 5.000000e-01 : f32
    %gt3A_670 = vector.broadcast %gt3A_669 : f32 to vector<16x1xf32>
    %gt3A_671 = arith.cmpf ogt, %slice3A_668, %gt3A_670 : vector<16x1xf32>
    %select_n3A_672 = arith.select %gt3A_671, %broadcast_in_dim3A_22, %select_n3A_666 : vector<16x1xi1>, vector<16x1xf32>
    %add3A_673 = arith.addf %add3A_581, %select_n3A_672 : vector<16x1xf32>
    %select_n3A_674 = arith.select %gt3A_671, %broadcast_in_dim3A_22, %select_n3A_667 : vector<16x1xi1>, vector<16x1xf32>
    %add3A_675 = arith.addf %add3A_583, %select_n3A_674 : vector<16x1xf32>
    %slice3A_676 = vector.extract_strided_slice %sub3A {offsets = [0, 8], sizes = [16, 1], strides = [1, 1]} : vector<16x20xf32> to vector<16x1xf32>
    %slice3A_677 = vector.extract_strided_slice %sub3A_8 {offsets = [0, 8], sizes = [16, 1], strides = [1, 1]} : vector<16x20xf32> to vector<16x1xf32>
    %slice3A_678 = vector.extract_strided_slice %get3A_15 {offsets = [0, 8], sizes = [16, 1], strides = [1, 1]} : vector<16x20xf32> to vector<16x1xf32>
    %slice3A_679 = vector.extract_strided_slice %get3A_18 {offsets = [0, 8], sizes = [16, 1], strides = [1, 1]} : vector<16x20xf32> to vector<16x1xf32>
    %add3A_680 = arith.addf %select_n3A_664, %slice3A_676 : vector<16x1xf32>
    %add3A_681 = arith.addf %select_n3A_664, %slice3A_677 : vector<16x1xf32>
    %add3A_682 = arith.addf %select_n3A_665, %slice3A_676 : vector<16x1xf32>
    %add3A_683 = arith.addf %select_n3A_665, %slice3A_677 : vector<16x1xf32>
    %add3A_684 = arith.constant 1.000000e+05 : f32
    %add3A_685 = vector.broadcast %add3A_684 : f32 to vector<16x1xf32>
    %add3A_686 = arith.addf %add3A_685, %slice3A_678 : vector<16x1xf32>
    %add3A_687 = arith.constant 1.000000e+05 : f32
    %add3A_688 = vector.broadcast %add3A_687 : f32 to vector<16x1xf32>
    %add3A_689 = arith.addf %add3A_688, %slice3A_679 : vector<16x1xf32>
    %broadcast_in_dim3A_690 = arith.constant 1.07374182E+9 : f32
    %broadcast_in_dim3A_691 = vector.broadcast %broadcast_in_dim3A_690 : f32 to vector<16x1xf32>
    %gt3A_692 = arith.cmpf ogt, %add3A_681, %add3A_680 : vector<16x1xf32>
    %eq3A_693 = arith.cmpf oeq, %add3A_681, %add3A_680 : vector<16x1xf32>
    %lt3A_694 = arith.cmpf olt, %slice3A_679, %slice3A_678 : vector<16x1xf32>
    %and3A_695 = arith.andi %eq3A_693, %lt3A_694 : vector<16x1xi1>
    %or3A_696 = arith.ori %gt3A_692, %and3A_695 : vector<16x1xi1>
    %not3A_697 = arith.constant dense<true> : vector<16x1xi1>
    %not3A_698 = arith.xori %or3A_696, %not3A_697 : vector<16x1xi1>
    %gt3A_699 = arith.cmpf ogt, %add3A_681, %broadcast_in_dim3A_24 : vector<16x1xf32>
    %eq3A_700 = arith.cmpf oeq, %add3A_681, %broadcast_in_dim3A_24 : vector<16x1xf32>
    %lt3A_701 = arith.cmpf olt, %slice3A_679, %broadcast_in_dim3A_691 : vector<16x1xf32>
    %and3A_702 = arith.andi %eq3A_700, %lt3A_701 : vector<16x1xi1>
    %or3A_703 = arith.ori %gt3A_699, %and3A_702 : vector<16x1xi1>
    %and3A_704 = arith.andi %not3A_698, %or3A_703 : vector<16x1xi1>
    %select_n3A_705 = arith.select %and3A_704, %add3A_681, %broadcast_in_dim3A_24 : vector<16x1xi1>, vector<16x1xf32>
    %select_n3A_706 = arith.select %or3A_696, %add3A_680, %select_n3A_705 : vector<16x1xi1>, vector<16x1xf32>
    %select_n3A_707 = arith.select %and3A_704, %slice3A_679, %broadcast_in_dim3A_691 : vector<16x1xi1>, vector<16x1xf32>
    %select_n3A_708 = arith.select %or3A_696, %slice3A_678, %select_n3A_707 : vector<16x1xi1>, vector<16x1xf32>
    %select_n3A_709 = arith.select %and3A_704, %slice3A_677, %broadcast_in_dim3A_22 : vector<16x1xi1>, vector<16x1xf32>
    %select_n3A_710 = arith.select %or3A_696, %slice3A_676, %select_n3A_709 : vector<16x1xi1>, vector<16x1xf32>
    %select_n3A_711 = arith.select %or3A_696, %add3A_681, %add3A_680 : vector<16x1xi1>, vector<16x1xf32>
    %select_n3A_712 = arith.select %or3A_696, %slice3A_679, %slice3A_678 : vector<16x1xi1>, vector<16x1xf32>
    %select_n3A_713 = arith.select %or3A_696, %slice3A_677, %slice3A_676 : vector<16x1xi1>, vector<16x1xf32>
    %gt3A_714 = arith.cmpf ogt, %add3A_682, %select_n3A_711 : vector<16x1xf32>
    %eq3A_715 = arith.cmpf oeq, %add3A_682, %select_n3A_711 : vector<16x1xf32>
    %lt3A_716 = arith.cmpf olt, %add3A_686, %select_n3A_712 : vector<16x1xf32>
    %and3A_717 = arith.andi %eq3A_715, %lt3A_716 : vector<16x1xi1>
    %or3A_718 = arith.ori %gt3A_714, %and3A_717 : vector<16x1xi1>
    %not3A_719 = arith.constant dense<true> : vector<16x1xi1>
    %not3A_720 = arith.xori %or3A_718, %not3A_719 : vector<16x1xi1>
    %gt3A_721 = arith.cmpf ogt, %add3A_682, %select_n3A_706 : vector<16x1xf32>
    %eq3A_722 = arith.cmpf oeq, %add3A_682, %select_n3A_706 : vector<16x1xf32>
    %lt3A_723 = arith.cmpf olt, %add3A_686, %select_n3A_708 : vector<16x1xf32>
    %and3A_724 = arith.andi %eq3A_722, %lt3A_723 : vector<16x1xi1>
    %or3A_725 = arith.ori %gt3A_721, %and3A_724 : vector<16x1xi1>
    %and3A_726 = arith.andi %not3A_720, %or3A_725 : vector<16x1xi1>
    %select_n3A_727 = arith.select %and3A_726, %add3A_682, %select_n3A_706 : vector<16x1xi1>, vector<16x1xf32>
    %select_n3A_728 = arith.select %or3A_718, %select_n3A_711, %select_n3A_727 : vector<16x1xi1>, vector<16x1xf32>
    %select_n3A_729 = arith.select %and3A_726, %add3A_686, %select_n3A_708 : vector<16x1xi1>, vector<16x1xf32>
    %select_n3A_730 = arith.select %or3A_718, %select_n3A_712, %select_n3A_729 : vector<16x1xi1>, vector<16x1xf32>
    %select_n3A_731 = arith.select %and3A_726, %slice3A_676, %select_n3A_710 : vector<16x1xi1>, vector<16x1xf32>
    %select_n3A_732 = arith.select %or3A_718, %select_n3A_713, %select_n3A_731 : vector<16x1xi1>, vector<16x1xf32>
    %select_n3A_733 = arith.select %or3A_718, %add3A_682, %select_n3A_711 : vector<16x1xi1>, vector<16x1xf32>
    %select_n3A_734 = arith.select %or3A_718, %add3A_686, %select_n3A_712 : vector<16x1xi1>, vector<16x1xf32>
    %select_n3A_735 = arith.select %or3A_718, %slice3A_676, %select_n3A_713 : vector<16x1xi1>, vector<16x1xf32>
    %gt3A_736 = arith.cmpf ogt, %add3A_683, %select_n3A_733 : vector<16x1xf32>
    %eq3A_737 = arith.cmpf oeq, %add3A_683, %select_n3A_733 : vector<16x1xf32>
    %lt3A_738 = arith.cmpf olt, %add3A_689, %select_n3A_734 : vector<16x1xf32>
    %and3A_739 = arith.andi %eq3A_737, %lt3A_738 : vector<16x1xi1>
    %or3A_740 = arith.ori %gt3A_736, %and3A_739 : vector<16x1xi1>
    %not3A_741 = arith.constant dense<true> : vector<16x1xi1>
    %not3A_742 = arith.xori %or3A_740, %not3A_741 : vector<16x1xi1>
    %gt3A_743 = arith.cmpf ogt, %add3A_683, %select_n3A_728 : vector<16x1xf32>
    %eq3A_744 = arith.cmpf oeq, %add3A_683, %select_n3A_728 : vector<16x1xf32>
    %lt3A_745 = arith.cmpf olt, %add3A_689, %select_n3A_730 : vector<16x1xf32>
    %and3A_746 = arith.andi %eq3A_744, %lt3A_745 : vector<16x1xi1>
    %or3A_747 = arith.ori %gt3A_743, %and3A_746 : vector<16x1xi1>
    %and3A_748 = arith.andi %not3A_742, %or3A_747 : vector<16x1xi1>
    %select_n3A_749 = arith.select %and3A_748, %add3A_683, %select_n3A_728 : vector<16x1xi1>, vector<16x1xf32>
    %select_n3A_750 = arith.select %or3A_740, %select_n3A_733, %select_n3A_749 : vector<16x1xi1>, vector<16x1xf32>
    %select_n3A_751 = arith.select %and3A_748, %slice3A_677, %select_n3A_732 : vector<16x1xi1>, vector<16x1xf32>
    %select_n3A_752 = arith.select %or3A_740, %select_n3A_735, %select_n3A_751 : vector<16x1xi1>, vector<16x1xf32>
    %select_n3A_753 = arith.select %or3A_740, %add3A_683, %select_n3A_733 : vector<16x1xi1>, vector<16x1xf32>
    %select_n3A_754 = arith.select %or3A_740, %slice3A_677, %select_n3A_735 : vector<16x1xi1>, vector<16x1xf32>
    %slice3A_755 = vector.extract_strided_slice %sub3A_12 {offsets = [0, 8], sizes = [16, 1], strides = [1, 1]} : vector<16x20xf32> to vector<16x1xf32>
    %select_n3A_756 = arith.select %gt3A_671, %select_n3A_664, %select_n3A_753 : vector<16x1xi1>, vector<16x1xf32>
    %select_n3A_757 = arith.select %gt3A_671, %select_n3A_665, %select_n3A_750 : vector<16x1xi1>, vector<16x1xf32>
    %select_n3A_758 = arith.select %gt3A_671, %slice3A_755, %select_n3A_754 : vector<16x1xi1>, vector<16x1xf32>
    %select_n3A_759 = arith.select %gt3A_671, %slice3A_755, %select_n3A_752 : vector<16x1xi1>, vector<16x1xf32>
    %slice3A_760 = vector.extract_strided_slice %get3A_21 {offsets = [0, 8], sizes = [16, 1], strides = [1, 1]} : vector<16x20xf32> to vector<16x1xf32>
    %gt3A_761 = arith.constant 5.000000e-01 : f32
    %gt3A_762 = vector.broadcast %gt3A_761 : f32 to vector<16x1xf32>
    %gt3A_763 = arith.cmpf ogt, %slice3A_760, %gt3A_762 : vector<16x1xf32>
    %select_n3A_764 = arith.select %gt3A_763, %broadcast_in_dim3A_22, %select_n3A_758 : vector<16x1xi1>, vector<16x1xf32>
    %add3A_765 = arith.addf %add3A_673, %select_n3A_764 : vector<16x1xf32>
    %select_n3A_766 = arith.select %gt3A_763, %broadcast_in_dim3A_22, %select_n3A_759 : vector<16x1xi1>, vector<16x1xf32>
    %add3A_767 = arith.addf %add3A_675, %select_n3A_766 : vector<16x1xf32>
    %slice3A_768 = vector.extract_strided_slice %sub3A {offsets = [0, 9], sizes = [16, 1], strides = [1, 1]} : vector<16x20xf32> to vector<16x1xf32>
    %slice3A_769 = vector.extract_strided_slice %sub3A_8 {offsets = [0, 9], sizes = [16, 1], strides = [1, 1]} : vector<16x20xf32> to vector<16x1xf32>
    %slice3A_770 = vector.extract_strided_slice %get3A_15 {offsets = [0, 9], sizes = [16, 1], strides = [1, 1]} : vector<16x20xf32> to vector<16x1xf32>
    %slice3A_771 = vector.extract_strided_slice %get3A_18 {offsets = [0, 9], sizes = [16, 1], strides = [1, 1]} : vector<16x20xf32> to vector<16x1xf32>
    %add3A_772 = arith.addf %select_n3A_756, %slice3A_768 : vector<16x1xf32>
    %add3A_773 = arith.addf %select_n3A_756, %slice3A_769 : vector<16x1xf32>
    %add3A_774 = arith.addf %select_n3A_757, %slice3A_768 : vector<16x1xf32>
    %add3A_775 = arith.addf %select_n3A_757, %slice3A_769 : vector<16x1xf32>
    %add3A_776 = arith.constant 1.000000e+05 : f32
    %add3A_777 = vector.broadcast %add3A_776 : f32 to vector<16x1xf32>
    %add3A_778 = arith.addf %add3A_777, %slice3A_770 : vector<16x1xf32>
    %add3A_779 = arith.constant 1.000000e+05 : f32
    %add3A_780 = vector.broadcast %add3A_779 : f32 to vector<16x1xf32>
    %add3A_781 = arith.addf %add3A_780, %slice3A_771 : vector<16x1xf32>
    %broadcast_in_dim3A_782 = arith.constant 1.07374182E+9 : f32
    %broadcast_in_dim3A_783 = vector.broadcast %broadcast_in_dim3A_782 : f32 to vector<16x1xf32>
    %gt3A_784 = arith.cmpf ogt, %add3A_773, %add3A_772 : vector<16x1xf32>
    %eq3A_785 = arith.cmpf oeq, %add3A_773, %add3A_772 : vector<16x1xf32>
    %lt3A_786 = arith.cmpf olt, %slice3A_771, %slice3A_770 : vector<16x1xf32>
    %and3A_787 = arith.andi %eq3A_785, %lt3A_786 : vector<16x1xi1>
    %or3A_788 = arith.ori %gt3A_784, %and3A_787 : vector<16x1xi1>
    %not3A_789 = arith.constant dense<true> : vector<16x1xi1>
    %not3A_790 = arith.xori %or3A_788, %not3A_789 : vector<16x1xi1>
    %gt3A_791 = arith.cmpf ogt, %add3A_773, %broadcast_in_dim3A_24 : vector<16x1xf32>
    %eq3A_792 = arith.cmpf oeq, %add3A_773, %broadcast_in_dim3A_24 : vector<16x1xf32>
    %lt3A_793 = arith.cmpf olt, %slice3A_771, %broadcast_in_dim3A_783 : vector<16x1xf32>
    %and3A_794 = arith.andi %eq3A_792, %lt3A_793 : vector<16x1xi1>
    %or3A_795 = arith.ori %gt3A_791, %and3A_794 : vector<16x1xi1>
    %and3A_796 = arith.andi %not3A_790, %or3A_795 : vector<16x1xi1>
    %select_n3A_797 = arith.select %and3A_796, %add3A_773, %broadcast_in_dim3A_24 : vector<16x1xi1>, vector<16x1xf32>
    %select_n3A_798 = arith.select %or3A_788, %add3A_772, %select_n3A_797 : vector<16x1xi1>, vector<16x1xf32>
    %select_n3A_799 = arith.select %and3A_796, %slice3A_771, %broadcast_in_dim3A_783 : vector<16x1xi1>, vector<16x1xf32>
    %select_n3A_800 = arith.select %or3A_788, %slice3A_770, %select_n3A_799 : vector<16x1xi1>, vector<16x1xf32>
    %select_n3A_801 = arith.select %and3A_796, %slice3A_769, %broadcast_in_dim3A_22 : vector<16x1xi1>, vector<16x1xf32>
    %select_n3A_802 = arith.select %or3A_788, %slice3A_768, %select_n3A_801 : vector<16x1xi1>, vector<16x1xf32>
    %select_n3A_803 = arith.select %or3A_788, %add3A_773, %add3A_772 : vector<16x1xi1>, vector<16x1xf32>
    %select_n3A_804 = arith.select %or3A_788, %slice3A_771, %slice3A_770 : vector<16x1xi1>, vector<16x1xf32>
    %select_n3A_805 = arith.select %or3A_788, %slice3A_769, %slice3A_768 : vector<16x1xi1>, vector<16x1xf32>
    %gt3A_806 = arith.cmpf ogt, %add3A_774, %select_n3A_803 : vector<16x1xf32>
    %eq3A_807 = arith.cmpf oeq, %add3A_774, %select_n3A_803 : vector<16x1xf32>
    %lt3A_808 = arith.cmpf olt, %add3A_778, %select_n3A_804 : vector<16x1xf32>
    %and3A_809 = arith.andi %eq3A_807, %lt3A_808 : vector<16x1xi1>
    %or3A_810 = arith.ori %gt3A_806, %and3A_809 : vector<16x1xi1>
    %not3A_811 = arith.constant dense<true> : vector<16x1xi1>
    %not3A_812 = arith.xori %or3A_810, %not3A_811 : vector<16x1xi1>
    %gt3A_813 = arith.cmpf ogt, %add3A_774, %select_n3A_798 : vector<16x1xf32>
    %eq3A_814 = arith.cmpf oeq, %add3A_774, %select_n3A_798 : vector<16x1xf32>
    %lt3A_815 = arith.cmpf olt, %add3A_778, %select_n3A_800 : vector<16x1xf32>
    %and3A_816 = arith.andi %eq3A_814, %lt3A_815 : vector<16x1xi1>
    %or3A_817 = arith.ori %gt3A_813, %and3A_816 : vector<16x1xi1>
    %and3A_818 = arith.andi %not3A_812, %or3A_817 : vector<16x1xi1>
    %select_n3A_819 = arith.select %and3A_818, %add3A_774, %select_n3A_798 : vector<16x1xi1>, vector<16x1xf32>
    %select_n3A_820 = arith.select %or3A_810, %select_n3A_803, %select_n3A_819 : vector<16x1xi1>, vector<16x1xf32>
    %select_n3A_821 = arith.select %and3A_818, %add3A_778, %select_n3A_800 : vector<16x1xi1>, vector<16x1xf32>
    %select_n3A_822 = arith.select %or3A_810, %select_n3A_804, %select_n3A_821 : vector<16x1xi1>, vector<16x1xf32>
    %select_n3A_823 = arith.select %and3A_818, %slice3A_768, %select_n3A_802 : vector<16x1xi1>, vector<16x1xf32>
    %select_n3A_824 = arith.select %or3A_810, %select_n3A_805, %select_n3A_823 : vector<16x1xi1>, vector<16x1xf32>
    %select_n3A_825 = arith.select %or3A_810, %add3A_774, %select_n3A_803 : vector<16x1xi1>, vector<16x1xf32>
    %select_n3A_826 = arith.select %or3A_810, %add3A_778, %select_n3A_804 : vector<16x1xi1>, vector<16x1xf32>
    %select_n3A_827 = arith.select %or3A_810, %slice3A_768, %select_n3A_805 : vector<16x1xi1>, vector<16x1xf32>
    %gt3A_828 = arith.cmpf ogt, %add3A_775, %select_n3A_825 : vector<16x1xf32>
    %eq3A_829 = arith.cmpf oeq, %add3A_775, %select_n3A_825 : vector<16x1xf32>
    %lt3A_830 = arith.cmpf olt, %add3A_781, %select_n3A_826 : vector<16x1xf32>
    %and3A_831 = arith.andi %eq3A_829, %lt3A_830 : vector<16x1xi1>
    %or3A_832 = arith.ori %gt3A_828, %and3A_831 : vector<16x1xi1>
    %not3A_833 = arith.constant dense<true> : vector<16x1xi1>
    %not3A_834 = arith.xori %or3A_832, %not3A_833 : vector<16x1xi1>
    %gt3A_835 = arith.cmpf ogt, %add3A_775, %select_n3A_820 : vector<16x1xf32>
    %eq3A_836 = arith.cmpf oeq, %add3A_775, %select_n3A_820 : vector<16x1xf32>
    %lt3A_837 = arith.cmpf olt, %add3A_781, %select_n3A_822 : vector<16x1xf32>
    %and3A_838 = arith.andi %eq3A_836, %lt3A_837 : vector<16x1xi1>
    %or3A_839 = arith.ori %gt3A_835, %and3A_838 : vector<16x1xi1>
    %and3A_840 = arith.andi %not3A_834, %or3A_839 : vector<16x1xi1>
    %select_n3A_841 = arith.select %and3A_840, %add3A_775, %select_n3A_820 : vector<16x1xi1>, vector<16x1xf32>
    %select_n3A_842 = arith.select %or3A_832, %select_n3A_825, %select_n3A_841 : vector<16x1xi1>, vector<16x1xf32>
    %select_n3A_843 = arith.select %and3A_840, %slice3A_769, %select_n3A_824 : vector<16x1xi1>, vector<16x1xf32>
    %select_n3A_844 = arith.select %or3A_832, %select_n3A_827, %select_n3A_843 : vector<16x1xi1>, vector<16x1xf32>
    %select_n3A_845 = arith.select %or3A_832, %add3A_775, %select_n3A_825 : vector<16x1xi1>, vector<16x1xf32>
    %select_n3A_846 = arith.select %or3A_832, %slice3A_769, %select_n3A_827 : vector<16x1xi1>, vector<16x1xf32>
    %slice3A_847 = vector.extract_strided_slice %sub3A_12 {offsets = [0, 9], sizes = [16, 1], strides = [1, 1]} : vector<16x20xf32> to vector<16x1xf32>
    %select_n3A_848 = arith.select %gt3A_763, %select_n3A_756, %select_n3A_845 : vector<16x1xi1>, vector<16x1xf32>
    %select_n3A_849 = arith.select %gt3A_763, %select_n3A_757, %select_n3A_842 : vector<16x1xi1>, vector<16x1xf32>
    %select_n3A_850 = arith.select %gt3A_763, %slice3A_847, %select_n3A_846 : vector<16x1xi1>, vector<16x1xf32>
    %select_n3A_851 = arith.select %gt3A_763, %slice3A_847, %select_n3A_844 : vector<16x1xi1>, vector<16x1xf32>
    %slice3A_852 = vector.extract_strided_slice %get3A_21 {offsets = [0, 9], sizes = [16, 1], strides = [1, 1]} : vector<16x20xf32> to vector<16x1xf32>
    %gt3A_853 = arith.constant 5.000000e-01 : f32
    %gt3A_854 = vector.broadcast %gt3A_853 : f32 to vector<16x1xf32>
    %gt3A_855 = arith.cmpf ogt, %slice3A_852, %gt3A_854 : vector<16x1xf32>
    %select_n3A_856 = arith.select %gt3A_855, %broadcast_in_dim3A_22, %select_n3A_850 : vector<16x1xi1>, vector<16x1xf32>
    %add3A_857 = arith.addf %add3A_765, %select_n3A_856 : vector<16x1xf32>
    %select_n3A_858 = arith.select %gt3A_855, %broadcast_in_dim3A_22, %select_n3A_851 : vector<16x1xi1>, vector<16x1xf32>
    %add3A_859 = arith.addf %add3A_767, %select_n3A_858 : vector<16x1xf32>
    %slice3A_860 = vector.extract_strided_slice %sub3A {offsets = [0, 10], sizes = [16, 1], strides = [1, 1]} : vector<16x20xf32> to vector<16x1xf32>
    %slice3A_861 = vector.extract_strided_slice %sub3A_8 {offsets = [0, 10], sizes = [16, 1], strides = [1, 1]} : vector<16x20xf32> to vector<16x1xf32>
    %slice3A_862 = vector.extract_strided_slice %get3A_15 {offsets = [0, 10], sizes = [16, 1], strides = [1, 1]} : vector<16x20xf32> to vector<16x1xf32>
    %slice3A_863 = vector.extract_strided_slice %get3A_18 {offsets = [0, 10], sizes = [16, 1], strides = [1, 1]} : vector<16x20xf32> to vector<16x1xf32>
    %add3A_864 = arith.addf %select_n3A_848, %slice3A_860 : vector<16x1xf32>
    %add3A_865 = arith.addf %select_n3A_848, %slice3A_861 : vector<16x1xf32>
    %add3A_866 = arith.addf %select_n3A_849, %slice3A_860 : vector<16x1xf32>
    %add3A_867 = arith.addf %select_n3A_849, %slice3A_861 : vector<16x1xf32>
    %add3A_868 = arith.constant 1.000000e+05 : f32
    %add3A_869 = vector.broadcast %add3A_868 : f32 to vector<16x1xf32>
    %add3A_870 = arith.addf %add3A_869, %slice3A_862 : vector<16x1xf32>
    %add3A_871 = arith.constant 1.000000e+05 : f32
    %add3A_872 = vector.broadcast %add3A_871 : f32 to vector<16x1xf32>
    %add3A_873 = arith.addf %add3A_872, %slice3A_863 : vector<16x1xf32>
    %broadcast_in_dim3A_874 = arith.constant 1.07374182E+9 : f32
    %broadcast_in_dim3A_875 = vector.broadcast %broadcast_in_dim3A_874 : f32 to vector<16x1xf32>
    %gt3A_876 = arith.cmpf ogt, %add3A_865, %add3A_864 : vector<16x1xf32>
    %eq3A_877 = arith.cmpf oeq, %add3A_865, %add3A_864 : vector<16x1xf32>
    %lt3A_878 = arith.cmpf olt, %slice3A_863, %slice3A_862 : vector<16x1xf32>
    %and3A_879 = arith.andi %eq3A_877, %lt3A_878 : vector<16x1xi1>
    %or3A_880 = arith.ori %gt3A_876, %and3A_879 : vector<16x1xi1>
    %not3A_881 = arith.constant dense<true> : vector<16x1xi1>
    %not3A_882 = arith.xori %or3A_880, %not3A_881 : vector<16x1xi1>
    %gt3A_883 = arith.cmpf ogt, %add3A_865, %broadcast_in_dim3A_24 : vector<16x1xf32>
    %eq3A_884 = arith.cmpf oeq, %add3A_865, %broadcast_in_dim3A_24 : vector<16x1xf32>
    %lt3A_885 = arith.cmpf olt, %slice3A_863, %broadcast_in_dim3A_875 : vector<16x1xf32>
    %and3A_886 = arith.andi %eq3A_884, %lt3A_885 : vector<16x1xi1>
    %or3A_887 = arith.ori %gt3A_883, %and3A_886 : vector<16x1xi1>
    %and3A_888 = arith.andi %not3A_882, %or3A_887 : vector<16x1xi1>
    %select_n3A_889 = arith.select %and3A_888, %add3A_865, %broadcast_in_dim3A_24 : vector<16x1xi1>, vector<16x1xf32>
    %select_n3A_890 = arith.select %or3A_880, %add3A_864, %select_n3A_889 : vector<16x1xi1>, vector<16x1xf32>
    %select_n3A_891 = arith.select %and3A_888, %slice3A_863, %broadcast_in_dim3A_875 : vector<16x1xi1>, vector<16x1xf32>
    %select_n3A_892 = arith.select %or3A_880, %slice3A_862, %select_n3A_891 : vector<16x1xi1>, vector<16x1xf32>
    %select_n3A_893 = arith.select %and3A_888, %slice3A_861, %broadcast_in_dim3A_22 : vector<16x1xi1>, vector<16x1xf32>
    %select_n3A_894 = arith.select %or3A_880, %slice3A_860, %select_n3A_893 : vector<16x1xi1>, vector<16x1xf32>
    %select_n3A_895 = arith.select %or3A_880, %add3A_865, %add3A_864 : vector<16x1xi1>, vector<16x1xf32>
    %select_n3A_896 = arith.select %or3A_880, %slice3A_863, %slice3A_862 : vector<16x1xi1>, vector<16x1xf32>
    %select_n3A_897 = arith.select %or3A_880, %slice3A_861, %slice3A_860 : vector<16x1xi1>, vector<16x1xf32>
    %gt3A_898 = arith.cmpf ogt, %add3A_866, %select_n3A_895 : vector<16x1xf32>
    %eq3A_899 = arith.cmpf oeq, %add3A_866, %select_n3A_895 : vector<16x1xf32>
    %lt3A_900 = arith.cmpf olt, %add3A_870, %select_n3A_896 : vector<16x1xf32>
    %and3A_901 = arith.andi %eq3A_899, %lt3A_900 : vector<16x1xi1>
    %or3A_902 = arith.ori %gt3A_898, %and3A_901 : vector<16x1xi1>
    %not3A_903 = arith.constant dense<true> : vector<16x1xi1>
    %not3A_904 = arith.xori %or3A_902, %not3A_903 : vector<16x1xi1>
    %gt3A_905 = arith.cmpf ogt, %add3A_866, %select_n3A_890 : vector<16x1xf32>
    %eq3A_906 = arith.cmpf oeq, %add3A_866, %select_n3A_890 : vector<16x1xf32>
    %lt3A_907 = arith.cmpf olt, %add3A_870, %select_n3A_892 : vector<16x1xf32>
    %and3A_908 = arith.andi %eq3A_906, %lt3A_907 : vector<16x1xi1>
    %or3A_909 = arith.ori %gt3A_905, %and3A_908 : vector<16x1xi1>
    %and3A_910 = arith.andi %not3A_904, %or3A_909 : vector<16x1xi1>
    %select_n3A_911 = arith.select %and3A_910, %add3A_866, %select_n3A_890 : vector<16x1xi1>, vector<16x1xf32>
    %select_n3A_912 = arith.select %or3A_902, %select_n3A_895, %select_n3A_911 : vector<16x1xi1>, vector<16x1xf32>
    %select_n3A_913 = arith.select %and3A_910, %add3A_870, %select_n3A_892 : vector<16x1xi1>, vector<16x1xf32>
    %select_n3A_914 = arith.select %or3A_902, %select_n3A_896, %select_n3A_913 : vector<16x1xi1>, vector<16x1xf32>
    %select_n3A_915 = arith.select %and3A_910, %slice3A_860, %select_n3A_894 : vector<16x1xi1>, vector<16x1xf32>
    %select_n3A_916 = arith.select %or3A_902, %select_n3A_897, %select_n3A_915 : vector<16x1xi1>, vector<16x1xf32>
    %select_n3A_917 = arith.select %or3A_902, %add3A_866, %select_n3A_895 : vector<16x1xi1>, vector<16x1xf32>
    %select_n3A_918 = arith.select %or3A_902, %add3A_870, %select_n3A_896 : vector<16x1xi1>, vector<16x1xf32>
    %select_n3A_919 = arith.select %or3A_902, %slice3A_860, %select_n3A_897 : vector<16x1xi1>, vector<16x1xf32>
    %gt3A_920 = arith.cmpf ogt, %add3A_867, %select_n3A_917 : vector<16x1xf32>
    %eq3A_921 = arith.cmpf oeq, %add3A_867, %select_n3A_917 : vector<16x1xf32>
    %lt3A_922 = arith.cmpf olt, %add3A_873, %select_n3A_918 : vector<16x1xf32>
    %and3A_923 = arith.andi %eq3A_921, %lt3A_922 : vector<16x1xi1>
    %or3A_924 = arith.ori %gt3A_920, %and3A_923 : vector<16x1xi1>
    %not3A_925 = arith.constant dense<true> : vector<16x1xi1>
    %not3A_926 = arith.xori %or3A_924, %not3A_925 : vector<16x1xi1>
    %gt3A_927 = arith.cmpf ogt, %add3A_867, %select_n3A_912 : vector<16x1xf32>
    %eq3A_928 = arith.cmpf oeq, %add3A_867, %select_n3A_912 : vector<16x1xf32>
    %lt3A_929 = arith.cmpf olt, %add3A_873, %select_n3A_914 : vector<16x1xf32>
    %and3A_930 = arith.andi %eq3A_928, %lt3A_929 : vector<16x1xi1>
    %or3A_931 = arith.ori %gt3A_927, %and3A_930 : vector<16x1xi1>
    %and3A_932 = arith.andi %not3A_926, %or3A_931 : vector<16x1xi1>
    %select_n3A_933 = arith.select %and3A_932, %add3A_867, %select_n3A_912 : vector<16x1xi1>, vector<16x1xf32>
    %select_n3A_934 = arith.select %or3A_924, %select_n3A_917, %select_n3A_933 : vector<16x1xi1>, vector<16x1xf32>
    %select_n3A_935 = arith.select %and3A_932, %slice3A_861, %select_n3A_916 : vector<16x1xi1>, vector<16x1xf32>
    %select_n3A_936 = arith.select %or3A_924, %select_n3A_919, %select_n3A_935 : vector<16x1xi1>, vector<16x1xf32>
    %select_n3A_937 = arith.select %or3A_924, %add3A_867, %select_n3A_917 : vector<16x1xi1>, vector<16x1xf32>
    %select_n3A_938 = arith.select %or3A_924, %slice3A_861, %select_n3A_919 : vector<16x1xi1>, vector<16x1xf32>
    %slice3A_939 = vector.extract_strided_slice %sub3A_12 {offsets = [0, 10], sizes = [16, 1], strides = [1, 1]} : vector<16x20xf32> to vector<16x1xf32>
    %select_n3A_940 = arith.select %gt3A_855, %select_n3A_848, %select_n3A_937 : vector<16x1xi1>, vector<16x1xf32>
    %select_n3A_941 = arith.select %gt3A_855, %select_n3A_849, %select_n3A_934 : vector<16x1xi1>, vector<16x1xf32>
    %select_n3A_942 = arith.select %gt3A_855, %slice3A_939, %select_n3A_938 : vector<16x1xi1>, vector<16x1xf32>
    %select_n3A_943 = arith.select %gt3A_855, %slice3A_939, %select_n3A_936 : vector<16x1xi1>, vector<16x1xf32>
    %slice3A_944 = vector.extract_strided_slice %get3A_21 {offsets = [0, 10], sizes = [16, 1], strides = [1, 1]} : vector<16x20xf32> to vector<16x1xf32>
    %gt3A_945 = arith.constant 5.000000e-01 : f32
    %gt3A_946 = vector.broadcast %gt3A_945 : f32 to vector<16x1xf32>
    %gt3A_947 = arith.cmpf ogt, %slice3A_944, %gt3A_946 : vector<16x1xf32>
    %select_n3A_948 = arith.select %gt3A_947, %broadcast_in_dim3A_22, %select_n3A_942 : vector<16x1xi1>, vector<16x1xf32>
    %add3A_949 = arith.addf %add3A_857, %select_n3A_948 : vector<16x1xf32>
    %select_n3A_950 = arith.select %gt3A_947, %broadcast_in_dim3A_22, %select_n3A_943 : vector<16x1xi1>, vector<16x1xf32>
    %add3A_951 = arith.addf %add3A_859, %select_n3A_950 : vector<16x1xf32>
    %slice3A_952 = vector.extract_strided_slice %sub3A {offsets = [0, 11], sizes = [16, 1], strides = [1, 1]} : vector<16x20xf32> to vector<16x1xf32>
    %slice3A_953 = vector.extract_strided_slice %sub3A_8 {offsets = [0, 11], sizes = [16, 1], strides = [1, 1]} : vector<16x20xf32> to vector<16x1xf32>
    %slice3A_954 = vector.extract_strided_slice %get3A_15 {offsets = [0, 11], sizes = [16, 1], strides = [1, 1]} : vector<16x20xf32> to vector<16x1xf32>
    %slice3A_955 = vector.extract_strided_slice %get3A_18 {offsets = [0, 11], sizes = [16, 1], strides = [1, 1]} : vector<16x20xf32> to vector<16x1xf32>
    %add3A_956 = arith.addf %select_n3A_940, %slice3A_952 : vector<16x1xf32>
    %add3A_957 = arith.addf %select_n3A_940, %slice3A_953 : vector<16x1xf32>
    %add3A_958 = arith.addf %select_n3A_941, %slice3A_952 : vector<16x1xf32>
    %add3A_959 = arith.addf %select_n3A_941, %slice3A_953 : vector<16x1xf32>
    %add3A_960 = arith.constant 1.000000e+05 : f32
    %add3A_961 = vector.broadcast %add3A_960 : f32 to vector<16x1xf32>
    %add3A_962 = arith.addf %add3A_961, %slice3A_954 : vector<16x1xf32>
    %add3A_963 = arith.constant 1.000000e+05 : f32
    %add3A_964 = vector.broadcast %add3A_963 : f32 to vector<16x1xf32>
    %add3A_965 = arith.addf %add3A_964, %slice3A_955 : vector<16x1xf32>
    %broadcast_in_dim3A_966 = arith.constant 1.07374182E+9 : f32
    %broadcast_in_dim3A_967 = vector.broadcast %broadcast_in_dim3A_966 : f32 to vector<16x1xf32>
    %gt3A_968 = arith.cmpf ogt, %add3A_957, %add3A_956 : vector<16x1xf32>
    %eq3A_969 = arith.cmpf oeq, %add3A_957, %add3A_956 : vector<16x1xf32>
    %lt3A_970 = arith.cmpf olt, %slice3A_955, %slice3A_954 : vector<16x1xf32>
    %and3A_971 = arith.andi %eq3A_969, %lt3A_970 : vector<16x1xi1>
    %or3A_972 = arith.ori %gt3A_968, %and3A_971 : vector<16x1xi1>
    %not3A_973 = arith.constant dense<true> : vector<16x1xi1>
    %not3A_974 = arith.xori %or3A_972, %not3A_973 : vector<16x1xi1>
    %gt3A_975 = arith.cmpf ogt, %add3A_957, %broadcast_in_dim3A_24 : vector<16x1xf32>
    %eq3A_976 = arith.cmpf oeq, %add3A_957, %broadcast_in_dim3A_24 : vector<16x1xf32>
    %lt3A_977 = arith.cmpf olt, %slice3A_955, %broadcast_in_dim3A_967 : vector<16x1xf32>
    %and3A_978 = arith.andi %eq3A_976, %lt3A_977 : vector<16x1xi1>
    %or3A_979 = arith.ori %gt3A_975, %and3A_978 : vector<16x1xi1>
    %and3A_980 = arith.andi %not3A_974, %or3A_979 : vector<16x1xi1>
    %select_n3A_981 = arith.select %and3A_980, %add3A_957, %broadcast_in_dim3A_24 : vector<16x1xi1>, vector<16x1xf32>
    %select_n3A_982 = arith.select %or3A_972, %add3A_956, %select_n3A_981 : vector<16x1xi1>, vector<16x1xf32>
    %select_n3A_983 = arith.select %and3A_980, %slice3A_955, %broadcast_in_dim3A_967 : vector<16x1xi1>, vector<16x1xf32>
    %select_n3A_984 = arith.select %or3A_972, %slice3A_954, %select_n3A_983 : vector<16x1xi1>, vector<16x1xf32>
    %select_n3A_985 = arith.select %and3A_980, %slice3A_953, %broadcast_in_dim3A_22 : vector<16x1xi1>, vector<16x1xf32>
    %select_n3A_986 = arith.select %or3A_972, %slice3A_952, %select_n3A_985 : vector<16x1xi1>, vector<16x1xf32>
    %select_n3A_987 = arith.select %or3A_972, %add3A_957, %add3A_956 : vector<16x1xi1>, vector<16x1xf32>
    %select_n3A_988 = arith.select %or3A_972, %slice3A_955, %slice3A_954 : vector<16x1xi1>, vector<16x1xf32>
    %select_n3A_989 = arith.select %or3A_972, %slice3A_953, %slice3A_952 : vector<16x1xi1>, vector<16x1xf32>
    %gt3A_990 = arith.cmpf ogt, %add3A_958, %select_n3A_987 : vector<16x1xf32>
    %eq3A_991 = arith.cmpf oeq, %add3A_958, %select_n3A_987 : vector<16x1xf32>
    %lt3A_992 = arith.cmpf olt, %add3A_962, %select_n3A_988 : vector<16x1xf32>
    %and3A_993 = arith.andi %eq3A_991, %lt3A_992 : vector<16x1xi1>
    %or3A_994 = arith.ori %gt3A_990, %and3A_993 : vector<16x1xi1>
    %not3A_995 = arith.constant dense<true> : vector<16x1xi1>
    %not3A_996 = arith.xori %or3A_994, %not3A_995 : vector<16x1xi1>
    %gt3A_997 = arith.cmpf ogt, %add3A_958, %select_n3A_982 : vector<16x1xf32>
    %eq3A_998 = arith.cmpf oeq, %add3A_958, %select_n3A_982 : vector<16x1xf32>
    %lt3A_999 = arith.cmpf olt, %add3A_962, %select_n3A_984 : vector<16x1xf32>
    %and3A_1000 = arith.andi %eq3A_998, %lt3A_999 : vector<16x1xi1>
    %or3A_1001 = arith.ori %gt3A_997, %and3A_1000 : vector<16x1xi1>
    %and3A_1002 = arith.andi %not3A_996, %or3A_1001 : vector<16x1xi1>
    %select_n3A_1003 = arith.select %and3A_1002, %add3A_958, %select_n3A_982 : vector<16x1xi1>, vector<16x1xf32>
    %select_n3A_1004 = arith.select %or3A_994, %select_n3A_987, %select_n3A_1003 : vector<16x1xi1>, vector<16x1xf32>
    %select_n3A_1005 = arith.select %and3A_1002, %add3A_962, %select_n3A_984 : vector<16x1xi1>, vector<16x1xf32>
    %select_n3A_1006 = arith.select %or3A_994, %select_n3A_988, %select_n3A_1005 : vector<16x1xi1>, vector<16x1xf32>
    %select_n3A_1007 = arith.select %and3A_1002, %slice3A_952, %select_n3A_986 : vector<16x1xi1>, vector<16x1xf32>
    %select_n3A_1008 = arith.select %or3A_994, %select_n3A_989, %select_n3A_1007 : vector<16x1xi1>, vector<16x1xf32>
    %select_n3A_1009 = arith.select %or3A_994, %add3A_958, %select_n3A_987 : vector<16x1xi1>, vector<16x1xf32>
    %select_n3A_1010 = arith.select %or3A_994, %add3A_962, %select_n3A_988 : vector<16x1xi1>, vector<16x1xf32>
    %select_n3A_1011 = arith.select %or3A_994, %slice3A_952, %select_n3A_989 : vector<16x1xi1>, vector<16x1xf32>
    %gt3A_1012 = arith.cmpf ogt, %add3A_959, %select_n3A_1009 : vector<16x1xf32>
    %eq3A_1013 = arith.cmpf oeq, %add3A_959, %select_n3A_1009 : vector<16x1xf32>
    %lt3A_1014 = arith.cmpf olt, %add3A_965, %select_n3A_1010 : vector<16x1xf32>
    %and3A_1015 = arith.andi %eq3A_1013, %lt3A_1014 : vector<16x1xi1>
    %or3A_1016 = arith.ori %gt3A_1012, %and3A_1015 : vector<16x1xi1>
    %not3A_1017 = arith.constant dense<true> : vector<16x1xi1>
    %not3A_1018 = arith.xori %or3A_1016, %not3A_1017 : vector<16x1xi1>
    %gt3A_1019 = arith.cmpf ogt, %add3A_959, %select_n3A_1004 : vector<16x1xf32>
    %eq3A_1020 = arith.cmpf oeq, %add3A_959, %select_n3A_1004 : vector<16x1xf32>
    %lt3A_1021 = arith.cmpf olt, %add3A_965, %select_n3A_1006 : vector<16x1xf32>
    %and3A_1022 = arith.andi %eq3A_1020, %lt3A_1021 : vector<16x1xi1>
    %or3A_1023 = arith.ori %gt3A_1019, %and3A_1022 : vector<16x1xi1>
    %and3A_1024 = arith.andi %not3A_1018, %or3A_1023 : vector<16x1xi1>
    %select_n3A_1025 = arith.select %and3A_1024, %add3A_959, %select_n3A_1004 : vector<16x1xi1>, vector<16x1xf32>
    %select_n3A_1026 = arith.select %or3A_1016, %select_n3A_1009, %select_n3A_1025 : vector<16x1xi1>, vector<16x1xf32>
    %select_n3A_1027 = arith.select %and3A_1024, %slice3A_953, %select_n3A_1008 : vector<16x1xi1>, vector<16x1xf32>
    %select_n3A_1028 = arith.select %or3A_1016, %select_n3A_1011, %select_n3A_1027 : vector<16x1xi1>, vector<16x1xf32>
    %select_n3A_1029 = arith.select %or3A_1016, %add3A_959, %select_n3A_1009 : vector<16x1xi1>, vector<16x1xf32>
    %select_n3A_1030 = arith.select %or3A_1016, %slice3A_953, %select_n3A_1011 : vector<16x1xi1>, vector<16x1xf32>
    %slice3A_1031 = vector.extract_strided_slice %sub3A_12 {offsets = [0, 11], sizes = [16, 1], strides = [1, 1]} : vector<16x20xf32> to vector<16x1xf32>
    %select_n3A_1032 = arith.select %gt3A_947, %select_n3A_940, %select_n3A_1029 : vector<16x1xi1>, vector<16x1xf32>
    %select_n3A_1033 = arith.select %gt3A_947, %select_n3A_941, %select_n3A_1026 : vector<16x1xi1>, vector<16x1xf32>
    %select_n3A_1034 = arith.select %gt3A_947, %slice3A_1031, %select_n3A_1030 : vector<16x1xi1>, vector<16x1xf32>
    %select_n3A_1035 = arith.select %gt3A_947, %slice3A_1031, %select_n3A_1028 : vector<16x1xi1>, vector<16x1xf32>
    %slice3A_1036 = vector.extract_strided_slice %get3A_21 {offsets = [0, 11], sizes = [16, 1], strides = [1, 1]} : vector<16x20xf32> to vector<16x1xf32>
    %gt3A_1037 = arith.constant 5.000000e-01 : f32
    %gt3A_1038 = vector.broadcast %gt3A_1037 : f32 to vector<16x1xf32>
    %gt3A_1039 = arith.cmpf ogt, %slice3A_1036, %gt3A_1038 : vector<16x1xf32>
    %select_n3A_1040 = arith.select %gt3A_1039, %broadcast_in_dim3A_22, %select_n3A_1034 : vector<16x1xi1>, vector<16x1xf32>
    %add3A_1041 = arith.addf %add3A_949, %select_n3A_1040 : vector<16x1xf32>
    %select_n3A_1042 = arith.select %gt3A_1039, %broadcast_in_dim3A_22, %select_n3A_1035 : vector<16x1xi1>, vector<16x1xf32>
    %add3A_1043 = arith.addf %add3A_951, %select_n3A_1042 : vector<16x1xf32>
    %slice3A_1044 = vector.extract_strided_slice %sub3A {offsets = [0, 12], sizes = [16, 1], strides = [1, 1]} : vector<16x20xf32> to vector<16x1xf32>
    %slice3A_1045 = vector.extract_strided_slice %sub3A_8 {offsets = [0, 12], sizes = [16, 1], strides = [1, 1]} : vector<16x20xf32> to vector<16x1xf32>
    %slice3A_1046 = vector.extract_strided_slice %get3A_15 {offsets = [0, 12], sizes = [16, 1], strides = [1, 1]} : vector<16x20xf32> to vector<16x1xf32>
    %slice3A_1047 = vector.extract_strided_slice %get3A_18 {offsets = [0, 12], sizes = [16, 1], strides = [1, 1]} : vector<16x20xf32> to vector<16x1xf32>
    %add3A_1048 = arith.addf %select_n3A_1032, %slice3A_1044 : vector<16x1xf32>
    %add3A_1049 = arith.addf %select_n3A_1032, %slice3A_1045 : vector<16x1xf32>
    %add3A_1050 = arith.addf %select_n3A_1033, %slice3A_1044 : vector<16x1xf32>
    %add3A_1051 = arith.addf %select_n3A_1033, %slice3A_1045 : vector<16x1xf32>
    %add3A_1052 = arith.constant 1.000000e+05 : f32
    %add3A_1053 = vector.broadcast %add3A_1052 : f32 to vector<16x1xf32>
    %add3A_1054 = arith.addf %add3A_1053, %slice3A_1046 : vector<16x1xf32>
    %add3A_1055 = arith.constant 1.000000e+05 : f32
    %add3A_1056 = vector.broadcast %add3A_1055 : f32 to vector<16x1xf32>
    %add3A_1057 = arith.addf %add3A_1056, %slice3A_1047 : vector<16x1xf32>
    %broadcast_in_dim3A_1058 = arith.constant 1.07374182E+9 : f32
    %broadcast_in_dim3A_1059 = vector.broadcast %broadcast_in_dim3A_1058 : f32 to vector<16x1xf32>
    %gt3A_1060 = arith.cmpf ogt, %add3A_1049, %add3A_1048 : vector<16x1xf32>
    %eq3A_1061 = arith.cmpf oeq, %add3A_1049, %add3A_1048 : vector<16x1xf32>
    %lt3A_1062 = arith.cmpf olt, %slice3A_1047, %slice3A_1046 : vector<16x1xf32>
    %and3A_1063 = arith.andi %eq3A_1061, %lt3A_1062 : vector<16x1xi1>
    %or3A_1064 = arith.ori %gt3A_1060, %and3A_1063 : vector<16x1xi1>
    %not3A_1065 = arith.constant dense<true> : vector<16x1xi1>
    %not3A_1066 = arith.xori %or3A_1064, %not3A_1065 : vector<16x1xi1>
    %gt3A_1067 = arith.cmpf ogt, %add3A_1049, %broadcast_in_dim3A_24 : vector<16x1xf32>
    %eq3A_1068 = arith.cmpf oeq, %add3A_1049, %broadcast_in_dim3A_24 : vector<16x1xf32>
    %lt3A_1069 = arith.cmpf olt, %slice3A_1047, %broadcast_in_dim3A_1059 : vector<16x1xf32>
    %and3A_1070 = arith.andi %eq3A_1068, %lt3A_1069 : vector<16x1xi1>
    %or3A_1071 = arith.ori %gt3A_1067, %and3A_1070 : vector<16x1xi1>
    %and3A_1072 = arith.andi %not3A_1066, %or3A_1071 : vector<16x1xi1>
    %select_n3A_1073 = arith.select %and3A_1072, %add3A_1049, %broadcast_in_dim3A_24 : vector<16x1xi1>, vector<16x1xf32>
    %select_n3A_1074 = arith.select %or3A_1064, %add3A_1048, %select_n3A_1073 : vector<16x1xi1>, vector<16x1xf32>
    %select_n3A_1075 = arith.select %and3A_1072, %slice3A_1047, %broadcast_in_dim3A_1059 : vector<16x1xi1>, vector<16x1xf32>
    %select_n3A_1076 = arith.select %or3A_1064, %slice3A_1046, %select_n3A_1075 : vector<16x1xi1>, vector<16x1xf32>
    %select_n3A_1077 = arith.select %and3A_1072, %slice3A_1045, %broadcast_in_dim3A_22 : vector<16x1xi1>, vector<16x1xf32>
    %select_n3A_1078 = arith.select %or3A_1064, %slice3A_1044, %select_n3A_1077 : vector<16x1xi1>, vector<16x1xf32>
    %select_n3A_1079 = arith.select %or3A_1064, %add3A_1049, %add3A_1048 : vector<16x1xi1>, vector<16x1xf32>
    %select_n3A_1080 = arith.select %or3A_1064, %slice3A_1047, %slice3A_1046 : vector<16x1xi1>, vector<16x1xf32>
    %select_n3A_1081 = arith.select %or3A_1064, %slice3A_1045, %slice3A_1044 : vector<16x1xi1>, vector<16x1xf32>
    %gt3A_1082 = arith.cmpf ogt, %add3A_1050, %select_n3A_1079 : vector<16x1xf32>
    %eq3A_1083 = arith.cmpf oeq, %add3A_1050, %select_n3A_1079 : vector<16x1xf32>
    %lt3A_1084 = arith.cmpf olt, %add3A_1054, %select_n3A_1080 : vector<16x1xf32>
    %and3A_1085 = arith.andi %eq3A_1083, %lt3A_1084 : vector<16x1xi1>
    %or3A_1086 = arith.ori %gt3A_1082, %and3A_1085 : vector<16x1xi1>
    %not3A_1087 = arith.constant dense<true> : vector<16x1xi1>
    %not3A_1088 = arith.xori %or3A_1086, %not3A_1087 : vector<16x1xi1>
    %gt3A_1089 = arith.cmpf ogt, %add3A_1050, %select_n3A_1074 : vector<16x1xf32>
    %eq3A_1090 = arith.cmpf oeq, %add3A_1050, %select_n3A_1074 : vector<16x1xf32>
    %lt3A_1091 = arith.cmpf olt, %add3A_1054, %select_n3A_1076 : vector<16x1xf32>
    %and3A_1092 = arith.andi %eq3A_1090, %lt3A_1091 : vector<16x1xi1>
    %or3A_1093 = arith.ori %gt3A_1089, %and3A_1092 : vector<16x1xi1>
    %and3A_1094 = arith.andi %not3A_1088, %or3A_1093 : vector<16x1xi1>
    %select_n3A_1095 = arith.select %and3A_1094, %add3A_1050, %select_n3A_1074 : vector<16x1xi1>, vector<16x1xf32>
    %select_n3A_1096 = arith.select %or3A_1086, %select_n3A_1079, %select_n3A_1095 : vector<16x1xi1>, vector<16x1xf32>
    %select_n3A_1097 = arith.select %and3A_1094, %add3A_1054, %select_n3A_1076 : vector<16x1xi1>, vector<16x1xf32>
    %select_n3A_1098 = arith.select %or3A_1086, %select_n3A_1080, %select_n3A_1097 : vector<16x1xi1>, vector<16x1xf32>
    %select_n3A_1099 = arith.select %and3A_1094, %slice3A_1044, %select_n3A_1078 : vector<16x1xi1>, vector<16x1xf32>
    %select_n3A_1100 = arith.select %or3A_1086, %select_n3A_1081, %select_n3A_1099 : vector<16x1xi1>, vector<16x1xf32>
    %select_n3A_1101 = arith.select %or3A_1086, %add3A_1050, %select_n3A_1079 : vector<16x1xi1>, vector<16x1xf32>
    %select_n3A_1102 = arith.select %or3A_1086, %add3A_1054, %select_n3A_1080 : vector<16x1xi1>, vector<16x1xf32>
    %select_n3A_1103 = arith.select %or3A_1086, %slice3A_1044, %select_n3A_1081 : vector<16x1xi1>, vector<16x1xf32>
    %gt3A_1104 = arith.cmpf ogt, %add3A_1051, %select_n3A_1101 : vector<16x1xf32>
    %eq3A_1105 = arith.cmpf oeq, %add3A_1051, %select_n3A_1101 : vector<16x1xf32>
    %lt3A_1106 = arith.cmpf olt, %add3A_1057, %select_n3A_1102 : vector<16x1xf32>
    %and3A_1107 = arith.andi %eq3A_1105, %lt3A_1106 : vector<16x1xi1>
    %or3A_1108 = arith.ori %gt3A_1104, %and3A_1107 : vector<16x1xi1>
    %not3A_1109 = arith.constant dense<true> : vector<16x1xi1>
    %not3A_1110 = arith.xori %or3A_1108, %not3A_1109 : vector<16x1xi1>
    %gt3A_1111 = arith.cmpf ogt, %add3A_1051, %select_n3A_1096 : vector<16x1xf32>
    %eq3A_1112 = arith.cmpf oeq, %add3A_1051, %select_n3A_1096 : vector<16x1xf32>
    %lt3A_1113 = arith.cmpf olt, %add3A_1057, %select_n3A_1098 : vector<16x1xf32>
    %and3A_1114 = arith.andi %eq3A_1112, %lt3A_1113 : vector<16x1xi1>
    %or3A_1115 = arith.ori %gt3A_1111, %and3A_1114 : vector<16x1xi1>
    %and3A_1116 = arith.andi %not3A_1110, %or3A_1115 : vector<16x1xi1>
    %select_n3A_1117 = arith.select %and3A_1116, %add3A_1051, %select_n3A_1096 : vector<16x1xi1>, vector<16x1xf32>
    %select_n3A_1118 = arith.select %or3A_1108, %select_n3A_1101, %select_n3A_1117 : vector<16x1xi1>, vector<16x1xf32>
    %select_n3A_1119 = arith.select %and3A_1116, %slice3A_1045, %select_n3A_1100 : vector<16x1xi1>, vector<16x1xf32>
    %select_n3A_1120 = arith.select %or3A_1108, %select_n3A_1103, %select_n3A_1119 : vector<16x1xi1>, vector<16x1xf32>
    %select_n3A_1121 = arith.select %or3A_1108, %add3A_1051, %select_n3A_1101 : vector<16x1xi1>, vector<16x1xf32>
    %select_n3A_1122 = arith.select %or3A_1108, %slice3A_1045, %select_n3A_1103 : vector<16x1xi1>, vector<16x1xf32>
    %slice3A_1123 = vector.extract_strided_slice %sub3A_12 {offsets = [0, 12], sizes = [16, 1], strides = [1, 1]} : vector<16x20xf32> to vector<16x1xf32>
    %select_n3A_1124 = arith.select %gt3A_1039, %select_n3A_1032, %select_n3A_1121 : vector<16x1xi1>, vector<16x1xf32>
    %select_n3A_1125 = arith.select %gt3A_1039, %select_n3A_1033, %select_n3A_1118 : vector<16x1xi1>, vector<16x1xf32>
    %select_n3A_1126 = arith.select %gt3A_1039, %slice3A_1123, %select_n3A_1122 : vector<16x1xi1>, vector<16x1xf32>
    %select_n3A_1127 = arith.select %gt3A_1039, %slice3A_1123, %select_n3A_1120 : vector<16x1xi1>, vector<16x1xf32>
    %slice3A_1128 = vector.extract_strided_slice %get3A_21 {offsets = [0, 12], sizes = [16, 1], strides = [1, 1]} : vector<16x20xf32> to vector<16x1xf32>
    %gt3A_1129 = arith.constant 5.000000e-01 : f32
    %gt3A_1130 = vector.broadcast %gt3A_1129 : f32 to vector<16x1xf32>
    %gt3A_1131 = arith.cmpf ogt, %slice3A_1128, %gt3A_1130 : vector<16x1xf32>
    %select_n3A_1132 = arith.select %gt3A_1131, %broadcast_in_dim3A_22, %select_n3A_1126 : vector<16x1xi1>, vector<16x1xf32>
    %add3A_1133 = arith.addf %add3A_1041, %select_n3A_1132 : vector<16x1xf32>
    %select_n3A_1134 = arith.select %gt3A_1131, %broadcast_in_dim3A_22, %select_n3A_1127 : vector<16x1xi1>, vector<16x1xf32>
    %add3A_1135 = arith.addf %add3A_1043, %select_n3A_1134 : vector<16x1xf32>
    %slice3A_1136 = vector.extract_strided_slice %sub3A {offsets = [0, 13], sizes = [16, 1], strides = [1, 1]} : vector<16x20xf32> to vector<16x1xf32>
    %slice3A_1137 = vector.extract_strided_slice %sub3A_8 {offsets = [0, 13], sizes = [16, 1], strides = [1, 1]} : vector<16x20xf32> to vector<16x1xf32>
    %slice3A_1138 = vector.extract_strided_slice %get3A_15 {offsets = [0, 13], sizes = [16, 1], strides = [1, 1]} : vector<16x20xf32> to vector<16x1xf32>
    %slice3A_1139 = vector.extract_strided_slice %get3A_18 {offsets = [0, 13], sizes = [16, 1], strides = [1, 1]} : vector<16x20xf32> to vector<16x1xf32>
    %add3A_1140 = arith.addf %select_n3A_1124, %slice3A_1136 : vector<16x1xf32>
    %add3A_1141 = arith.addf %select_n3A_1124, %slice3A_1137 : vector<16x1xf32>
    %add3A_1142 = arith.addf %select_n3A_1125, %slice3A_1136 : vector<16x1xf32>
    %add3A_1143 = arith.addf %select_n3A_1125, %slice3A_1137 : vector<16x1xf32>
    %add3A_1144 = arith.constant 1.000000e+05 : f32
    %add3A_1145 = vector.broadcast %add3A_1144 : f32 to vector<16x1xf32>
    %add3A_1146 = arith.addf %add3A_1145, %slice3A_1138 : vector<16x1xf32>
    %add3A_1147 = arith.constant 1.000000e+05 : f32
    %add3A_1148 = vector.broadcast %add3A_1147 : f32 to vector<16x1xf32>
    %add3A_1149 = arith.addf %add3A_1148, %slice3A_1139 : vector<16x1xf32>
    %broadcast_in_dim3A_1150 = arith.constant 1.07374182E+9 : f32
    %broadcast_in_dim3A_1151 = vector.broadcast %broadcast_in_dim3A_1150 : f32 to vector<16x1xf32>
    %gt3A_1152 = arith.cmpf ogt, %add3A_1141, %add3A_1140 : vector<16x1xf32>
    %eq3A_1153 = arith.cmpf oeq, %add3A_1141, %add3A_1140 : vector<16x1xf32>
    %lt3A_1154 = arith.cmpf olt, %slice3A_1139, %slice3A_1138 : vector<16x1xf32>
    %and3A_1155 = arith.andi %eq3A_1153, %lt3A_1154 : vector<16x1xi1>
    %or3A_1156 = arith.ori %gt3A_1152, %and3A_1155 : vector<16x1xi1>
    %not3A_1157 = arith.constant dense<true> : vector<16x1xi1>
    %not3A_1158 = arith.xori %or3A_1156, %not3A_1157 : vector<16x1xi1>
    %gt3A_1159 = arith.cmpf ogt, %add3A_1141, %broadcast_in_dim3A_24 : vector<16x1xf32>
    %eq3A_1160 = arith.cmpf oeq, %add3A_1141, %broadcast_in_dim3A_24 : vector<16x1xf32>
    %lt3A_1161 = arith.cmpf olt, %slice3A_1139, %broadcast_in_dim3A_1151 : vector<16x1xf32>
    %and3A_1162 = arith.andi %eq3A_1160, %lt3A_1161 : vector<16x1xi1>
    %or3A_1163 = arith.ori %gt3A_1159, %and3A_1162 : vector<16x1xi1>
    %and3A_1164 = arith.andi %not3A_1158, %or3A_1163 : vector<16x1xi1>
    %select_n3A_1165 = arith.select %and3A_1164, %add3A_1141, %broadcast_in_dim3A_24 : vector<16x1xi1>, vector<16x1xf32>
    %select_n3A_1166 = arith.select %or3A_1156, %add3A_1140, %select_n3A_1165 : vector<16x1xi1>, vector<16x1xf32>
    %select_n3A_1167 = arith.select %and3A_1164, %slice3A_1139, %broadcast_in_dim3A_1151 : vector<16x1xi1>, vector<16x1xf32>
    %select_n3A_1168 = arith.select %or3A_1156, %slice3A_1138, %select_n3A_1167 : vector<16x1xi1>, vector<16x1xf32>
    %select_n3A_1169 = arith.select %and3A_1164, %slice3A_1137, %broadcast_in_dim3A_22 : vector<16x1xi1>, vector<16x1xf32>
    %select_n3A_1170 = arith.select %or3A_1156, %slice3A_1136, %select_n3A_1169 : vector<16x1xi1>, vector<16x1xf32>
    %select_n3A_1171 = arith.select %or3A_1156, %add3A_1141, %add3A_1140 : vector<16x1xi1>, vector<16x1xf32>
    %select_n3A_1172 = arith.select %or3A_1156, %slice3A_1139, %slice3A_1138 : vector<16x1xi1>, vector<16x1xf32>
    %select_n3A_1173 = arith.select %or3A_1156, %slice3A_1137, %slice3A_1136 : vector<16x1xi1>, vector<16x1xf32>
    %gt3A_1174 = arith.cmpf ogt, %add3A_1142, %select_n3A_1171 : vector<16x1xf32>
    %eq3A_1175 = arith.cmpf oeq, %add3A_1142, %select_n3A_1171 : vector<16x1xf32>
    %lt3A_1176 = arith.cmpf olt, %add3A_1146, %select_n3A_1172 : vector<16x1xf32>
    %and3A_1177 = arith.andi %eq3A_1175, %lt3A_1176 : vector<16x1xi1>
    %or3A_1178 = arith.ori %gt3A_1174, %and3A_1177 : vector<16x1xi1>
    %not3A_1179 = arith.constant dense<true> : vector<16x1xi1>
    %not3A_1180 = arith.xori %or3A_1178, %not3A_1179 : vector<16x1xi1>
    %gt3A_1181 = arith.cmpf ogt, %add3A_1142, %select_n3A_1166 : vector<16x1xf32>
    %eq3A_1182 = arith.cmpf oeq, %add3A_1142, %select_n3A_1166 : vector<16x1xf32>
    %lt3A_1183 = arith.cmpf olt, %add3A_1146, %select_n3A_1168 : vector<16x1xf32>
    %and3A_1184 = arith.andi %eq3A_1182, %lt3A_1183 : vector<16x1xi1>
    %or3A_1185 = arith.ori %gt3A_1181, %and3A_1184 : vector<16x1xi1>
    %and3A_1186 = arith.andi %not3A_1180, %or3A_1185 : vector<16x1xi1>
    %select_n3A_1187 = arith.select %and3A_1186, %add3A_1142, %select_n3A_1166 : vector<16x1xi1>, vector<16x1xf32>
    %select_n3A_1188 = arith.select %or3A_1178, %select_n3A_1171, %select_n3A_1187 : vector<16x1xi1>, vector<16x1xf32>
    %select_n3A_1189 = arith.select %and3A_1186, %add3A_1146, %select_n3A_1168 : vector<16x1xi1>, vector<16x1xf32>
    %select_n3A_1190 = arith.select %or3A_1178, %select_n3A_1172, %select_n3A_1189 : vector<16x1xi1>, vector<16x1xf32>
    %select_n3A_1191 = arith.select %and3A_1186, %slice3A_1136, %select_n3A_1170 : vector<16x1xi1>, vector<16x1xf32>
    %select_n3A_1192 = arith.select %or3A_1178, %select_n3A_1173, %select_n3A_1191 : vector<16x1xi1>, vector<16x1xf32>
    %select_n3A_1193 = arith.select %or3A_1178, %add3A_1142, %select_n3A_1171 : vector<16x1xi1>, vector<16x1xf32>
    %select_n3A_1194 = arith.select %or3A_1178, %add3A_1146, %select_n3A_1172 : vector<16x1xi1>, vector<16x1xf32>
    %select_n3A_1195 = arith.select %or3A_1178, %slice3A_1136, %select_n3A_1173 : vector<16x1xi1>, vector<16x1xf32>
    %gt3A_1196 = arith.cmpf ogt, %add3A_1143, %select_n3A_1193 : vector<16x1xf32>
    %eq3A_1197 = arith.cmpf oeq, %add3A_1143, %select_n3A_1193 : vector<16x1xf32>
    %lt3A_1198 = arith.cmpf olt, %add3A_1149, %select_n3A_1194 : vector<16x1xf32>
    %and3A_1199 = arith.andi %eq3A_1197, %lt3A_1198 : vector<16x1xi1>
    %or3A_1200 = arith.ori %gt3A_1196, %and3A_1199 : vector<16x1xi1>
    %not3A_1201 = arith.constant dense<true> : vector<16x1xi1>
    %not3A_1202 = arith.xori %or3A_1200, %not3A_1201 : vector<16x1xi1>
    %gt3A_1203 = arith.cmpf ogt, %add3A_1143, %select_n3A_1188 : vector<16x1xf32>
    %eq3A_1204 = arith.cmpf oeq, %add3A_1143, %select_n3A_1188 : vector<16x1xf32>
    %lt3A_1205 = arith.cmpf olt, %add3A_1149, %select_n3A_1190 : vector<16x1xf32>
    %and3A_1206 = arith.andi %eq3A_1204, %lt3A_1205 : vector<16x1xi1>
    %or3A_1207 = arith.ori %gt3A_1203, %and3A_1206 : vector<16x1xi1>
    %and3A_1208 = arith.andi %not3A_1202, %or3A_1207 : vector<16x1xi1>
    %select_n3A_1209 = arith.select %and3A_1208, %add3A_1143, %select_n3A_1188 : vector<16x1xi1>, vector<16x1xf32>
    %select_n3A_1210 = arith.select %or3A_1200, %select_n3A_1193, %select_n3A_1209 : vector<16x1xi1>, vector<16x1xf32>
    %select_n3A_1211 = arith.select %and3A_1208, %slice3A_1137, %select_n3A_1192 : vector<16x1xi1>, vector<16x1xf32>
    %select_n3A_1212 = arith.select %or3A_1200, %select_n3A_1195, %select_n3A_1211 : vector<16x1xi1>, vector<16x1xf32>
    %select_n3A_1213 = arith.select %or3A_1200, %add3A_1143, %select_n3A_1193 : vector<16x1xi1>, vector<16x1xf32>
    %select_n3A_1214 = arith.select %or3A_1200, %slice3A_1137, %select_n3A_1195 : vector<16x1xi1>, vector<16x1xf32>
    %slice3A_1215 = vector.extract_strided_slice %sub3A_12 {offsets = [0, 13], sizes = [16, 1], strides = [1, 1]} : vector<16x20xf32> to vector<16x1xf32>
    %select_n3A_1216 = arith.select %gt3A_1131, %select_n3A_1124, %select_n3A_1213 : vector<16x1xi1>, vector<16x1xf32>
    %select_n3A_1217 = arith.select %gt3A_1131, %select_n3A_1125, %select_n3A_1210 : vector<16x1xi1>, vector<16x1xf32>
    %select_n3A_1218 = arith.select %gt3A_1131, %slice3A_1215, %select_n3A_1214 : vector<16x1xi1>, vector<16x1xf32>
    %select_n3A_1219 = arith.select %gt3A_1131, %slice3A_1215, %select_n3A_1212 : vector<16x1xi1>, vector<16x1xf32>
    %slice3A_1220 = vector.extract_strided_slice %get3A_21 {offsets = [0, 13], sizes = [16, 1], strides = [1, 1]} : vector<16x20xf32> to vector<16x1xf32>
    %gt3A_1221 = arith.constant 5.000000e-01 : f32
    %gt3A_1222 = vector.broadcast %gt3A_1221 : f32 to vector<16x1xf32>
    %gt3A_1223 = arith.cmpf ogt, %slice3A_1220, %gt3A_1222 : vector<16x1xf32>
    %select_n3A_1224 = arith.select %gt3A_1223, %broadcast_in_dim3A_22, %select_n3A_1218 : vector<16x1xi1>, vector<16x1xf32>
    %add3A_1225 = arith.addf %add3A_1133, %select_n3A_1224 : vector<16x1xf32>
    %select_n3A_1226 = arith.select %gt3A_1223, %broadcast_in_dim3A_22, %select_n3A_1219 : vector<16x1xi1>, vector<16x1xf32>
    %add3A_1227 = arith.addf %add3A_1135, %select_n3A_1226 : vector<16x1xf32>
    %slice3A_1228 = vector.extract_strided_slice %sub3A {offsets = [0, 14], sizes = [16, 1], strides = [1, 1]} : vector<16x20xf32> to vector<16x1xf32>
    %slice3A_1229 = vector.extract_strided_slice %sub3A_8 {offsets = [0, 14], sizes = [16, 1], strides = [1, 1]} : vector<16x20xf32> to vector<16x1xf32>
    %slice3A_1230 = vector.extract_strided_slice %get3A_15 {offsets = [0, 14], sizes = [16, 1], strides = [1, 1]} : vector<16x20xf32> to vector<16x1xf32>
    %slice3A_1231 = vector.extract_strided_slice %get3A_18 {offsets = [0, 14], sizes = [16, 1], strides = [1, 1]} : vector<16x20xf32> to vector<16x1xf32>
    %add3A_1232 = arith.addf %select_n3A_1216, %slice3A_1228 : vector<16x1xf32>
    %add3A_1233 = arith.addf %select_n3A_1216, %slice3A_1229 : vector<16x1xf32>
    %add3A_1234 = arith.addf %select_n3A_1217, %slice3A_1228 : vector<16x1xf32>
    %add3A_1235 = arith.addf %select_n3A_1217, %slice3A_1229 : vector<16x1xf32>
    %add3A_1236 = arith.constant 1.000000e+05 : f32
    %add3A_1237 = vector.broadcast %add3A_1236 : f32 to vector<16x1xf32>
    %add3A_1238 = arith.addf %add3A_1237, %slice3A_1230 : vector<16x1xf32>
    %add3A_1239 = arith.constant 1.000000e+05 : f32
    %add3A_1240 = vector.broadcast %add3A_1239 : f32 to vector<16x1xf32>
    %add3A_1241 = arith.addf %add3A_1240, %slice3A_1231 : vector<16x1xf32>
    %broadcast_in_dim3A_1242 = arith.constant 1.07374182E+9 : f32
    %broadcast_in_dim3A_1243 = vector.broadcast %broadcast_in_dim3A_1242 : f32 to vector<16x1xf32>
    %gt3A_1244 = arith.cmpf ogt, %add3A_1233, %add3A_1232 : vector<16x1xf32>
    %eq3A_1245 = arith.cmpf oeq, %add3A_1233, %add3A_1232 : vector<16x1xf32>
    %lt3A_1246 = arith.cmpf olt, %slice3A_1231, %slice3A_1230 : vector<16x1xf32>
    %and3A_1247 = arith.andi %eq3A_1245, %lt3A_1246 : vector<16x1xi1>
    %or3A_1248 = arith.ori %gt3A_1244, %and3A_1247 : vector<16x1xi1>
    %not3A_1249 = arith.constant dense<true> : vector<16x1xi1>
    %not3A_1250 = arith.xori %or3A_1248, %not3A_1249 : vector<16x1xi1>
    %gt3A_1251 = arith.cmpf ogt, %add3A_1233, %broadcast_in_dim3A_24 : vector<16x1xf32>
    %eq3A_1252 = arith.cmpf oeq, %add3A_1233, %broadcast_in_dim3A_24 : vector<16x1xf32>
    %lt3A_1253 = arith.cmpf olt, %slice3A_1231, %broadcast_in_dim3A_1243 : vector<16x1xf32>
    %and3A_1254 = arith.andi %eq3A_1252, %lt3A_1253 : vector<16x1xi1>
    %or3A_1255 = arith.ori %gt3A_1251, %and3A_1254 : vector<16x1xi1>
    %and3A_1256 = arith.andi %not3A_1250, %or3A_1255 : vector<16x1xi1>
    %select_n3A_1257 = arith.select %and3A_1256, %add3A_1233, %broadcast_in_dim3A_24 : vector<16x1xi1>, vector<16x1xf32>
    %select_n3A_1258 = arith.select %or3A_1248, %add3A_1232, %select_n3A_1257 : vector<16x1xi1>, vector<16x1xf32>
    %select_n3A_1259 = arith.select %and3A_1256, %slice3A_1231, %broadcast_in_dim3A_1243 : vector<16x1xi1>, vector<16x1xf32>
    %select_n3A_1260 = arith.select %or3A_1248, %slice3A_1230, %select_n3A_1259 : vector<16x1xi1>, vector<16x1xf32>
    %select_n3A_1261 = arith.select %and3A_1256, %slice3A_1229, %broadcast_in_dim3A_22 : vector<16x1xi1>, vector<16x1xf32>
    %select_n3A_1262 = arith.select %or3A_1248, %slice3A_1228, %select_n3A_1261 : vector<16x1xi1>, vector<16x1xf32>
    %select_n3A_1263 = arith.select %or3A_1248, %add3A_1233, %add3A_1232 : vector<16x1xi1>, vector<16x1xf32>
    %select_n3A_1264 = arith.select %or3A_1248, %slice3A_1231, %slice3A_1230 : vector<16x1xi1>, vector<16x1xf32>
    %select_n3A_1265 = arith.select %or3A_1248, %slice3A_1229, %slice3A_1228 : vector<16x1xi1>, vector<16x1xf32>
    %gt3A_1266 = arith.cmpf ogt, %add3A_1234, %select_n3A_1263 : vector<16x1xf32>
    %eq3A_1267 = arith.cmpf oeq, %add3A_1234, %select_n3A_1263 : vector<16x1xf32>
    %lt3A_1268 = arith.cmpf olt, %add3A_1238, %select_n3A_1264 : vector<16x1xf32>
    %and3A_1269 = arith.andi %eq3A_1267, %lt3A_1268 : vector<16x1xi1>
    %or3A_1270 = arith.ori %gt3A_1266, %and3A_1269 : vector<16x1xi1>
    %not3A_1271 = arith.constant dense<true> : vector<16x1xi1>
    %not3A_1272 = arith.xori %or3A_1270, %not3A_1271 : vector<16x1xi1>
    %gt3A_1273 = arith.cmpf ogt, %add3A_1234, %select_n3A_1258 : vector<16x1xf32>
    %eq3A_1274 = arith.cmpf oeq, %add3A_1234, %select_n3A_1258 : vector<16x1xf32>
    %lt3A_1275 = arith.cmpf olt, %add3A_1238, %select_n3A_1260 : vector<16x1xf32>
    %and3A_1276 = arith.andi %eq3A_1274, %lt3A_1275 : vector<16x1xi1>
    %or3A_1277 = arith.ori %gt3A_1273, %and3A_1276 : vector<16x1xi1>
    %and3A_1278 = arith.andi %not3A_1272, %or3A_1277 : vector<16x1xi1>
    %select_n3A_1279 = arith.select %and3A_1278, %add3A_1234, %select_n3A_1258 : vector<16x1xi1>, vector<16x1xf32>
    %select_n3A_1280 = arith.select %or3A_1270, %select_n3A_1263, %select_n3A_1279 : vector<16x1xi1>, vector<16x1xf32>
    %select_n3A_1281 = arith.select %and3A_1278, %add3A_1238, %select_n3A_1260 : vector<16x1xi1>, vector<16x1xf32>
    %select_n3A_1282 = arith.select %or3A_1270, %select_n3A_1264, %select_n3A_1281 : vector<16x1xi1>, vector<16x1xf32>
    %select_n3A_1283 = arith.select %and3A_1278, %slice3A_1228, %select_n3A_1262 : vector<16x1xi1>, vector<16x1xf32>
    %select_n3A_1284 = arith.select %or3A_1270, %select_n3A_1265, %select_n3A_1283 : vector<16x1xi1>, vector<16x1xf32>
    %select_n3A_1285 = arith.select %or3A_1270, %add3A_1234, %select_n3A_1263 : vector<16x1xi1>, vector<16x1xf32>
    %select_n3A_1286 = arith.select %or3A_1270, %add3A_1238, %select_n3A_1264 : vector<16x1xi1>, vector<16x1xf32>
    %select_n3A_1287 = arith.select %or3A_1270, %slice3A_1228, %select_n3A_1265 : vector<16x1xi1>, vector<16x1xf32>
    %gt3A_1288 = arith.cmpf ogt, %add3A_1235, %select_n3A_1285 : vector<16x1xf32>
    %eq3A_1289 = arith.cmpf oeq, %add3A_1235, %select_n3A_1285 : vector<16x1xf32>
    %lt3A_1290 = arith.cmpf olt, %add3A_1241, %select_n3A_1286 : vector<16x1xf32>
    %and3A_1291 = arith.andi %eq3A_1289, %lt3A_1290 : vector<16x1xi1>
    %or3A_1292 = arith.ori %gt3A_1288, %and3A_1291 : vector<16x1xi1>
    %not3A_1293 = arith.constant dense<true> : vector<16x1xi1>
    %not3A_1294 = arith.xori %or3A_1292, %not3A_1293 : vector<16x1xi1>
    %gt3A_1295 = arith.cmpf ogt, %add3A_1235, %select_n3A_1280 : vector<16x1xf32>
    %eq3A_1296 = arith.cmpf oeq, %add3A_1235, %select_n3A_1280 : vector<16x1xf32>
    %lt3A_1297 = arith.cmpf olt, %add3A_1241, %select_n3A_1282 : vector<16x1xf32>
    %and3A_1298 = arith.andi %eq3A_1296, %lt3A_1297 : vector<16x1xi1>
    %or3A_1299 = arith.ori %gt3A_1295, %and3A_1298 : vector<16x1xi1>
    %and3A_1300 = arith.andi %not3A_1294, %or3A_1299 : vector<16x1xi1>
    %select_n3A_1301 = arith.select %and3A_1300, %add3A_1235, %select_n3A_1280 : vector<16x1xi1>, vector<16x1xf32>
    %select_n3A_1302 = arith.select %or3A_1292, %select_n3A_1285, %select_n3A_1301 : vector<16x1xi1>, vector<16x1xf32>
    %select_n3A_1303 = arith.select %and3A_1300, %slice3A_1229, %select_n3A_1284 : vector<16x1xi1>, vector<16x1xf32>
    %select_n3A_1304 = arith.select %or3A_1292, %select_n3A_1287, %select_n3A_1303 : vector<16x1xi1>, vector<16x1xf32>
    %select_n3A_1305 = arith.select %or3A_1292, %add3A_1235, %select_n3A_1285 : vector<16x1xi1>, vector<16x1xf32>
    %select_n3A_1306 = arith.select %or3A_1292, %slice3A_1229, %select_n3A_1287 : vector<16x1xi1>, vector<16x1xf32>
    %slice3A_1307 = vector.extract_strided_slice %sub3A_12 {offsets = [0, 14], sizes = [16, 1], strides = [1, 1]} : vector<16x20xf32> to vector<16x1xf32>
    %select_n3A_1308 = arith.select %gt3A_1223, %select_n3A_1216, %select_n3A_1305 : vector<16x1xi1>, vector<16x1xf32>
    %select_n3A_1309 = arith.select %gt3A_1223, %select_n3A_1217, %select_n3A_1302 : vector<16x1xi1>, vector<16x1xf32>
    %select_n3A_1310 = arith.select %gt3A_1223, %slice3A_1307, %select_n3A_1306 : vector<16x1xi1>, vector<16x1xf32>
    %select_n3A_1311 = arith.select %gt3A_1223, %slice3A_1307, %select_n3A_1304 : vector<16x1xi1>, vector<16x1xf32>
    %slice3A_1312 = vector.extract_strided_slice %get3A_21 {offsets = [0, 14], sizes = [16, 1], strides = [1, 1]} : vector<16x20xf32> to vector<16x1xf32>
    %gt3A_1313 = arith.constant 5.000000e-01 : f32
    %gt3A_1314 = vector.broadcast %gt3A_1313 : f32 to vector<16x1xf32>
    %gt3A_1315 = arith.cmpf ogt, %slice3A_1312, %gt3A_1314 : vector<16x1xf32>
    %select_n3A_1316 = arith.select %gt3A_1315, %broadcast_in_dim3A_22, %select_n3A_1310 : vector<16x1xi1>, vector<16x1xf32>
    %add3A_1317 = arith.addf %add3A_1225, %select_n3A_1316 : vector<16x1xf32>
    %select_n3A_1318 = arith.select %gt3A_1315, %broadcast_in_dim3A_22, %select_n3A_1311 : vector<16x1xi1>, vector<16x1xf32>
    %add3A_1319 = arith.addf %add3A_1227, %select_n3A_1318 : vector<16x1xf32>
    %slice3A_1320 = vector.extract_strided_slice %sub3A {offsets = [0, 15], sizes = [16, 1], strides = [1, 1]} : vector<16x20xf32> to vector<16x1xf32>
    %slice3A_1321 = vector.extract_strided_slice %sub3A_8 {offsets = [0, 15], sizes = [16, 1], strides = [1, 1]} : vector<16x20xf32> to vector<16x1xf32>
    %slice3A_1322 = vector.extract_strided_slice %get3A_15 {offsets = [0, 15], sizes = [16, 1], strides = [1, 1]} : vector<16x20xf32> to vector<16x1xf32>
    %slice3A_1323 = vector.extract_strided_slice %get3A_18 {offsets = [0, 15], sizes = [16, 1], strides = [1, 1]} : vector<16x20xf32> to vector<16x1xf32>
    %add3A_1324 = arith.addf %select_n3A_1308, %slice3A_1320 : vector<16x1xf32>
    %add3A_1325 = arith.addf %select_n3A_1308, %slice3A_1321 : vector<16x1xf32>
    %add3A_1326 = arith.addf %select_n3A_1309, %slice3A_1320 : vector<16x1xf32>
    %add3A_1327 = arith.addf %select_n3A_1309, %slice3A_1321 : vector<16x1xf32>
    %add3A_1328 = arith.constant 1.000000e+05 : f32
    %add3A_1329 = vector.broadcast %add3A_1328 : f32 to vector<16x1xf32>
    %add3A_1330 = arith.addf %add3A_1329, %slice3A_1322 : vector<16x1xf32>
    %add3A_1331 = arith.constant 1.000000e+05 : f32
    %add3A_1332 = vector.broadcast %add3A_1331 : f32 to vector<16x1xf32>
    %add3A_1333 = arith.addf %add3A_1332, %slice3A_1323 : vector<16x1xf32>
    %broadcast_in_dim3A_1334 = arith.constant 1.07374182E+9 : f32
    %broadcast_in_dim3A_1335 = vector.broadcast %broadcast_in_dim3A_1334 : f32 to vector<16x1xf32>
    %gt3A_1336 = arith.cmpf ogt, %add3A_1325, %add3A_1324 : vector<16x1xf32>
    %eq3A_1337 = arith.cmpf oeq, %add3A_1325, %add3A_1324 : vector<16x1xf32>
    %lt3A_1338 = arith.cmpf olt, %slice3A_1323, %slice3A_1322 : vector<16x1xf32>
    %and3A_1339 = arith.andi %eq3A_1337, %lt3A_1338 : vector<16x1xi1>
    %or3A_1340 = arith.ori %gt3A_1336, %and3A_1339 : vector<16x1xi1>
    %not3A_1341 = arith.constant dense<true> : vector<16x1xi1>
    %not3A_1342 = arith.xori %or3A_1340, %not3A_1341 : vector<16x1xi1>
    %gt3A_1343 = arith.cmpf ogt, %add3A_1325, %broadcast_in_dim3A_24 : vector<16x1xf32>
    %eq3A_1344 = arith.cmpf oeq, %add3A_1325, %broadcast_in_dim3A_24 : vector<16x1xf32>
    %lt3A_1345 = arith.cmpf olt, %slice3A_1323, %broadcast_in_dim3A_1335 : vector<16x1xf32>
    %and3A_1346 = arith.andi %eq3A_1344, %lt3A_1345 : vector<16x1xi1>
    %or3A_1347 = arith.ori %gt3A_1343, %and3A_1346 : vector<16x1xi1>
    %and3A_1348 = arith.andi %not3A_1342, %or3A_1347 : vector<16x1xi1>
    %select_n3A_1349 = arith.select %and3A_1348, %add3A_1325, %broadcast_in_dim3A_24 : vector<16x1xi1>, vector<16x1xf32>
    %select_n3A_1350 = arith.select %or3A_1340, %add3A_1324, %select_n3A_1349 : vector<16x1xi1>, vector<16x1xf32>
    %select_n3A_1351 = arith.select %and3A_1348, %slice3A_1323, %broadcast_in_dim3A_1335 : vector<16x1xi1>, vector<16x1xf32>
    %select_n3A_1352 = arith.select %or3A_1340, %slice3A_1322, %select_n3A_1351 : vector<16x1xi1>, vector<16x1xf32>
    %select_n3A_1353 = arith.select %and3A_1348, %slice3A_1321, %broadcast_in_dim3A_22 : vector<16x1xi1>, vector<16x1xf32>
    %select_n3A_1354 = arith.select %or3A_1340, %slice3A_1320, %select_n3A_1353 : vector<16x1xi1>, vector<16x1xf32>
    %select_n3A_1355 = arith.select %or3A_1340, %add3A_1325, %add3A_1324 : vector<16x1xi1>, vector<16x1xf32>
    %select_n3A_1356 = arith.select %or3A_1340, %slice3A_1323, %slice3A_1322 : vector<16x1xi1>, vector<16x1xf32>
    %select_n3A_1357 = arith.select %or3A_1340, %slice3A_1321, %slice3A_1320 : vector<16x1xi1>, vector<16x1xf32>
    %gt3A_1358 = arith.cmpf ogt, %add3A_1326, %select_n3A_1355 : vector<16x1xf32>
    %eq3A_1359 = arith.cmpf oeq, %add3A_1326, %select_n3A_1355 : vector<16x1xf32>
    %lt3A_1360 = arith.cmpf olt, %add3A_1330, %select_n3A_1356 : vector<16x1xf32>
    %and3A_1361 = arith.andi %eq3A_1359, %lt3A_1360 : vector<16x1xi1>
    %or3A_1362 = arith.ori %gt3A_1358, %and3A_1361 : vector<16x1xi1>
    %not3A_1363 = arith.constant dense<true> : vector<16x1xi1>
    %not3A_1364 = arith.xori %or3A_1362, %not3A_1363 : vector<16x1xi1>
    %gt3A_1365 = arith.cmpf ogt, %add3A_1326, %select_n3A_1350 : vector<16x1xf32>
    %eq3A_1366 = arith.cmpf oeq, %add3A_1326, %select_n3A_1350 : vector<16x1xf32>
    %lt3A_1367 = arith.cmpf olt, %add3A_1330, %select_n3A_1352 : vector<16x1xf32>
    %and3A_1368 = arith.andi %eq3A_1366, %lt3A_1367 : vector<16x1xi1>
    %or3A_1369 = arith.ori %gt3A_1365, %and3A_1368 : vector<16x1xi1>
    %and3A_1370 = arith.andi %not3A_1364, %or3A_1369 : vector<16x1xi1>
    %select_n3A_1371 = arith.select %and3A_1370, %add3A_1326, %select_n3A_1350 : vector<16x1xi1>, vector<16x1xf32>
    %select_n3A_1372 = arith.select %or3A_1362, %select_n3A_1355, %select_n3A_1371 : vector<16x1xi1>, vector<16x1xf32>
    %select_n3A_1373 = arith.select %and3A_1370, %add3A_1330, %select_n3A_1352 : vector<16x1xi1>, vector<16x1xf32>
    %select_n3A_1374 = arith.select %or3A_1362, %select_n3A_1356, %select_n3A_1373 : vector<16x1xi1>, vector<16x1xf32>
    %select_n3A_1375 = arith.select %and3A_1370, %slice3A_1320, %select_n3A_1354 : vector<16x1xi1>, vector<16x1xf32>
    %select_n3A_1376 = arith.select %or3A_1362, %select_n3A_1357, %select_n3A_1375 : vector<16x1xi1>, vector<16x1xf32>
    %select_n3A_1377 = arith.select %or3A_1362, %add3A_1326, %select_n3A_1355 : vector<16x1xi1>, vector<16x1xf32>
    %select_n3A_1378 = arith.select %or3A_1362, %add3A_1330, %select_n3A_1356 : vector<16x1xi1>, vector<16x1xf32>
    %select_n3A_1379 = arith.select %or3A_1362, %slice3A_1320, %select_n3A_1357 : vector<16x1xi1>, vector<16x1xf32>
    %gt3A_1380 = arith.cmpf ogt, %add3A_1327, %select_n3A_1377 : vector<16x1xf32>
    %eq3A_1381 = arith.cmpf oeq, %add3A_1327, %select_n3A_1377 : vector<16x1xf32>
    %lt3A_1382 = arith.cmpf olt, %add3A_1333, %select_n3A_1378 : vector<16x1xf32>
    %and3A_1383 = arith.andi %eq3A_1381, %lt3A_1382 : vector<16x1xi1>
    %or3A_1384 = arith.ori %gt3A_1380, %and3A_1383 : vector<16x1xi1>
    %not3A_1385 = arith.constant dense<true> : vector<16x1xi1>
    %not3A_1386 = arith.xori %or3A_1384, %not3A_1385 : vector<16x1xi1>
    %gt3A_1387 = arith.cmpf ogt, %add3A_1327, %select_n3A_1372 : vector<16x1xf32>
    %eq3A_1388 = arith.cmpf oeq, %add3A_1327, %select_n3A_1372 : vector<16x1xf32>
    %lt3A_1389 = arith.cmpf olt, %add3A_1333, %select_n3A_1374 : vector<16x1xf32>
    %and3A_1390 = arith.andi %eq3A_1388, %lt3A_1389 : vector<16x1xi1>
    %or3A_1391 = arith.ori %gt3A_1387, %and3A_1390 : vector<16x1xi1>
    %and3A_1392 = arith.andi %not3A_1386, %or3A_1391 : vector<16x1xi1>
    %select_n3A_1393 = arith.select %and3A_1392, %add3A_1327, %select_n3A_1372 : vector<16x1xi1>, vector<16x1xf32>
    %select_n3A_1394 = arith.select %or3A_1384, %select_n3A_1377, %select_n3A_1393 : vector<16x1xi1>, vector<16x1xf32>
    %select_n3A_1395 = arith.select %and3A_1392, %slice3A_1321, %select_n3A_1376 : vector<16x1xi1>, vector<16x1xf32>
    %select_n3A_1396 = arith.select %or3A_1384, %select_n3A_1379, %select_n3A_1395 : vector<16x1xi1>, vector<16x1xf32>
    %select_n3A_1397 = arith.select %or3A_1384, %add3A_1327, %select_n3A_1377 : vector<16x1xi1>, vector<16x1xf32>
    %select_n3A_1398 = arith.select %or3A_1384, %slice3A_1321, %select_n3A_1379 : vector<16x1xi1>, vector<16x1xf32>
    %slice3A_1399 = vector.extract_strided_slice %sub3A_12 {offsets = [0, 15], sizes = [16, 1], strides = [1, 1]} : vector<16x20xf32> to vector<16x1xf32>
    %select_n3A_1400 = arith.select %gt3A_1315, %select_n3A_1308, %select_n3A_1397 : vector<16x1xi1>, vector<16x1xf32>
    %select_n3A_1401 = arith.select %gt3A_1315, %select_n3A_1309, %select_n3A_1394 : vector<16x1xi1>, vector<16x1xf32>
    %select_n3A_1402 = arith.select %gt3A_1315, %slice3A_1399, %select_n3A_1398 : vector<16x1xi1>, vector<16x1xf32>
    %select_n3A_1403 = arith.select %gt3A_1315, %slice3A_1399, %select_n3A_1396 : vector<16x1xi1>, vector<16x1xf32>
    %slice3A_1404 = vector.extract_strided_slice %get3A_21 {offsets = [0, 15], sizes = [16, 1], strides = [1, 1]} : vector<16x20xf32> to vector<16x1xf32>
    %gt3A_1405 = arith.constant 5.000000e-01 : f32
    %gt3A_1406 = vector.broadcast %gt3A_1405 : f32 to vector<16x1xf32>
    %gt3A_1407 = arith.cmpf ogt, %slice3A_1404, %gt3A_1406 : vector<16x1xf32>
    %select_n3A_1408 = arith.select %gt3A_1407, %broadcast_in_dim3A_22, %select_n3A_1402 : vector<16x1xi1>, vector<16x1xf32>
    %add3A_1409 = arith.addf %add3A_1317, %select_n3A_1408 : vector<16x1xf32>
    %select_n3A_1410 = arith.select %gt3A_1407, %broadcast_in_dim3A_22, %select_n3A_1403 : vector<16x1xi1>, vector<16x1xf32>
    %add3A_1411 = arith.addf %add3A_1319, %select_n3A_1410 : vector<16x1xf32>
    %slice3A_1412 = vector.extract_strided_slice %sub3A {offsets = [0, 16], sizes = [16, 1], strides = [1, 1]} : vector<16x20xf32> to vector<16x1xf32>
    %slice3A_1413 = vector.extract_strided_slice %sub3A_8 {offsets = [0, 16], sizes = [16, 1], strides = [1, 1]} : vector<16x20xf32> to vector<16x1xf32>
    %slice3A_1414 = vector.extract_strided_slice %get3A_15 {offsets = [0, 16], sizes = [16, 1], strides = [1, 1]} : vector<16x20xf32> to vector<16x1xf32>
    %slice3A_1415 = vector.extract_strided_slice %get3A_18 {offsets = [0, 16], sizes = [16, 1], strides = [1, 1]} : vector<16x20xf32> to vector<16x1xf32>
    %add3A_1416 = arith.addf %select_n3A_1400, %slice3A_1412 : vector<16x1xf32>
    %add3A_1417 = arith.addf %select_n3A_1400, %slice3A_1413 : vector<16x1xf32>
    %add3A_1418 = arith.addf %select_n3A_1401, %slice3A_1412 : vector<16x1xf32>
    %add3A_1419 = arith.addf %select_n3A_1401, %slice3A_1413 : vector<16x1xf32>
    %add3A_1420 = arith.constant 1.000000e+05 : f32
    %add3A_1421 = vector.broadcast %add3A_1420 : f32 to vector<16x1xf32>
    %add3A_1422 = arith.addf %add3A_1421, %slice3A_1414 : vector<16x1xf32>
    %add3A_1423 = arith.constant 1.000000e+05 : f32
    %add3A_1424 = vector.broadcast %add3A_1423 : f32 to vector<16x1xf32>
    %add3A_1425 = arith.addf %add3A_1424, %slice3A_1415 : vector<16x1xf32>
    %broadcast_in_dim3A_1426 = arith.constant 1.07374182E+9 : f32
    %broadcast_in_dim3A_1427 = vector.broadcast %broadcast_in_dim3A_1426 : f32 to vector<16x1xf32>
    %gt3A_1428 = arith.cmpf ogt, %add3A_1417, %add3A_1416 : vector<16x1xf32>
    %eq3A_1429 = arith.cmpf oeq, %add3A_1417, %add3A_1416 : vector<16x1xf32>
    %lt3A_1430 = arith.cmpf olt, %slice3A_1415, %slice3A_1414 : vector<16x1xf32>
    %and3A_1431 = arith.andi %eq3A_1429, %lt3A_1430 : vector<16x1xi1>
    %or3A_1432 = arith.ori %gt3A_1428, %and3A_1431 : vector<16x1xi1>
    %not3A_1433 = arith.constant dense<true> : vector<16x1xi1>
    %not3A_1434 = arith.xori %or3A_1432, %not3A_1433 : vector<16x1xi1>
    %gt3A_1435 = arith.cmpf ogt, %add3A_1417, %broadcast_in_dim3A_24 : vector<16x1xf32>
    %eq3A_1436 = arith.cmpf oeq, %add3A_1417, %broadcast_in_dim3A_24 : vector<16x1xf32>
    %lt3A_1437 = arith.cmpf olt, %slice3A_1415, %broadcast_in_dim3A_1427 : vector<16x1xf32>
    %and3A_1438 = arith.andi %eq3A_1436, %lt3A_1437 : vector<16x1xi1>
    %or3A_1439 = arith.ori %gt3A_1435, %and3A_1438 : vector<16x1xi1>
    %and3A_1440 = arith.andi %not3A_1434, %or3A_1439 : vector<16x1xi1>
    %select_n3A_1441 = arith.select %and3A_1440, %add3A_1417, %broadcast_in_dim3A_24 : vector<16x1xi1>, vector<16x1xf32>
    %select_n3A_1442 = arith.select %or3A_1432, %add3A_1416, %select_n3A_1441 : vector<16x1xi1>, vector<16x1xf32>
    %select_n3A_1443 = arith.select %and3A_1440, %slice3A_1415, %broadcast_in_dim3A_1427 : vector<16x1xi1>, vector<16x1xf32>
    %select_n3A_1444 = arith.select %or3A_1432, %slice3A_1414, %select_n3A_1443 : vector<16x1xi1>, vector<16x1xf32>
    %select_n3A_1445 = arith.select %and3A_1440, %slice3A_1413, %broadcast_in_dim3A_22 : vector<16x1xi1>, vector<16x1xf32>
    %select_n3A_1446 = arith.select %or3A_1432, %slice3A_1412, %select_n3A_1445 : vector<16x1xi1>, vector<16x1xf32>
    %select_n3A_1447 = arith.select %or3A_1432, %add3A_1417, %add3A_1416 : vector<16x1xi1>, vector<16x1xf32>
    %select_n3A_1448 = arith.select %or3A_1432, %slice3A_1415, %slice3A_1414 : vector<16x1xi1>, vector<16x1xf32>
    %select_n3A_1449 = arith.select %or3A_1432, %slice3A_1413, %slice3A_1412 : vector<16x1xi1>, vector<16x1xf32>
    %gt3A_1450 = arith.cmpf ogt, %add3A_1418, %select_n3A_1447 : vector<16x1xf32>
    %eq3A_1451 = arith.cmpf oeq, %add3A_1418, %select_n3A_1447 : vector<16x1xf32>
    %lt3A_1452 = arith.cmpf olt, %add3A_1422, %select_n3A_1448 : vector<16x1xf32>
    %and3A_1453 = arith.andi %eq3A_1451, %lt3A_1452 : vector<16x1xi1>
    %or3A_1454 = arith.ori %gt3A_1450, %and3A_1453 : vector<16x1xi1>
    %not3A_1455 = arith.constant dense<true> : vector<16x1xi1>
    %not3A_1456 = arith.xori %or3A_1454, %not3A_1455 : vector<16x1xi1>
    %gt3A_1457 = arith.cmpf ogt, %add3A_1418, %select_n3A_1442 : vector<16x1xf32>
    %eq3A_1458 = arith.cmpf oeq, %add3A_1418, %select_n3A_1442 : vector<16x1xf32>
    %lt3A_1459 = arith.cmpf olt, %add3A_1422, %select_n3A_1444 : vector<16x1xf32>
    %and3A_1460 = arith.andi %eq3A_1458, %lt3A_1459 : vector<16x1xi1>
    %or3A_1461 = arith.ori %gt3A_1457, %and3A_1460 : vector<16x1xi1>
    %and3A_1462 = arith.andi %not3A_1456, %or3A_1461 : vector<16x1xi1>
    %select_n3A_1463 = arith.select %and3A_1462, %add3A_1418, %select_n3A_1442 : vector<16x1xi1>, vector<16x1xf32>
    %select_n3A_1464 = arith.select %or3A_1454, %select_n3A_1447, %select_n3A_1463 : vector<16x1xi1>, vector<16x1xf32>
    %select_n3A_1465 = arith.select %and3A_1462, %add3A_1422, %select_n3A_1444 : vector<16x1xi1>, vector<16x1xf32>
    %select_n3A_1466 = arith.select %or3A_1454, %select_n3A_1448, %select_n3A_1465 : vector<16x1xi1>, vector<16x1xf32>
    %select_n3A_1467 = arith.select %and3A_1462, %slice3A_1412, %select_n3A_1446 : vector<16x1xi1>, vector<16x1xf32>
    %select_n3A_1468 = arith.select %or3A_1454, %select_n3A_1449, %select_n3A_1467 : vector<16x1xi1>, vector<16x1xf32>
    %select_n3A_1469 = arith.select %or3A_1454, %add3A_1418, %select_n3A_1447 : vector<16x1xi1>, vector<16x1xf32>
    %select_n3A_1470 = arith.select %or3A_1454, %add3A_1422, %select_n3A_1448 : vector<16x1xi1>, vector<16x1xf32>
    %select_n3A_1471 = arith.select %or3A_1454, %slice3A_1412, %select_n3A_1449 : vector<16x1xi1>, vector<16x1xf32>
    %gt3A_1472 = arith.cmpf ogt, %add3A_1419, %select_n3A_1469 : vector<16x1xf32>
    %eq3A_1473 = arith.cmpf oeq, %add3A_1419, %select_n3A_1469 : vector<16x1xf32>
    %lt3A_1474 = arith.cmpf olt, %add3A_1425, %select_n3A_1470 : vector<16x1xf32>
    %and3A_1475 = arith.andi %eq3A_1473, %lt3A_1474 : vector<16x1xi1>
    %or3A_1476 = arith.ori %gt3A_1472, %and3A_1475 : vector<16x1xi1>
    %not3A_1477 = arith.constant dense<true> : vector<16x1xi1>
    %not3A_1478 = arith.xori %or3A_1476, %not3A_1477 : vector<16x1xi1>
    %gt3A_1479 = arith.cmpf ogt, %add3A_1419, %select_n3A_1464 : vector<16x1xf32>
    %eq3A_1480 = arith.cmpf oeq, %add3A_1419, %select_n3A_1464 : vector<16x1xf32>
    %lt3A_1481 = arith.cmpf olt, %add3A_1425, %select_n3A_1466 : vector<16x1xf32>
    %and3A_1482 = arith.andi %eq3A_1480, %lt3A_1481 : vector<16x1xi1>
    %or3A_1483 = arith.ori %gt3A_1479, %and3A_1482 : vector<16x1xi1>
    %and3A_1484 = arith.andi %not3A_1478, %or3A_1483 : vector<16x1xi1>
    %select_n3A_1485 = arith.select %and3A_1484, %add3A_1419, %select_n3A_1464 : vector<16x1xi1>, vector<16x1xf32>
    %select_n3A_1486 = arith.select %or3A_1476, %select_n3A_1469, %select_n3A_1485 : vector<16x1xi1>, vector<16x1xf32>
    %select_n3A_1487 = arith.select %and3A_1484, %slice3A_1413, %select_n3A_1468 : vector<16x1xi1>, vector<16x1xf32>
    %select_n3A_1488 = arith.select %or3A_1476, %select_n3A_1471, %select_n3A_1487 : vector<16x1xi1>, vector<16x1xf32>
    %select_n3A_1489 = arith.select %or3A_1476, %add3A_1419, %select_n3A_1469 : vector<16x1xi1>, vector<16x1xf32>
    %select_n3A_1490 = arith.select %or3A_1476, %slice3A_1413, %select_n3A_1471 : vector<16x1xi1>, vector<16x1xf32>
    %slice3A_1491 = vector.extract_strided_slice %sub3A_12 {offsets = [0, 16], sizes = [16, 1], strides = [1, 1]} : vector<16x20xf32> to vector<16x1xf32>
    %select_n3A_1492 = arith.select %gt3A_1407, %select_n3A_1400, %select_n3A_1489 : vector<16x1xi1>, vector<16x1xf32>
    %select_n3A_1493 = arith.select %gt3A_1407, %select_n3A_1401, %select_n3A_1486 : vector<16x1xi1>, vector<16x1xf32>
    %select_n3A_1494 = arith.select %gt3A_1407, %slice3A_1491, %select_n3A_1490 : vector<16x1xi1>, vector<16x1xf32>
    %select_n3A_1495 = arith.select %gt3A_1407, %slice3A_1491, %select_n3A_1488 : vector<16x1xi1>, vector<16x1xf32>
    %slice3A_1496 = vector.extract_strided_slice %get3A_21 {offsets = [0, 16], sizes = [16, 1], strides = [1, 1]} : vector<16x20xf32> to vector<16x1xf32>
    %gt3A_1497 = arith.constant 5.000000e-01 : f32
    %gt3A_1498 = vector.broadcast %gt3A_1497 : f32 to vector<16x1xf32>
    %gt3A_1499 = arith.cmpf ogt, %slice3A_1496, %gt3A_1498 : vector<16x1xf32>
    %select_n3A_1500 = arith.select %gt3A_1499, %broadcast_in_dim3A_22, %select_n3A_1494 : vector<16x1xi1>, vector<16x1xf32>
    %add3A_1501 = arith.addf %add3A_1409, %select_n3A_1500 : vector<16x1xf32>
    %select_n3A_1502 = arith.select %gt3A_1499, %broadcast_in_dim3A_22, %select_n3A_1495 : vector<16x1xi1>, vector<16x1xf32>
    %add3A_1503 = arith.addf %add3A_1411, %select_n3A_1502 : vector<16x1xf32>
    %slice3A_1504 = vector.extract_strided_slice %sub3A {offsets = [0, 17], sizes = [16, 1], strides = [1, 1]} : vector<16x20xf32> to vector<16x1xf32>
    %slice3A_1505 = vector.extract_strided_slice %sub3A_8 {offsets = [0, 17], sizes = [16, 1], strides = [1, 1]} : vector<16x20xf32> to vector<16x1xf32>
    %slice3A_1506 = vector.extract_strided_slice %get3A_15 {offsets = [0, 17], sizes = [16, 1], strides = [1, 1]} : vector<16x20xf32> to vector<16x1xf32>
    %slice3A_1507 = vector.extract_strided_slice %get3A_18 {offsets = [0, 17], sizes = [16, 1], strides = [1, 1]} : vector<16x20xf32> to vector<16x1xf32>
    %add3A_1508 = arith.addf %select_n3A_1492, %slice3A_1504 : vector<16x1xf32>
    %add3A_1509 = arith.addf %select_n3A_1492, %slice3A_1505 : vector<16x1xf32>
    %add3A_1510 = arith.addf %select_n3A_1493, %slice3A_1504 : vector<16x1xf32>
    %add3A_1511 = arith.addf %select_n3A_1493, %slice3A_1505 : vector<16x1xf32>
    %add3A_1512 = arith.constant 1.000000e+05 : f32
    %add3A_1513 = vector.broadcast %add3A_1512 : f32 to vector<16x1xf32>
    %add3A_1514 = arith.addf %add3A_1513, %slice3A_1506 : vector<16x1xf32>
    %add3A_1515 = arith.constant 1.000000e+05 : f32
    %add3A_1516 = vector.broadcast %add3A_1515 : f32 to vector<16x1xf32>
    %add3A_1517 = arith.addf %add3A_1516, %slice3A_1507 : vector<16x1xf32>
    %broadcast_in_dim3A_1518 = arith.constant 1.07374182E+9 : f32
    %broadcast_in_dim3A_1519 = vector.broadcast %broadcast_in_dim3A_1518 : f32 to vector<16x1xf32>
    %gt3A_1520 = arith.cmpf ogt, %add3A_1509, %add3A_1508 : vector<16x1xf32>
    %eq3A_1521 = arith.cmpf oeq, %add3A_1509, %add3A_1508 : vector<16x1xf32>
    %lt3A_1522 = arith.cmpf olt, %slice3A_1507, %slice3A_1506 : vector<16x1xf32>
    %and3A_1523 = arith.andi %eq3A_1521, %lt3A_1522 : vector<16x1xi1>
    %or3A_1524 = arith.ori %gt3A_1520, %and3A_1523 : vector<16x1xi1>
    %not3A_1525 = arith.constant dense<true> : vector<16x1xi1>
    %not3A_1526 = arith.xori %or3A_1524, %not3A_1525 : vector<16x1xi1>
    %gt3A_1527 = arith.cmpf ogt, %add3A_1509, %broadcast_in_dim3A_24 : vector<16x1xf32>
    %eq3A_1528 = arith.cmpf oeq, %add3A_1509, %broadcast_in_dim3A_24 : vector<16x1xf32>
    %lt3A_1529 = arith.cmpf olt, %slice3A_1507, %broadcast_in_dim3A_1519 : vector<16x1xf32>
    %and3A_1530 = arith.andi %eq3A_1528, %lt3A_1529 : vector<16x1xi1>
    %or3A_1531 = arith.ori %gt3A_1527, %and3A_1530 : vector<16x1xi1>
    %and3A_1532 = arith.andi %not3A_1526, %or3A_1531 : vector<16x1xi1>
    %select_n3A_1533 = arith.select %and3A_1532, %add3A_1509, %broadcast_in_dim3A_24 : vector<16x1xi1>, vector<16x1xf32>
    %select_n3A_1534 = arith.select %or3A_1524, %add3A_1508, %select_n3A_1533 : vector<16x1xi1>, vector<16x1xf32>
    %select_n3A_1535 = arith.select %and3A_1532, %slice3A_1507, %broadcast_in_dim3A_1519 : vector<16x1xi1>, vector<16x1xf32>
    %select_n3A_1536 = arith.select %or3A_1524, %slice3A_1506, %select_n3A_1535 : vector<16x1xi1>, vector<16x1xf32>
    %select_n3A_1537 = arith.select %and3A_1532, %slice3A_1505, %broadcast_in_dim3A_22 : vector<16x1xi1>, vector<16x1xf32>
    %select_n3A_1538 = arith.select %or3A_1524, %slice3A_1504, %select_n3A_1537 : vector<16x1xi1>, vector<16x1xf32>
    %select_n3A_1539 = arith.select %or3A_1524, %add3A_1509, %add3A_1508 : vector<16x1xi1>, vector<16x1xf32>
    %select_n3A_1540 = arith.select %or3A_1524, %slice3A_1507, %slice3A_1506 : vector<16x1xi1>, vector<16x1xf32>
    %select_n3A_1541 = arith.select %or3A_1524, %slice3A_1505, %slice3A_1504 : vector<16x1xi1>, vector<16x1xf32>
    %gt3A_1542 = arith.cmpf ogt, %add3A_1510, %select_n3A_1539 : vector<16x1xf32>
    %eq3A_1543 = arith.cmpf oeq, %add3A_1510, %select_n3A_1539 : vector<16x1xf32>
    %lt3A_1544 = arith.cmpf olt, %add3A_1514, %select_n3A_1540 : vector<16x1xf32>
    %and3A_1545 = arith.andi %eq3A_1543, %lt3A_1544 : vector<16x1xi1>
    %or3A_1546 = arith.ori %gt3A_1542, %and3A_1545 : vector<16x1xi1>
    %not3A_1547 = arith.constant dense<true> : vector<16x1xi1>
    %not3A_1548 = arith.xori %or3A_1546, %not3A_1547 : vector<16x1xi1>
    %gt3A_1549 = arith.cmpf ogt, %add3A_1510, %select_n3A_1534 : vector<16x1xf32>
    %eq3A_1550 = arith.cmpf oeq, %add3A_1510, %select_n3A_1534 : vector<16x1xf32>
    %lt3A_1551 = arith.cmpf olt, %add3A_1514, %select_n3A_1536 : vector<16x1xf32>
    %and3A_1552 = arith.andi %eq3A_1550, %lt3A_1551 : vector<16x1xi1>
    %or3A_1553 = arith.ori %gt3A_1549, %and3A_1552 : vector<16x1xi1>
    %and3A_1554 = arith.andi %not3A_1548, %or3A_1553 : vector<16x1xi1>
    %select_n3A_1555 = arith.select %and3A_1554, %add3A_1510, %select_n3A_1534 : vector<16x1xi1>, vector<16x1xf32>
    %select_n3A_1556 = arith.select %or3A_1546, %select_n3A_1539, %select_n3A_1555 : vector<16x1xi1>, vector<16x1xf32>
    %select_n3A_1557 = arith.select %and3A_1554, %add3A_1514, %select_n3A_1536 : vector<16x1xi1>, vector<16x1xf32>
    %select_n3A_1558 = arith.select %or3A_1546, %select_n3A_1540, %select_n3A_1557 : vector<16x1xi1>, vector<16x1xf32>
    %select_n3A_1559 = arith.select %and3A_1554, %slice3A_1504, %select_n3A_1538 : vector<16x1xi1>, vector<16x1xf32>
    %select_n3A_1560 = arith.select %or3A_1546, %select_n3A_1541, %select_n3A_1559 : vector<16x1xi1>, vector<16x1xf32>
    %select_n3A_1561 = arith.select %or3A_1546, %add3A_1510, %select_n3A_1539 : vector<16x1xi1>, vector<16x1xf32>
    %select_n3A_1562 = arith.select %or3A_1546, %add3A_1514, %select_n3A_1540 : vector<16x1xi1>, vector<16x1xf32>
    %select_n3A_1563 = arith.select %or3A_1546, %slice3A_1504, %select_n3A_1541 : vector<16x1xi1>, vector<16x1xf32>
    %gt3A_1564 = arith.cmpf ogt, %add3A_1511, %select_n3A_1561 : vector<16x1xf32>
    %eq3A_1565 = arith.cmpf oeq, %add3A_1511, %select_n3A_1561 : vector<16x1xf32>
    %lt3A_1566 = arith.cmpf olt, %add3A_1517, %select_n3A_1562 : vector<16x1xf32>
    %and3A_1567 = arith.andi %eq3A_1565, %lt3A_1566 : vector<16x1xi1>
    %or3A_1568 = arith.ori %gt3A_1564, %and3A_1567 : vector<16x1xi1>
    %not3A_1569 = arith.constant dense<true> : vector<16x1xi1>
    %not3A_1570 = arith.xori %or3A_1568, %not3A_1569 : vector<16x1xi1>
    %gt3A_1571 = arith.cmpf ogt, %add3A_1511, %select_n3A_1556 : vector<16x1xf32>
    %eq3A_1572 = arith.cmpf oeq, %add3A_1511, %select_n3A_1556 : vector<16x1xf32>
    %lt3A_1573 = arith.cmpf olt, %add3A_1517, %select_n3A_1558 : vector<16x1xf32>
    %and3A_1574 = arith.andi %eq3A_1572, %lt3A_1573 : vector<16x1xi1>
    %or3A_1575 = arith.ori %gt3A_1571, %and3A_1574 : vector<16x1xi1>
    %and3A_1576 = arith.andi %not3A_1570, %or3A_1575 : vector<16x1xi1>
    %select_n3A_1577 = arith.select %and3A_1576, %add3A_1511, %select_n3A_1556 : vector<16x1xi1>, vector<16x1xf32>
    %select_n3A_1578 = arith.select %or3A_1568, %select_n3A_1561, %select_n3A_1577 : vector<16x1xi1>, vector<16x1xf32>
    %select_n3A_1579 = arith.select %and3A_1576, %slice3A_1505, %select_n3A_1560 : vector<16x1xi1>, vector<16x1xf32>
    %select_n3A_1580 = arith.select %or3A_1568, %select_n3A_1563, %select_n3A_1579 : vector<16x1xi1>, vector<16x1xf32>
    %select_n3A_1581 = arith.select %or3A_1568, %add3A_1511, %select_n3A_1561 : vector<16x1xi1>, vector<16x1xf32>
    %select_n3A_1582 = arith.select %or3A_1568, %slice3A_1505, %select_n3A_1563 : vector<16x1xi1>, vector<16x1xf32>
    %slice3A_1583 = vector.extract_strided_slice %sub3A_12 {offsets = [0, 17], sizes = [16, 1], strides = [1, 1]} : vector<16x20xf32> to vector<16x1xf32>
    %select_n3A_1584 = arith.select %gt3A_1499, %select_n3A_1492, %select_n3A_1581 : vector<16x1xi1>, vector<16x1xf32>
    %select_n3A_1585 = arith.select %gt3A_1499, %select_n3A_1493, %select_n3A_1578 : vector<16x1xi1>, vector<16x1xf32>
    %select_n3A_1586 = arith.select %gt3A_1499, %slice3A_1583, %select_n3A_1582 : vector<16x1xi1>, vector<16x1xf32>
    %select_n3A_1587 = arith.select %gt3A_1499, %slice3A_1583, %select_n3A_1580 : vector<16x1xi1>, vector<16x1xf32>
    %slice3A_1588 = vector.extract_strided_slice %get3A_21 {offsets = [0, 17], sizes = [16, 1], strides = [1, 1]} : vector<16x20xf32> to vector<16x1xf32>
    %gt3A_1589 = arith.constant 5.000000e-01 : f32
    %gt3A_1590 = vector.broadcast %gt3A_1589 : f32 to vector<16x1xf32>
    %gt3A_1591 = arith.cmpf ogt, %slice3A_1588, %gt3A_1590 : vector<16x1xf32>
    %select_n3A_1592 = arith.select %gt3A_1591, %broadcast_in_dim3A_22, %select_n3A_1586 : vector<16x1xi1>, vector<16x1xf32>
    %add3A_1593 = arith.addf %add3A_1501, %select_n3A_1592 : vector<16x1xf32>
    %select_n3A_1594 = arith.select %gt3A_1591, %broadcast_in_dim3A_22, %select_n3A_1587 : vector<16x1xi1>, vector<16x1xf32>
    %add3A_1595 = arith.addf %add3A_1503, %select_n3A_1594 : vector<16x1xf32>
    %slice3A_1596 = vector.extract_strided_slice %sub3A {offsets = [0, 18], sizes = [16, 1], strides = [1, 1]} : vector<16x20xf32> to vector<16x1xf32>
    %slice3A_1597 = vector.extract_strided_slice %sub3A_8 {offsets = [0, 18], sizes = [16, 1], strides = [1, 1]} : vector<16x20xf32> to vector<16x1xf32>
    %slice3A_1598 = vector.extract_strided_slice %get3A_15 {offsets = [0, 18], sizes = [16, 1], strides = [1, 1]} : vector<16x20xf32> to vector<16x1xf32>
    %slice3A_1599 = vector.extract_strided_slice %get3A_18 {offsets = [0, 18], sizes = [16, 1], strides = [1, 1]} : vector<16x20xf32> to vector<16x1xf32>
    %add3A_1600 = arith.addf %select_n3A_1584, %slice3A_1596 : vector<16x1xf32>
    %add3A_1601 = arith.addf %select_n3A_1584, %slice3A_1597 : vector<16x1xf32>
    %add3A_1602 = arith.addf %select_n3A_1585, %slice3A_1596 : vector<16x1xf32>
    %add3A_1603 = arith.addf %select_n3A_1585, %slice3A_1597 : vector<16x1xf32>
    %add3A_1604 = arith.constant 1.000000e+05 : f32
    %add3A_1605 = vector.broadcast %add3A_1604 : f32 to vector<16x1xf32>
    %add3A_1606 = arith.addf %add3A_1605, %slice3A_1598 : vector<16x1xf32>
    %add3A_1607 = arith.constant 1.000000e+05 : f32
    %add3A_1608 = vector.broadcast %add3A_1607 : f32 to vector<16x1xf32>
    %add3A_1609 = arith.addf %add3A_1608, %slice3A_1599 : vector<16x1xf32>
    %broadcast_in_dim3A_1610 = arith.constant 1.07374182E+9 : f32
    %broadcast_in_dim3A_1611 = vector.broadcast %broadcast_in_dim3A_1610 : f32 to vector<16x1xf32>
    %gt3A_1612 = arith.cmpf ogt, %add3A_1601, %add3A_1600 : vector<16x1xf32>
    %eq3A_1613 = arith.cmpf oeq, %add3A_1601, %add3A_1600 : vector<16x1xf32>
    %lt3A_1614 = arith.cmpf olt, %slice3A_1599, %slice3A_1598 : vector<16x1xf32>
    %and3A_1615 = arith.andi %eq3A_1613, %lt3A_1614 : vector<16x1xi1>
    %or3A_1616 = arith.ori %gt3A_1612, %and3A_1615 : vector<16x1xi1>
    %not3A_1617 = arith.constant dense<true> : vector<16x1xi1>
    %not3A_1618 = arith.xori %or3A_1616, %not3A_1617 : vector<16x1xi1>
    %gt3A_1619 = arith.cmpf ogt, %add3A_1601, %broadcast_in_dim3A_24 : vector<16x1xf32>
    %eq3A_1620 = arith.cmpf oeq, %add3A_1601, %broadcast_in_dim3A_24 : vector<16x1xf32>
    %lt3A_1621 = arith.cmpf olt, %slice3A_1599, %broadcast_in_dim3A_1611 : vector<16x1xf32>
    %and3A_1622 = arith.andi %eq3A_1620, %lt3A_1621 : vector<16x1xi1>
    %or3A_1623 = arith.ori %gt3A_1619, %and3A_1622 : vector<16x1xi1>
    %and3A_1624 = arith.andi %not3A_1618, %or3A_1623 : vector<16x1xi1>
    %select_n3A_1625 = arith.select %and3A_1624, %add3A_1601, %broadcast_in_dim3A_24 : vector<16x1xi1>, vector<16x1xf32>
    %select_n3A_1626 = arith.select %or3A_1616, %add3A_1600, %select_n3A_1625 : vector<16x1xi1>, vector<16x1xf32>
    %select_n3A_1627 = arith.select %and3A_1624, %slice3A_1599, %broadcast_in_dim3A_1611 : vector<16x1xi1>, vector<16x1xf32>
    %select_n3A_1628 = arith.select %or3A_1616, %slice3A_1598, %select_n3A_1627 : vector<16x1xi1>, vector<16x1xf32>
    %select_n3A_1629 = arith.select %and3A_1624, %slice3A_1597, %broadcast_in_dim3A_22 : vector<16x1xi1>, vector<16x1xf32>
    %select_n3A_1630 = arith.select %or3A_1616, %slice3A_1596, %select_n3A_1629 : vector<16x1xi1>, vector<16x1xf32>
    %select_n3A_1631 = arith.select %or3A_1616, %add3A_1601, %add3A_1600 : vector<16x1xi1>, vector<16x1xf32>
    %select_n3A_1632 = arith.select %or3A_1616, %slice3A_1599, %slice3A_1598 : vector<16x1xi1>, vector<16x1xf32>
    %select_n3A_1633 = arith.select %or3A_1616, %slice3A_1597, %slice3A_1596 : vector<16x1xi1>, vector<16x1xf32>
    %gt3A_1634 = arith.cmpf ogt, %add3A_1602, %select_n3A_1631 : vector<16x1xf32>
    %eq3A_1635 = arith.cmpf oeq, %add3A_1602, %select_n3A_1631 : vector<16x1xf32>
    %lt3A_1636 = arith.cmpf olt, %add3A_1606, %select_n3A_1632 : vector<16x1xf32>
    %and3A_1637 = arith.andi %eq3A_1635, %lt3A_1636 : vector<16x1xi1>
    %or3A_1638 = arith.ori %gt3A_1634, %and3A_1637 : vector<16x1xi1>
    %not3A_1639 = arith.constant dense<true> : vector<16x1xi1>
    %not3A_1640 = arith.xori %or3A_1638, %not3A_1639 : vector<16x1xi1>
    %gt3A_1641 = arith.cmpf ogt, %add3A_1602, %select_n3A_1626 : vector<16x1xf32>
    %eq3A_1642 = arith.cmpf oeq, %add3A_1602, %select_n3A_1626 : vector<16x1xf32>
    %lt3A_1643 = arith.cmpf olt, %add3A_1606, %select_n3A_1628 : vector<16x1xf32>
    %and3A_1644 = arith.andi %eq3A_1642, %lt3A_1643 : vector<16x1xi1>
    %or3A_1645 = arith.ori %gt3A_1641, %and3A_1644 : vector<16x1xi1>
    %and3A_1646 = arith.andi %not3A_1640, %or3A_1645 : vector<16x1xi1>
    %select_n3A_1647 = arith.select %and3A_1646, %add3A_1602, %select_n3A_1626 : vector<16x1xi1>, vector<16x1xf32>
    %select_n3A_1648 = arith.select %or3A_1638, %select_n3A_1631, %select_n3A_1647 : vector<16x1xi1>, vector<16x1xf32>
    %select_n3A_1649 = arith.select %and3A_1646, %add3A_1606, %select_n3A_1628 : vector<16x1xi1>, vector<16x1xf32>
    %select_n3A_1650 = arith.select %or3A_1638, %select_n3A_1632, %select_n3A_1649 : vector<16x1xi1>, vector<16x1xf32>
    %select_n3A_1651 = arith.select %and3A_1646, %slice3A_1596, %select_n3A_1630 : vector<16x1xi1>, vector<16x1xf32>
    %select_n3A_1652 = arith.select %or3A_1638, %select_n3A_1633, %select_n3A_1651 : vector<16x1xi1>, vector<16x1xf32>
    %select_n3A_1653 = arith.select %or3A_1638, %add3A_1602, %select_n3A_1631 : vector<16x1xi1>, vector<16x1xf32>
    %select_n3A_1654 = arith.select %or3A_1638, %add3A_1606, %select_n3A_1632 : vector<16x1xi1>, vector<16x1xf32>
    %select_n3A_1655 = arith.select %or3A_1638, %slice3A_1596, %select_n3A_1633 : vector<16x1xi1>, vector<16x1xf32>
    %gt3A_1656 = arith.cmpf ogt, %add3A_1603, %select_n3A_1653 : vector<16x1xf32>
    %eq3A_1657 = arith.cmpf oeq, %add3A_1603, %select_n3A_1653 : vector<16x1xf32>
    %lt3A_1658 = arith.cmpf olt, %add3A_1609, %select_n3A_1654 : vector<16x1xf32>
    %and3A_1659 = arith.andi %eq3A_1657, %lt3A_1658 : vector<16x1xi1>
    %or3A_1660 = arith.ori %gt3A_1656, %and3A_1659 : vector<16x1xi1>
    %not3A_1661 = arith.constant dense<true> : vector<16x1xi1>
    %not3A_1662 = arith.xori %or3A_1660, %not3A_1661 : vector<16x1xi1>
    %gt3A_1663 = arith.cmpf ogt, %add3A_1603, %select_n3A_1648 : vector<16x1xf32>
    %eq3A_1664 = arith.cmpf oeq, %add3A_1603, %select_n3A_1648 : vector<16x1xf32>
    %lt3A_1665 = arith.cmpf olt, %add3A_1609, %select_n3A_1650 : vector<16x1xf32>
    %and3A_1666 = arith.andi %eq3A_1664, %lt3A_1665 : vector<16x1xi1>
    %or3A_1667 = arith.ori %gt3A_1663, %and3A_1666 : vector<16x1xi1>
    %and3A_1668 = arith.andi %not3A_1662, %or3A_1667 : vector<16x1xi1>
    %select_n3A_1669 = arith.select %and3A_1668, %add3A_1603, %select_n3A_1648 : vector<16x1xi1>, vector<16x1xf32>
    %select_n3A_1670 = arith.select %or3A_1660, %select_n3A_1653, %select_n3A_1669 : vector<16x1xi1>, vector<16x1xf32>
    %select_n3A_1671 = arith.select %and3A_1668, %slice3A_1597, %select_n3A_1652 : vector<16x1xi1>, vector<16x1xf32>
    %select_n3A_1672 = arith.select %or3A_1660, %select_n3A_1655, %select_n3A_1671 : vector<16x1xi1>, vector<16x1xf32>
    %select_n3A_1673 = arith.select %or3A_1660, %add3A_1603, %select_n3A_1653 : vector<16x1xi1>, vector<16x1xf32>
    %select_n3A_1674 = arith.select %or3A_1660, %slice3A_1597, %select_n3A_1655 : vector<16x1xi1>, vector<16x1xf32>
    %slice3A_1675 = vector.extract_strided_slice %sub3A_12 {offsets = [0, 18], sizes = [16, 1], strides = [1, 1]} : vector<16x20xf32> to vector<16x1xf32>
    %select_n3A_1676 = arith.select %gt3A_1591, %select_n3A_1584, %select_n3A_1673 : vector<16x1xi1>, vector<16x1xf32>
    %select_n3A_1677 = arith.select %gt3A_1591, %select_n3A_1585, %select_n3A_1670 : vector<16x1xi1>, vector<16x1xf32>
    %select_n3A_1678 = arith.select %gt3A_1591, %slice3A_1675, %select_n3A_1674 : vector<16x1xi1>, vector<16x1xf32>
    %select_n3A_1679 = arith.select %gt3A_1591, %slice3A_1675, %select_n3A_1672 : vector<16x1xi1>, vector<16x1xf32>
    %slice3A_1680 = vector.extract_strided_slice %get3A_21 {offsets = [0, 18], sizes = [16, 1], strides = [1, 1]} : vector<16x20xf32> to vector<16x1xf32>
    %gt3A_1681 = arith.constant 5.000000e-01 : f32
    %gt3A_1682 = vector.broadcast %gt3A_1681 : f32 to vector<16x1xf32>
    %gt3A_1683 = arith.cmpf ogt, %slice3A_1680, %gt3A_1682 : vector<16x1xf32>
    %select_n3A_1684 = arith.select %gt3A_1683, %broadcast_in_dim3A_22, %select_n3A_1678 : vector<16x1xi1>, vector<16x1xf32>
    %add3A_1685 = arith.addf %add3A_1593, %select_n3A_1684 : vector<16x1xf32>
    %select_n3A_1686 = arith.select %gt3A_1683, %broadcast_in_dim3A_22, %select_n3A_1679 : vector<16x1xi1>, vector<16x1xf32>
    %add3A_1687 = arith.addf %add3A_1595, %select_n3A_1686 : vector<16x1xf32>
    %slice3A_1688 = vector.extract_strided_slice %sub3A {offsets = [0, 19], sizes = [16, 1], strides = [1, 1]} : vector<16x20xf32> to vector<16x1xf32>
    %slice3A_1689 = vector.extract_strided_slice %sub3A_8 {offsets = [0, 19], sizes = [16, 1], strides = [1, 1]} : vector<16x20xf32> to vector<16x1xf32>
    %slice3A_1690 = vector.extract_strided_slice %get3A_15 {offsets = [0, 19], sizes = [16, 1], strides = [1, 1]} : vector<16x20xf32> to vector<16x1xf32>
    %slice3A_1691 = vector.extract_strided_slice %get3A_18 {offsets = [0, 19], sizes = [16, 1], strides = [1, 1]} : vector<16x20xf32> to vector<16x1xf32>
    %add3A_1692 = arith.addf %select_n3A_1676, %slice3A_1688 : vector<16x1xf32>
    %add3A_1693 = arith.addf %select_n3A_1676, %slice3A_1689 : vector<16x1xf32>
    %add3A_1694 = arith.addf %select_n3A_1677, %slice3A_1688 : vector<16x1xf32>
    %add3A_1695 = arith.addf %select_n3A_1677, %slice3A_1689 : vector<16x1xf32>
    %add3A_1696 = arith.constant 1.000000e+05 : f32
    %add3A_1697 = vector.broadcast %add3A_1696 : f32 to vector<16x1xf32>
    %add3A_1698 = arith.addf %add3A_1697, %slice3A_1690 : vector<16x1xf32>
    %add3A_1699 = arith.constant 1.000000e+05 : f32
    %add3A_1700 = vector.broadcast %add3A_1699 : f32 to vector<16x1xf32>
    %add3A_1701 = arith.addf %add3A_1700, %slice3A_1691 : vector<16x1xf32>
    %broadcast_in_dim3A_1702 = arith.constant 1.07374182E+9 : f32
    %broadcast_in_dim3A_1703 = vector.broadcast %broadcast_in_dim3A_1702 : f32 to vector<16x1xf32>
    %gt3A_1704 = arith.cmpf ogt, %add3A_1693, %add3A_1692 : vector<16x1xf32>
    %eq3A_1705 = arith.cmpf oeq, %add3A_1693, %add3A_1692 : vector<16x1xf32>
    %lt3A_1706 = arith.cmpf olt, %slice3A_1691, %slice3A_1690 : vector<16x1xf32>
    %and3A_1707 = arith.andi %eq3A_1705, %lt3A_1706 : vector<16x1xi1>
    %or3A_1708 = arith.ori %gt3A_1704, %and3A_1707 : vector<16x1xi1>
    %not3A_1709 = arith.constant dense<true> : vector<16x1xi1>
    %not3A_1710 = arith.xori %or3A_1708, %not3A_1709 : vector<16x1xi1>
    %gt3A_1711 = arith.cmpf ogt, %add3A_1693, %broadcast_in_dim3A_24 : vector<16x1xf32>
    %eq3A_1712 = arith.cmpf oeq, %add3A_1693, %broadcast_in_dim3A_24 : vector<16x1xf32>
    %lt3A_1713 = arith.cmpf olt, %slice3A_1691, %broadcast_in_dim3A_1703 : vector<16x1xf32>
    %and3A_1714 = arith.andi %eq3A_1712, %lt3A_1713 : vector<16x1xi1>
    %or3A_1715 = arith.ori %gt3A_1711, %and3A_1714 : vector<16x1xi1>
    %and3A_1716 = arith.andi %not3A_1710, %or3A_1715 : vector<16x1xi1>
    %select_n3A_1717 = arith.select %and3A_1716, %add3A_1693, %broadcast_in_dim3A_24 : vector<16x1xi1>, vector<16x1xf32>
    %select_n3A_1718 = arith.select %or3A_1708, %add3A_1692, %select_n3A_1717 : vector<16x1xi1>, vector<16x1xf32>
    %select_n3A_1719 = arith.select %and3A_1716, %slice3A_1691, %broadcast_in_dim3A_1703 : vector<16x1xi1>, vector<16x1xf32>
    %select_n3A_1720 = arith.select %or3A_1708, %slice3A_1690, %select_n3A_1719 : vector<16x1xi1>, vector<16x1xf32>
    %select_n3A_1721 = arith.select %and3A_1716, %slice3A_1689, %broadcast_in_dim3A_22 : vector<16x1xi1>, vector<16x1xf32>
    %select_n3A_1722 = arith.select %or3A_1708, %slice3A_1688, %select_n3A_1721 : vector<16x1xi1>, vector<16x1xf32>
    %select_n3A_1723 = arith.select %or3A_1708, %add3A_1693, %add3A_1692 : vector<16x1xi1>, vector<16x1xf32>
    %select_n3A_1724 = arith.select %or3A_1708, %slice3A_1691, %slice3A_1690 : vector<16x1xi1>, vector<16x1xf32>
    %select_n3A_1725 = arith.select %or3A_1708, %slice3A_1689, %slice3A_1688 : vector<16x1xi1>, vector<16x1xf32>
    %gt3A_1726 = arith.cmpf ogt, %add3A_1694, %select_n3A_1723 : vector<16x1xf32>
    %eq3A_1727 = arith.cmpf oeq, %add3A_1694, %select_n3A_1723 : vector<16x1xf32>
    %lt3A_1728 = arith.cmpf olt, %add3A_1698, %select_n3A_1724 : vector<16x1xf32>
    %and3A_1729 = arith.andi %eq3A_1727, %lt3A_1728 : vector<16x1xi1>
    %or3A_1730 = arith.ori %gt3A_1726, %and3A_1729 : vector<16x1xi1>
    %not3A_1731 = arith.constant dense<true> : vector<16x1xi1>
    %not3A_1732 = arith.xori %or3A_1730, %not3A_1731 : vector<16x1xi1>
    %gt3A_1733 = arith.cmpf ogt, %add3A_1694, %select_n3A_1718 : vector<16x1xf32>
    %eq3A_1734 = arith.cmpf oeq, %add3A_1694, %select_n3A_1718 : vector<16x1xf32>
    %lt3A_1735 = arith.cmpf olt, %add3A_1698, %select_n3A_1720 : vector<16x1xf32>
    %and3A_1736 = arith.andi %eq3A_1734, %lt3A_1735 : vector<16x1xi1>
    %or3A_1737 = arith.ori %gt3A_1733, %and3A_1736 : vector<16x1xi1>
    %and3A_1738 = arith.andi %not3A_1732, %or3A_1737 : vector<16x1xi1>
    %select_n3A_1739 = arith.select %and3A_1738, %add3A_1694, %select_n3A_1718 : vector<16x1xi1>, vector<16x1xf32>
    %select_n3A_1740 = arith.select %or3A_1730, %select_n3A_1723, %select_n3A_1739 : vector<16x1xi1>, vector<16x1xf32>
    %select_n3A_1741 = arith.select %and3A_1738, %add3A_1698, %select_n3A_1720 : vector<16x1xi1>, vector<16x1xf32>
    %select_n3A_1742 = arith.select %or3A_1730, %select_n3A_1724, %select_n3A_1741 : vector<16x1xi1>, vector<16x1xf32>
    %select_n3A_1743 = arith.select %and3A_1738, %slice3A_1688, %select_n3A_1722 : vector<16x1xi1>, vector<16x1xf32>
    %select_n3A_1744 = arith.select %or3A_1730, %select_n3A_1725, %select_n3A_1743 : vector<16x1xi1>, vector<16x1xf32>
    %select_n3A_1745 = arith.select %or3A_1730, %add3A_1694, %select_n3A_1723 : vector<16x1xi1>, vector<16x1xf32>
    %select_n3A_1746 = arith.select %or3A_1730, %add3A_1698, %select_n3A_1724 : vector<16x1xi1>, vector<16x1xf32>
    %select_n3A_1747 = arith.select %or3A_1730, %slice3A_1688, %select_n3A_1725 : vector<16x1xi1>, vector<16x1xf32>
    %gt3A_1748 = arith.cmpf ogt, %add3A_1695, %select_n3A_1745 : vector<16x1xf32>
    %eq3A_1749 = arith.cmpf oeq, %add3A_1695, %select_n3A_1745 : vector<16x1xf32>
    %lt3A_1750 = arith.cmpf olt, %add3A_1701, %select_n3A_1746 : vector<16x1xf32>
    %and3A_1751 = arith.andi %eq3A_1749, %lt3A_1750 : vector<16x1xi1>
    %or3A_1752 = arith.ori %gt3A_1748, %and3A_1751 : vector<16x1xi1>
    %not3A_1753 = arith.constant dense<true> : vector<16x1xi1>
    %not3A_1754 = arith.xori %or3A_1752, %not3A_1753 : vector<16x1xi1>
    %gt3A_1755 = arith.cmpf ogt, %add3A_1695, %select_n3A_1740 : vector<16x1xf32>
    %eq3A_1756 = arith.cmpf oeq, %add3A_1695, %select_n3A_1740 : vector<16x1xf32>
    %lt3A_1757 = arith.cmpf olt, %add3A_1701, %select_n3A_1742 : vector<16x1xf32>
    %and3A_1758 = arith.andi %eq3A_1756, %lt3A_1757 : vector<16x1xi1>
    %or3A_1759 = arith.ori %gt3A_1755, %and3A_1758 : vector<16x1xi1>
    %and3A_1760 = arith.andi %not3A_1754, %or3A_1759 : vector<16x1xi1>
    %select_n3A_1761 = arith.select %and3A_1760, %slice3A_1689, %select_n3A_1744 : vector<16x1xi1>, vector<16x1xf32>
    %select_n3A_1762 = arith.select %or3A_1752, %select_n3A_1747, %select_n3A_1761 : vector<16x1xi1>, vector<16x1xf32>
    %select_n3A_1763 = arith.select %or3A_1752, %slice3A_1689, %select_n3A_1747 : vector<16x1xi1>, vector<16x1xf32>
    %slice3A_1764 = vector.extract_strided_slice %sub3A_12 {offsets = [0, 19], sizes = [16, 1], strides = [1, 1]} : vector<16x20xf32> to vector<16x1xf32>
    %select_n3A_1765 = arith.select %gt3A_1683, %slice3A_1764, %select_n3A_1763 : vector<16x1xi1>, vector<16x1xf32>
    %select_n3A_1766 = arith.select %gt3A_1683, %slice3A_1764, %select_n3A_1762 : vector<16x1xi1>, vector<16x1xf32>
    %slice3A_1767 = vector.extract_strided_slice %get3A_21 {offsets = [0, 19], sizes = [16, 1], strides = [1, 1]} : vector<16x20xf32> to vector<16x1xf32>
    %gt3A_1768 = arith.constant 5.000000e-01 : f32
    %gt3A_1769 = vector.broadcast %gt3A_1768 : f32 to vector<16x1xf32>
    %gt3A_1770 = arith.cmpf ogt, %slice3A_1767, %gt3A_1769 : vector<16x1xf32>
    %select_n3A_1771 = arith.select %gt3A_1770, %broadcast_in_dim3A_22, %select_n3A_1765 : vector<16x1xi1>, vector<16x1xf32>
    %add3A_1772 = arith.addf %add3A_1685, %select_n3A_1771 : vector<16x1xf32>
    %select_n3A_1773 = arith.select %gt3A_1770, %broadcast_in_dim3A_22, %select_n3A_1766 : vector<16x1xi1>, vector<16x1xf32>
    %add3A_1774 = arith.addf %add3A_1687, %select_n3A_1773 : vector<16x1xf32>
    %max3A = arith.maximumf %add3A_1772, %add3A_1774 : vector<16x1xf32>
    %sub3A_1775 = arith.subf %add3A_1772, %max3A : vector<16x1xf32>
    %exp3A = math.exp %sub3A_1775 : vector<16x1xf32>
    %sub3A_1776 = arith.subf %add3A_1774, %max3A : vector<16x1xf32>
    %exp3A_1777 = math.exp %sub3A_1776 : vector<16x1xf32>
    %add3A_1778 = arith.addf %exp3A, %exp3A_1777 : vector<16x1xf32>
    %log3A_1779 = math.log %add3A_1778 : vector<16x1xf32>
    %add3A_1780 = arith.addf %max3A, %log3A_1779 : vector<16x1xf32>
    %sub3A_1781 = arith.subf %add3A_1772, %add3A_1780 : vector<16x1xf32>
    %exp3A_1782 = math.exp %sub3A_1781 : vector<16x1xf32>
    %sub3A_1783 = arith.subf %add3A_1774, %add3A_1780 : vector<16x1xf32>
    %exp3A_1784 = math.exp %sub3A_1783 : vector<16x1xf32>
    %get3A_1785 = arith.constant 0 : index
    %get3A_1786 = arith.constant 0 : index
    %get3A_1787 = vector.load %arg7[%get3A_1785, %get3A_1786] : memref<16x2xf32, #tpu.memory_space<vmem>>, vector<16x2xf32>
    %slice3A_1788 = vector.extract_strided_slice %get3A_1787 {offsets = [0, 0], sizes = [16, 1], strides = [1, 1]} : vector<16x2xf32> to vector<16x1xf32>
    %mul3A = arith.mulf %exp3A_1782, %slice3A_1788 : vector<16x1xf32>
    %slice3A_1789 = vector.extract_strided_slice %get3A_1787 {offsets = [0, 1], sizes = [16, 1], strides = [1, 1]} : vector<16x2xf32> to vector<16x1xf32>
    %mul3A_1790 = arith.mulf %exp3A_1784, %slice3A_1789 : vector<16x1xf32>
    %add3A_1791 = arith.addf %mul3A, %mul3A_1790 : vector<16x1xf32>
    %mul3A_1792 = arith.constant 6.250000e-02 : f32
    %mul3A_1793 = vector.broadcast %mul3A_1792 : f32 to vector<16x1xf32>
    %mul3A_1794 = arith.mulf %add3A_1791, %mul3A_1793 : vector<16x1xf32>
    %reduce_sum3A = vector.shape_cast %mul3A_1794 : vector<16x1xf32> to vector<1x16x1xf32>
    %reduce_sum3A_1795 = arith.constant dense<0.000000e+00> : vector<1xf32>
    %reduce_sum3A_1796 = vector.multi_reduction <add>, %reduce_sum3A, %reduce_sum3A_1795 [1, 2] : vector<1x16x1xf32> to vector<1xf32>
    %reduce_sum3A_1797 = vector.shape_cast %reduce_sum3A_1796 : vector<1xf32> to vector<1x1x1xf32>
    %reduce_sum3A_1798 = vector.extract %reduce_sum3A_1797[0, 0, 0] : f32 from vector<1x1x1xf32>
    %broadcast_in_dim3A_1799 = vector.broadcast %reduce_sum3A_1798 : f32 to vector<1x1xf32>
    %swap3A = arith.constant 0 : index
    %swap3A_1800 = arith.constant 0 : index
    %swap3A_1801 = vector.load %arg8[%swap3A, %swap3A_1800] : memref<1x1xf32, #tpu.memory_space<vmem>>, vector<1x1xf32>
    tpu.vector_store %arg8[%swap3A, %swap3A_1800], %broadcast_in_dim3A_1799 {strides = array<i32>} : memref<1x1xf32, #tpu.memory_space<vmem>>, vector<1x1xf32>,
    return
  }
}

</mosaic_0001>

<sc_bundles>
// kernel: kernel.4.cloned.1.call-start
scs
__scs_entry_jumppad:
0x0: {  	(pc) =	sbr.rel $0x88, $3  }
0x1: {  	(tag) =	ssettag $0x0;
	lr =	simm.s32 $0x1  }
0x2: {  	[smem:$0x3F9E] =	sst lr;
	_ =	strace $0xD0000000  }
0x3: {  	_ = 	snop  }
0x4: {  	_ = 	snop  }
0x5: {  	_ = 	snop  }
0x6: {  	_ = 	snop  }
0x7: {  	_ = 	snop  }
__scs_overlays_trampoline_lowered:
0x8: {  	[smem:$0x3FAD] =	sst s0  }
0x9: {  	[smem:$0x3FAE] =	sst s1  }
0xa: {  	[smem:$0x3FAF] =	sst s2  }
0xb: {  	[smem:$0x3FB0] =	sst s3  }
0xc: {  	[smem:$0x3FB1] =	sst s4  }
0xd: {  	[smem:$0x3FB2] =	sst s5  }
0xe: {  	[smem:$0x3FB3] =	sst s6  }
0xf: {  	[smem:$0x3FB4] =	sst s7  }
0x10: {  	[smem:$0x3FB5] =	sst s8  }
0x11: {  	[smem:$0x3FB6] =	sst s9;
	s0 =	simm.s32 @!p0 $0x0  }
0x12: {  	s1 =	sld [smem:$0x3F9C];
	s0 =	simm.s32 @p0 $0x1  }
0x13: {  	[smem:$0x3FB7] =	sst s0;
	s0 =	simm.s32 @!p1 $0x0  }
0x14: {  	s2 =	sld [smem:$0x3F9B];
	s0 =	simm.s32 @p1 $0x1  }
0x15: {  	[smem:$0x3FB8] =	sst s0;
	s0 =	simm.s32 @!p2 $0x0  }
0x16: {  	s3 =	sld [smem:$0x3FDB];
	s0 =	simm.s32 @p2 $0x1  }
0x17: {  	s4 =	simm.s32 $0x1BF5;
	[smem:$0x3FBA] =	sst s0  }
0x18: {  	s0 =	sld [smem:$0x3F9D];
	_ =	swait.ge [sflag:s4], $0x0  }
0x19: {  	s7 =	sld [smem:$0x3F9E]  }
0x1a: {  	s8 =	sadd.s32 $0xFFFFE003, lr  }
0x1b: {  	s9 =	sadd.s32 $0xFFFFFEF7, lr;
	s5 =	simm.s32 $0xFFFFFFFF;
	p2 =	slt.u32 s8, $0xFFFFF086  }
0x1c: {  	p1 =	slt.u32 s9, $0xF7A;
	s5 =	simm.s32 @!p2 $0x0  }
0x1d: {  	s5 =	simm.s32 @p1 $0x1;
	p0 =	seq.s32 s7, s2  }
0x1e: {  	s7 =	smul.u32 @!p0 $0xF7A, s2;
	p2 =	seq.s32 @!p0 s5, $0x0  }
0x1f: {  	s9 =	smul.u32 $0xF7A, s1;
	s8 =	simm.s32 @!p0 $0x1BF5;
	p2 =	por !p2, p0  }
0x20: {  	[sflag:s8] =	ssyncset.s32 @!p0 $0xFFFFF086;
	s6 =	sadd.s32 @!p0 s3, s7;
	s7 =	simm.s32 @!p0 $0x108  }
0x21: {  	s3 =	sadd.s32 s3, s9;
	s6 =	sadd.s32 @!p0 $0x88, s6;
	s7 =	simm.s32 @p2 $0x1082  }
0x22: {  	[simem:s7], [sflag:s8] =	dma.local @!p0 [hbm:s6], $0xF7A  }
0x23: {  	s9 =	sor.u32 $0xD0000000, s2;
	s6 =	simm.s32 $0x108;
	_ =	swait.ge @!p0 [sflag:s8], $0x0  }
0x24: {  	s3 =	sadd.s32 $0x88, s3;
	s6 =	simm.s32 @!p1 $0x1082;
	[sflag:s4] =	ssyncset.s32 $0xFFFFF086  }
0x25: {  	[simem:s6], [sflag:s4] =	dma.local [hbm:s3], $0xF7A  }
0x26: {  	[smem:$0x3F9E] =	sst s1;
	(tag) =	ssettag s2;
	_ =	strace s9  }
0x27: {  	s1 =	sld [smem:$0x3FAE]  }
0x28: {  	s2 =	sld [smem:$0x3FAF]  }
0x29: {  	s4 =	sld [smem:$0x3FB1]  }
0x2a: {  	p0 =	seq.s32 s5, $0x0;
	s5 =	sld [smem:$0x3FB2]  }
0x2b: {  	s6 =	sld [smem:$0x3FB3]  }
0x2c: {  	s7 =	sld [smem:$0x3FB4]  }
0x2d: {  	s3 =	simm.s32 $0x108;
	s8 =	sld [smem:$0x3FB5]  }
0x2e: {  	s3 =	simm.s32 @!p0 $0x1082;
	s9 =	sld [smem:$0x3FB6]  }
0x2f: {  	lr =	sadd.s32 s0, s3;
	s0 =	sld [smem:$0x3FAD]  }
0x30: {  	s3 =	sld [smem:$0x3FB0]  }
0x31: {  	[smem:$0x3FB9] =	sst s10  }
0x32: {  	s10 =	sld [smem:$0x3FB7];
	_ =	sdelay $0x3  }
0x33: {  	p0 =	seq.s32 s10, $0x1;
	s10 =	sld [smem:$0x3FB9];
	_ =	sdelay $0x3  }
0x34: {  	[smem:$0x3FB9] =	sst s10  }
0x35: {  	s10 =	sld [smem:$0x3FB8];
	_ =	sdelay $0x3  }
0x36: {  	p1 =	seq.s32 s10, $0x1;
	s10 =	sld [smem:$0x3FB9];
	_ =	sdelay $0x3  }
0x37: {  	[smem:$0x3FB9] =	sst s10  }
0x38: {  	s10 =	sld [smem:$0x3FBA]  }
0x39: {  	_ = 	snop;
	(pc) =	sbr.ind lr, $3  }
0x3a: {  	_ = 	snop  }
0x3b: {  	_ = 	snop  }
0x3c: {  	p2 =	seq.s32 s10, $0x1;
	s10 =	sld [smem:$0x3FB9]  }
0x3d: {  	_ =	shalt  }
0x3e: {  	_ =	shalt  }
0x3f: {  	_ =	shalt  }
0x40: {  	_ =	shalt  }
0x41: {  	_ =	shalt  }
0x42: {  	_ =	shalt  }
0x43: {  	_ =	shalt  }
0x44: {  	_ =	shalt  }
0x45: {  	_ =	shalt  }
0x46: {  	_ =	shalt  }
0x47: {  	_ =	shalt  }
0x48: {  	_ =	shalt  }
0x49: {  	_ =	shalt  }
0x4a: {  	_ =	shalt  }
0x4b: {  	_ =	shalt  }
0x4c: {  	_ =	shalt  }
0x4d: {  	_ =	shalt  }
0x4e: {  	_ =	shalt  }
0x4f: {  	_ =	shalt  }
0x50: {  	_ =	shalt  }
0x51: {  	_ =	shalt  }
0x52: {  	_ =	shalt  }
0x53: {  	_ =	shalt  }
0x54: {  	_ =	shalt  }
0x55: {  	_ =	shalt  }
0x56: {  	_ =	shalt  }
0x57: {  	_ =	shalt  }
0x58: {  	_ =	shalt  }
0x59: {  	_ =	shalt  }
0x5a: {  	_ =	shalt  }
0x5b: {  	_ =	shalt  }
0x5c: {  	_ =	shalt  }
0x5d: {  	_ =	shalt  }
0x5e: {  	_ =	shalt  }
0x5f: {  	_ =	shalt  }
0x60: {  	_ =	shalt  }
0x61: {  	_ =	shalt  }
0x62: {  	_ =	shalt  }
0x63: {  	_ =	shalt  }
0x64: {  	_ =	shalt  }
0x65: {  	_ =	shalt  }
0x66: {  	_ =	shalt  }
0x67: {  	_ =	shalt  }
0x68: {  	_ =	shalt  }
0x69: {  	_ =	shalt  }
0x6a: {  	_ =	shalt  }
0x6b: {  	_ =	shalt  }
0x6c: {  	_ =	shalt  }
0x6d: {  	_ =	shalt  }
0x6e: {  	_ =	shalt  }
0x6f: {  	_ =	shalt  }
0x70: {  	_ =	shalt  }
0x71: {  	_ =	shalt  }
0x72: {  	_ =	shalt  }
0x73: {  	_ =	shalt  }
0x74: {  	_ =	shalt  }
0x75: {  	_ =	shalt  }
0x76: {  	_ =	shalt  }
0x77: {  	_ =	shalt  }
0x78: {  	_ =	shalt  }
0x79: {  	_ =	shalt  }
0x7a: {  	_ =	shalt  }
0x7b: {  	_ =	shalt  }
0x7c: {  	_ =	shalt  }
0x7d: {  	_ =	shalt  }
0x7e: {  	_ =	shalt  }
0x7f: {  	_ =	shalt  }
0x80: {  	_ =	shalt  }
0x81: {  	_ =	shalt  }
0x82: {  	_ =	shalt  }
0x83: {  	_ =	shalt  }
0x84: {  	_ =	shalt  }
0x85: {  	_ =	shalt  }
0x86: {  	_ =	shalt  }
0x87: {  	_ =	shalt  }
.Lfunc_end0:
.L_simem_size_0:
called_computation_lowered:
.L_overlay_start_0:
0x88: {  	s2 =	sld [smem:$0x3FD9]  }
0x89: {  	s3 =	sld [smem:$0x3FFE];
	_ =	sdelay $0x1  }
0x8a: {  	s1 =	srdreg.scid  }
0x8b: {  	s0 =	sand.u32 $0x1, s1  }
0x8c: {  	s16 =	sshll.u32 s0, $0xA;
	s2 =	sadd.s32 s3, s2  }
0x8d: {  	s2 =	sadd.s32 s2, s16  }
0x8e: {  	[smem:$0x3FC5] =	sst s2  }
0x8f: {  	_ = 	snop  }
0x90: {  	(tm) =	ssettm $0x1  }
0x91: {  	s17 =	sld [smem:$0x3FFB];
	_ =	sdelay $0x3  }
0x92: {  	_ =	strace s17  }
0x93: {  	s2 =	sld [smem:$0x3FFC];
	_ =	sdelay $0x3  }
0x94: {  	_ =	strace s2  }
0x95: {  	s2 =	sld [smem:$0x3FFD];
	_ =	sdelay $0x3  }
0x96: {  	_ =	strace s2  }
0x97: {  	_ =	strace $0x8FFFFFFF  }
0x98: {  	s18 =	sld [smem:$0x3FDB];
	_ =	sdelay $0x1  }
0x99: {  	s19 =	simm.s32 $_scs_section_size  }
0x9a: {  	s4 =	simm.s32 $_size__tile_overlayer_lowered;
	s5 =	simm.s32 $_tile_overlayer_lowered  }
0x9b: {  	s22 =	simm.s32 $0x1BFF;
	s21 =	sshll.u32 s5, $0x1;
	s2 =	sadd.s32 s19, s18  }
0x9c: {  	s6 =	simm.s32 $0x0;
	s20 =	sshll.u32 s4, $0x1;
	s4 =	sadd.s32 s21, s2  }
0x9d: {  	[timem:s6], [sflag:s22] =	dma.local [hbm:s4], s20  }
0x9e: {  	_ =	swait.ge [sflag:s22], s20  }
0x9f: {  	s3 =	ssub.s32 $0x0, s20;
	[sflag:s22] =	ssyncset.done $0x0  }
0xa0: {  	[sflag:s22] =	ssyncadd.s32 s3;
	_ =	sdelay $0x1  }
0xa1: {  	s23 =	simm.s32 $0x1B8B  }
0xa2: {  	_ =	swait.ge [sflag:s23], $0x1  }
0xa3: {  	[sflag:s23] =	ssyncset.done $0x0  }
0xa4: {  	s25 =	simm.s32 $0x1B8E;
	s24 =	sld [smem:$0x3FFE];
	[sflag:s23] =	ssyncadd.s32 $0xFFFFFFFF  }
0xa5: {  	s26 =	simm.s32 $execute0_lowered;
	[smem:$0x3FD2] =	sst s25  }
0xa6: {  	s4 =	sshll.u32 s26, $0x1;
	_ =	strace $0x80000046;
	[dreg:$0x1] =	wrdreg $0xFFFFFFFF  }
0xa7: {  	s28 =	simm.s32 $_size_execute0_lowered;
	s2 =	sadd.s32 s2, s4;
	[dreg:$0x0] =	wrdreg $0x0  }
0xa8: {  	s4 =	sshll.u32 s28, $0x1;
	[dreg:$0x2] =	wrdreg s2  }
0xa9: {  	[dreg:$0x3] =	wrdreg s4  }
0xaa: {  	[dreg:$0x4] =	wrdreg $0xC0  }
0xab: {  	_ =	task [dreg:s6], $0x5FFFF  }
0xac: {  	[dreg:$0x1] =	wrdreg $0xFFFFFFFF  }
0xad: {  	[dreg:$0x0] =	wrdreg $0x60  }
0xae: {  	[dreg:$0x2] =	wrdreg s24  }
0xaf: {  	[dreg:$0x3] =	wrdreg $0x9  }
0xb0: {  	_ =	task.clear_ibuf [dreg:s6], $0x4FFFF;
	_ =	strace $0x90000046  }
0xb1: {  	s29 =	simm.s32 $0x9;
	_ =	strace $0x80000048  }
0xb2: {  	_ =	swait.ge [sflag:s29], $0x1  }
0xb3: {  	[sflag:s29] =	ssyncadd.s32 $0xFFFFFFFF  }
0xb4: {  	_ =	strace $0x90000048  }
0xb5: {  	_ =	sfence  }
0xb6: {  	s30 =	sld [smem:$0x0];
	_ =	sdelay $0x2  }
0xb7: {  	s31 =	sshll.u32 s1, $0xD;
	s1 =	sshrl.u32 s1, $0x2  }
0xb8: {  	s3 =	sand.u32 $0x4000, s31;
	s1 =	sadd.s32 s1, s30  }
0xb9: {  	s0 =	sor.u32 s3, s0;
	s1 =	sshll.u32 s1, $0x11  }
0xba: {  	s0 =	sor.u32 s1, s0  }
0xbb: {  	s0 =	sadd.s32 $0x8F2B, s0  }
0xbc: {  	[sflag:s0] =	ssyncadd.remote.s32 $0x1  }
0xbd: {  	_ =	sfence.sel $0xFFFF  }
0xbe: {  	[dreg:$0x0] =	wrdreg $0xFFFFFFFF;
	(pc) =	sbr.abs _section_cstart, $3  }
0xbf: {  	[dreg:$0x1] =	wrdreg $0xFFFFFFFF  }
0xc0: {  	_ =	task.clear_ibuf [dreg:s6], $0x2FFFF;
	_ =	strace $0x9FFFFFFF  }
0xc1: {  	(tm) =	ssettm $0x7FFFFFFF  }
tec
execute0_lowered:
.L_overlay_start_1:
0x0: {  	(tag) =	ssettag $0x1  }
0x1: {  	v0 =	vimm.f32 $1.500000000e+01;
	vm0 =	vcmask $0x300  }
0x2: {  	v0 =	vsel vm0, $0x0, v0;
	vm0 =	vcmask $0x704  }
0x3: {  	v0 =	vsel vm0, $0x3F800000, v0;
	vm0 =	vcmask $0xB08  }
0x4: {  	v0 =	vsel vm0, $0x40000000, v0;
	vm0 =	vcmask $0xF0C  }
0x5: {  	v0 =	vsel vm0, $0x40400000, v0;
	vm0 =	vcmask $0x1310  }
0x6: {  	v0 =	vsel vm0, $0x40800000, v0;
	vm0 =	vcmask $0x1714  }
0x7: {  	vm1 =	vcmask $0x1B18;
	v0 =	vsel vm0, $0x40A00000, v0  }
0x8: {  	s1 =	srdreg.scid;
	v0 =	vsel vm1, $0x40C00000, v0;
	vm1 =	vcmask $0x1F1C  }
0x9: {  	s0 =	stileid.u32;
	s4 =	rddreg [dreg:$0x0];
	v0 =	vsel vm1, $0x40E00000, v0;
	vm1 =	vcmask $0x2320  }
0xa: {  	s2 =	simm.s32 $0x0;
	s8 =	simm.s32 $0x400;
	s9 =	simm.s32 $0x1;
	v0 =	vsel vm1, $0x41000000, v0;
	vm1 =	vcmask $0x2724  }
0xb: {  	s10 =	simm.s32 $0x18700;
	s3 =	sand.u32 $0x1, s1;
	s5 =	sshll.u32 s0, $0x1;
	v0 =	vsel vm1, $0x41100000, v0;
	vm1 =	vcmask $0x2B28  }
0xc: {  	s11 =	simm.s32 $0x0;
	s1 =	rddreg [dreg:$0x1];
	s5 =	sor.u32 s3, s5;
	v0 =	vsel vm1, $0x41200000, v0;
	vm1 =	vcmask $0x2F2C  }
0xd: {  	[smem:$0x7FF] =	sst s2;
	s7 =	ssub.s32 $0x2, s3;
	s6 =	smul.u32 $0x14, s5;
	v0 =	vsel vm1, $0x41300000, v0;
	vm1 =	vcmask $0x3330  }
0xe: {  	_ =	strace $0x80000047;
	s3 =	sadd.s32 $0xA00, s4;
	s31 =	sshrl.u32 s7, $0x1;
	v0 =	vsel vm1, $0x41400000, v0;
	vm1 =	vcmask $0x3734  }
0xf: {  	vm2 =	vcmask $0x718;
	s7 =	ssub.s32 s7, s31;
	s6 =	sadd.s32 s6, s4;
	s4 =	smul.u32 $0xA, s5;
	v0 =	vsel vm1, $0x41500000, v0;
	vm1 =	vcmask $0x3B38  }
0x10: {  	v1 =	vlaneseq.u32;
	s5 =	sadd.s32 $0x495A00, s6;
	s6 =	smax.u32 s7, $0x1;
	s7 =	simm.s32 $0x80;
	v0 =	vsel vm1, $0x41600000, v0;
	vm1 =	vcmask $0x318  }
.LBB2_1:
0x11: {  	s12 =	simm.s32 $0x0  }
.LBB2_2:
0x12: {  	s13 =	sadd.s32 s4, s12  }
0x13: {  	s14 =	smulhi.u32 $0xCCCCCCCD, s13;
	_ =	sdelay $0x1  }
0x14: {  	s14 =	sshrl.u32 s14, $0x4  }
0x15: {  	s15 =	smul.u32 $0x14, s14;
	_ =	sdelay $0x1  }
0x16: {  	s13 =	ssub.s32 s13, s15  }
0x17: {  	s14 =	smul.u32 $0x24A800, s14;
	s15 =	sshrl.u32 s13, $0x3  }
0x18: {  	s15 =	smul.u32 $0xC3800, s15  }
0x19: {  	s13 =	sshll.u32 s13, $0x7  }
0x1a: {  	s13 =	sand.u32 $0x380, s13;
	s14 =	sadd.s32 s14, s15  }
0x1b: {  	s13 =	sor.u32 s13, s14  }
0x1c: {  	s13 =	sshrl.u32 s13, $0x3  }
0x1d: {  	s16 =	simm.s32 $0x0;
	s13 =	sadd.s32 s3, s13  }
0x1e: {  	[tilespmem:s16], [sflag:$0x1] =	stream.strided.gather [hbm4b:s13+s7], $0x18700, s8, s7, $0x38;
	[tilespmem:$0x18800] =	vst v63  }
0x1f: {  	s18 =	simm.s32 $0x50;
	_ =	swait.ge [sflag:s9], $0x18700  }
0x20: {  	s17 =	simm.s32 $0x19;
	s15 =	simm.s32 $0x19;
	[sflag:s9] =	ssyncset.done $0x0  }
0x21: {  	v2 =	vimm.f32 $0.0e+00;
	s14 =	simm.f32 $-Inf;
	s13 =	simm.f32 $-Inf;
	[sflag:s9] =	ssyncadd.s32 $0xFFFE7900  }
.LBB2_3:
0x22: {  	v3 =	vmov s18;
	_ =	sdelay $0x3  }
0x23: {  	s19 =	simm.s32 $0x0  }
0x24: {  	v6 =	vld.idx.msk [tilespmem:v3+s19+$0xFFFFFFB0 ss:$0x1], $0xffff;
	_ =	sdelay $0x1  }
0x25: {  	v7 =	vld.idx.msk [tilespmem:v3+s19+$0xFFFFFFC0 ss:$0x1], $0xffff;
	_ =	sdelay $0x1  }
0x26: {  	v8 =	vld.idx.msk [tilespmem:v3+s19+$0xFFFFFFD0 ss:$0x1], $0xffff  }
0x27: {  	v4 =	vmul.f32 $1.442695020e+00, v6  }
0x28: {  	v9 =	vld.idx.msk [tilespmem:v3+s19+$0xFFFFFFE0 ss:$0x1], $0xffff  }
0x29: {  	v10 =	vld.idx.msk [tilespmem:v3+s19+$0xFFFFFFF0 ss:$0x1], $0xffff;
	v5 =	vmul.f32 $1.442695020e+00, v7;
	(erf) = vpow2.f32 v4;
	_ =	sdelay $0x1  }
0x2a: {  	v11 =	vld.idx.msk [tilespmem:v3+s19+$0x0 ss:$0x1], $0xffff;
	v4 =	vmul.f32 $1.442695020e+00, v8;
	(erf) = vpow2.f32 v5;
	_ =	sdelay $0x1  }
0x2b: {  	v13 =	vmul.f32 $1.442695020e+00, v9;
	(erf) = vpow2.f32 v4  }
0x2c: {  	v12 =	vld.idx.msk [tilespmem:v3+s19+$0x10 ss:$0x1], $0xffff;
	v14 =	vmul.f32 $1.442695020e+00, v10  }
0x2d: {  	(erf) = vpow2.f32 v13  }
0x2e: {  	v16 =	vmul.f32 $1.442695020e+00, v11;
	v5 =	vld.idx.msk [tilespmem:v3+s19+$0x20 ss:$0x1], $0xffff  }
0x2f: {  	(erf) = vpow2.f32 v14  }
0x30: {  	v4 =	vld.idx.msk [tilespmem:v3+s19+$0x30 ss:$0x1], $0xffff;
	v14 =	vpop (erf)  }
0x31: {  	(erf) = vpow2.f32 v16;
	v15 =	vadd.f32 v14, v2;
	v14 =	vmul.f32 $1.442695020e+00, v12  }
0x32: {  	s20 =	simm.s32 $0x500;
	v13 =	vimm.f32 $-Inf;
	v2 =	vld.idx.msk [tilespmem:v3+s19+$0x40 ss:$0x1], $0xffff;
	s19 =	simm.s32 $0xA0;
	v16 =	vpop (erf)  }
.LBB2_4:
0x33: {  	p0 =	sne.s32 s20, $0x3C00;
	v17 =	vld.idx.msk [tilespmem:v3+s19+$0xFFFFFFB0 ss:$0x1], $0xffff;
	v15 =	vadd.f32 v16, v15;
	v16 =	vmul.f32 $1.442695020e+00, v5;
	(erf) = vpow2.f32 v14  }
0x34: {  	v14 =	vld.idx.msk [tilespmem:v3+s19+$0xFFFFFFC0 ss:$0x1], $0xffff;
	v18 =	vpop (erf)  }
0x35: {  	v15 =	vadd.f32 v18, v15;
	v18 =	vmul.f32 $1.442695020e+00, v4;
	(erf) = vpow2.f32 v16  }
0x36: {  	v16 =	vld.idx.msk [tilespmem:v3+s19+$0xFFFFFFD0 ss:$0x1], $0xffff;
	v19 =	vpop (erf)  }
0x37: {  	v15 =	vadd.f32 v19, v15;
	v19 =	vmul.f32 $1.442695020e+00, v2;
	(erf) = vpow2.f32 v18  }
0x38: {  	v18 =	vld.idx.msk [tilespmem:v3+s19+$0xFFFFFFE0 ss:$0x1], $0xffff;
	v20 =	vpop (erf)  }
0x39: {  	v23 =	vmul.f32 $1.442695020e+00, v17;
	v15 =	vadd.f32 v20, v15;
	(erf) = vpow2.f32 v19  }
0x3a: {  	v13 =	vmax.f32 v13, v6;
	v6 =	vmov v17;
	v19 =	vmul.f32 $1.442695020e+00, v14;
	v20 =	vld.idx.msk [tilespmem:v3+s19+$0xFFFFFFF0 ss:$0x1], $0xffff;
	v22 =	vpop (erf)  }
0x3b: {  	v13 =	vmax.f32 v13, v7;
	v7 =	vmovc v14;
	(erf) = vpow2.f32 v23;
	v15 =	vadd.f32 v22, v15  }
0x3c: {  	v13 =	vmax.f32 v13, v8;
	v14 =	vmul.f32 $1.442695020e+00, v16;
	v8 =	vmov v16;
	v17 =	vld.idx.msk [tilespmem:v3+s19+$0x0 ss:$0x1], $0xffff;
	v21 =	vpop (erf)  }
0x3d: {  	(erf) = vpow2.f32 v19;
	v19 =	vmax.f32 v13, v9;
	v13 =	vadd.f32 v21, v15  }
0x3e: {  	v15 =	vmul.f32 $1.442695020e+00, v18;
	v9 =	vmov v18;
	v22 =	vmax.f32 v19, v10;
	v16 =	vpop (erf)  }
0x3f: {  	v18 =	vld.idx.msk [tilespmem:v3+s19+$0x10 ss:$0x1], $0xffff;
	(erf) = vpow2.f32 v14;
	v19 =	vmax.f32 v22, v11;
	v21 =	vadd.f32 v16, v13  }
0x40: {  	v13 =	vmul.f32 $1.442695020e+00, v20;
	v10 =	vmov v20;
	v12 =	vmax.f32 v19, v12;
	v14 =	vpop (erf)  }
0x41: {  	(erf) = vpow2.f32 v15;
	v12 =	vmax.f32 v12, v5;
	v5 =	vld.idx.msk [tilespmem:v3+s19+$0x20 ss:$0x1], $0xffff;
	v14 =	vadd.f32 v14, v21  }
.Ltmp0:
0x42: {  	v16 =	vmul.f32 $1.442695020e+00, v17;
	v11 =	vmov v17;
	v12 =	vmax.f32 v12, v4;
	v15 =	vpop (erf);
	(pc) =	sbr.rel @p0 .LBB2_4-.Ltmp0, $4  }
0x43: {  	v4 =	vld.idx.msk [tilespmem:v3+s19+$0x30 ss:$0x1], $0xffff;
	(erf) = vpow2.f32 v13;
	v14 =	vadd.f32 v15, v14;
	v13 =	vmax.f32 v12, v2  }
0x44: {  	v2 =	vpop (erf)  }
0x45: {  	v15 =	vadd.f32 v2, v14;
	v14 =	vmul.f32 $1.442695020e+00, v18;
	v2 =	vld.idx.msk [tilespmem:v3+s19+$0x40 ss:$0x1], $0xffff;
	(erf) = vpow2.f32 v16;
	v12 =	vmovc v18  }
0x46: {  	s19 =	sshra.s32 s20, $0x2;
	s20 =	sadd.s32 $0x280, s20;
	v16 =	vpop (erf)  }
0x47: {  	v6 =	vmax.f32 v13, v6  }
0x48: {  	v6 =	vmax.f32 v6, v7  }
0x49: {  	v6 =	vmax.f32 v6, v8  }
0x4a: {  	v6 =	vmax.f32 v6, v9  }
0x4b: {  	v6 =	vmax.f32 v6, v10  }
0x4c: {  	v31 =	vld.idx.msk [tilespmem:v3+s19+$0xFFFFFFB0 ss:$0x1], $0xffff;
	v6 =	vmax.f32 v6, v11  }
0x4d: {  	v32 =	vld.idx.msk [tilespmem:v3+s19+$0xFFFFFFC0 ss:$0x1], $0xffff;
	v6 =	vmax.f32 v6, v12  }
0x4e: {  	v33 =	vld.idx.msk [tilespmem:v3+s19+$0xFFFFFFD0 ss:$0x1], $0xffff;
	v6 =	vmax.f32 v6, v5  }
0x4f: {  	v34 =	vld.idx.msk [tilespmem:v3+s19+$0xFFFFFFE0 ss:$0x1], $0xffff;
	v6 =	vmax.f32 v6, v4  }
0x50: {  	v35 =	vld.idx.msk [tilespmem:v3+s19+$0xFFFFFFF0 ss:$0x1], $0xffff;
	v6 =	vmax.f32 v6, v2  }
0x51: {  	v36 =	vld.idx.msk [tilespmem:v3+s19+$0x0 ss:$0x1], $0xffff;
	v6 =	vmax.f32 v6, v31  }
0x52: {  	v37 =	vld.idx.msk [tilespmem:v3+s19+$0x10 ss:$0x1], $0xffff;
	v6 =	vmax.f32 v6, v32  }
0x53: {  	v17 =	vld.idx.msk [tilespmem:v3+s19+$0x20 ss:$0x1], $0xffff;
	v6 =	vmax.f32 v6, v33  }
0x54: {  	v18 =	vld.idx.msk [tilespmem:v3+s19+$0x30 ss:$0x1], $0xffff;
	v6 =	vmax.f32 v6, v34  }
0x55: {  	v3 =	vld.idx.msk [tilespmem:v3+s19+$0x40 ss:$0x1], $0xffff;
	v6 =	vmax.f32 v6, v35  }
0x56: {  	v6 =	vmax.f32 v6, v36  }
0x57: {  	v40 =	vmax.f32 v6, v37  }
0x58: {  	v38 =	vmul.f32 $1.442695020e+00, v5;
	v5 =	vmax.f32 v40, v17  }
0x59: {  	v5 =	vmax.f32 v5, v18  }
0x5a: {  	v15 =	vadd.f32 v16, v15;
	(erf) = vpow2.f32 v14;
	v43 =	vmax.f32 v5, v3  }
0x5b: {  	v39 =	vpop (erf);
	v41 =	vmul.f32 $1.442695020e+00, v4;
	(xrf0) =	vmax.scan.msk.f32 $0xffff, v43  }
0x5c: {  	v14 =	vadd.f32 v39, v15;
	(erf) = vpow2.f32 v38;
	v2 =	vmul.f32 $1.442695020e+00, v2  }
0x5d: {  	v42 =	vpop (erf)  }
0x5e: {  	(erf) = vpow2.f32 v41;
	v6 =	vadd.f32 v42, v14  }
0x5f: {  	v44 =	vpop (erf)  }
0x60: {  	v45 =	vmul.f32 $1.442695020e+00, v31;
	(erf) = vpow2.f32 v2;
	v2 =	vpop (erf);
	v5 =	vadd.f32 v44, v6  }
0x61: {  	v46 =	vmul.f32 $1.442695020e+00, v32;
	v51, _, _ =	vpop (xrf0)  }
0x62: {  	(erf) = vpow2.f32 v45;
	v2 =	vadd.f32 v2, v5;
	(v2sf) =	vpush v51, $0xF  }
0x63: {  	v47 =	vpop (erf)  }
0x64: {  	v48 =	vmul.f32 $1.442695020e+00, v33;
	(erf) = vpow2.f32 v46;
	v2 =	vadd.f32 v47, v2  }
0x65: {  	v49 =	vpop (erf)  }
0x66: {  	v50 =	vmul.f32 $1.442695020e+00, v34;
	(erf) = vpow2.f32 v48;
	v2 =	vadd.f32 v49, v2  }
0x67: {  	v52 =	vpop (erf)  }
0x68: {  	v53 =	vmul.f32 $1.442695020e+00, v35;
	(erf) = vpow2.f32 v50;
	v2 =	vadd.f32 v52, v2  }
0x69: {  	v54 =	vpop (erf)  }
0x6a: {  	v55 =	vmul.f32 $1.442695020e+00, v36;
	(erf) = vpow2.f32 v53;
	v2 =	vadd.f32 v54, v2  }
0x6b: {  	v56 =	vpop (erf)  }
0x6c: {  	v57 =	vmul.f32 $1.442695020e+00, v37;
	(erf) = vpow2.f32 v55;
	v2 =	vadd.f32 v56, v2  }
0x6d: {  	v58 =	vpop (erf)  }
0x6e: {  	v59 =	vmul.f32 $1.442695020e+00, v17;
	(erf) = vpow2.f32 v57;
	v2 =	vadd.f32 v58, v2  }
0x6f: {  	v60 =	vpop (erf)  }
0x70: {  	v61 =	vmul.f32 $1.442695020e+00, v18;
	(erf) = vpow2.f32 v59;
	v2 =	vadd.f32 v60, v2  }
0x71: {  	v3 =	vmul.f32 $1.442695020e+00, v3;
	v62 =	vpop (erf);
	s19 =	spop (v2sf)  }
0x72: {  	(erf) = vpow2.f32 v61;
	v2 =	vadd.f32 v62, v2;
	p0 =	sgt.f32 s19, s14  }
0x73: {  	v63 =	vpop (erf);
	s20 =	smov.u32 s19  }
0x74: {  	s21 =	smov.u32 s16;
	(erf) = vpow2.f32 v3;
	v2 =	vadd.f32 v63, v2;
	s20 =	smov.u32 @p0 s14  }
0x75: {  	v3 =	vpop (erf);
	s21 =	smov.u32 @p0 s17;
	p1 =	seq.f32 s20, s13  }
0x76: {  	v2 =	vadd.f32 v3, v2;
	p2 =	slt.s32 s21, s15  }
0x77: {  	v3 =	vpop (erf);
	p6 =	sgt.f32 s20, s13;
	p1 =	por !p1, !p2  }
0x78: {  	v2 =	vadd.f32 v3, v2;
	s17 =	smov.u32 @p0 s16;
	s16 =	sadd.s32 $0x1, s16;
	p1 =	por !p1, !p1  }
0x79: {  	v3 =	vpop (erf);
	s14 =	smov.u32 @p0 s19;
	p0 =	por p6, p1;
	p1 =	sne.s32 s16, $0x19  }
.Ltmp1:
0x7a: {  	v2 =	vadd.f32 v3, v2;
	(pc) =	sbr.rel @p1 .LBB2_3-.Ltmp1, $4  }
0x7b: {  	v3 =	vpop (erf)  }
0x7c: {  	v2 =	vadd.f32 v3, v2  }
0x7d: {  	v3 =	vpop (erf)  }
0x7e: {  	s18 =	sadd.s32 $0xFA0, s18;
	v2 =	vadd.f32 v3, v2;
	s13 =	smov.u32 @p0 s20;
	s15 =	smov.u32 @p0 s21  }
0x7f: {  	p0 =	slt.s32 s17, $0x18  }
0x80: {  	s17 =	simm.s32 @!p0 $0x18  }
0x81: {  	s16 =	smul.u32 $0x3E80, s17;
	_ =	sdelay $0x1  }
0x82: {  	s16 =	sshra.s32 s16, $0x2  }
0x83: {  	s17 =	smul.u32 $0xFA0, s17;
	s16 =	sadd.s32 $0x50, s16  }
0x84: {  	v4 =	vmov s16  }
0x85: {  	s30 =	scvt.s32.f32 s17;
	_ =	sdelay $0x1  }
0x86: {  	v3 =	vadd.f32 s30, v0  }
0x87: {  	s31 =	simm.s32 $0x0  }
0x88: {  	v5 =	vadd.f32 $1.600000000e+01, v3;
	v6 =	vld.idx.msk [tilespmem:v4+s31+$0xFFFFFFB0 ss:$0x1], $0xffff;
	_ =	sdelay $0x1  }
0x89: {  	v7 =	vadd.f32 $1.600000000e+01, v5  }
0x8a: {  	v8 =	vld.idx.msk [tilespmem:v4+s31+$0xFFFFFFC0 ss:$0x1], $0xffff  }
0x8b: {  	v9 =	vimm.f32 $-Inf;
	v10 =	vadd.f32 $1.600000000e+01, v7  }
0x8c: {  	vm3 =	vgt.f32 v6, v9  }
0x8d: {  	v12 =	vimm.f32 $1.073741820e+09;
	v13 =	vadd.f32 $1.600000000e+01, v10;
	v14 =	vsel vm3, v9, v6  }
0x8e: {  	v11 =	vld.idx.msk [tilespmem:v4+s31+$0xFFFFFFD0 ss:$0x1], $0xffff;
	v15 =	vsel vm3, v12, v3;
	v6 =	vsel vm3, v6, v9;
	v3 =	vsel vm3, v3, v12  }
0x8f: {  	vm3 =	veq.f32 v14, v9;
	vm4 =	vgt.f32 v8, v6;
	vm5 =	vlt.f32 v15, v12  }
0x90: {  	vm6 =	vgt.f32 v14, v9;
	v16 =	vsel vm4, v8, v6;
	vm3 =	vmand vm3, vm5  }
0x91: {  	v17 =	vsel vm4, v3, v5;
	v6 =	vsel vm4, v6, v8;
	vm3 =	vmor vm6, vm3  }
0x92: {  	v8 =	vld.idx.msk [tilespmem:v4+s31+$0xFFFFFFE0 ss:$0x1], $0xffff;
	v3 =	vsel vm4, v5, v3;
	v9 =	vsel vm3, v14, v9;
	v12 =	vsel vm3, v15, v12  }
0x93: {  	vm5 =	vgt.f32 v11, v16;
	vm3 =	veq.f32 v6, v9;
	vm4 =	vlt.f32 v17, v12  }
0x94: {  	v5 =	vsel vm5, v11, v16;
	vm6 =	vgt.f32 v6, v9;
	vm3 =	vmand vm3, vm4  }
0x95: {  	v14 =	vsel vm5, v7, v3;
	v3 =	vsel vm5, v3, v7;
	v7 =	vld.idx.msk [tilespmem:v4+s31+$0xFFFFFFF0 ss:$0x1], $0xffff;
	vm3 =	vmor vm6, vm3  }
0x96: {  	v11 =	vsel vm5, v16, v11;
	v6 =	vsel vm3, v6, v9;
	v9 =	vsel vm3, v17, v12  }
0x97: {  	vm3 =	vgt.f32 v8, v5;
	vm4 =	veq.f32 v11, v6;
	vm5 =	vlt.f32 v3, v9  }
0x98: {  	v12 =	vsel vm3, v14, v10;
	vm6 =	vgt.f32 v11, v6;
	vm4 =	vmand vm4, vm5  }
0x99: {  	v15 =	vsel vm3, v8, v5;
	v5 =	vsel vm3, v5, v8;
	vm4 =	vmor vm6, vm4  }
0x9a: {  	v8 =	vld.idx.msk [tilespmem:v4+s31+$0x0 ss:$0x1], $0xffff;
	v10 =	vsel vm3, v10, v14;
	vm3 =	vgt.f32 v7, v15;
	v6 =	vsel vm4, v11, v6  }
0x9b: {  	v11 =	vsel vm3, v10, v13;
	v10 =	vsel vm3, v13, v10;
	v3 =	vsel vm4, v3, v9  }
0x9c: {  	v13 =	vadd.f32 $1.600000000e+01, v13;
	vm4 =	veq.f32 v5, v6;
	vm5 =	vlt.f32 v12, v3  }
0x9d: {  	v14 =	vld.idx.msk [tilespmem:v4+s31+$0x10 ss:$0x1], $0xffff;
	v9 =	vsel vm3, v15, v7;
	vm6 =	vgt.f32 v5, v6;
	vm4 =	vmand vm4, vm5  }
0x9e: {  	v7 =	vsel vm3, v7, v15;
	v61 =	vadd.f32 $1.600000000e+01, v13;
	vm3 =	vmor vm6, vm4  }
0x9f: {  	vm4 =	vgt.f32 v8, v7;
	v5 =	vsel vm3, v5, v6;
	v3 =	vsel vm3, v12, v3  }
0xa0: {  	v15 =	vld.idx.msk [tilespmem:v4+s31+$0x20 ss:$0x1], $0xffff;
	v6 =	vsel vm4, v8, v7;
	v8 =	vsel vm4, v7, v8;
	v12 =	vsel vm4, v10, v13  }
0xa1: {  	v10 =	vsel vm4, v13, v10;
	vm3 =	vlt.f32 v11, v3;
	vm5 =	veq.f32 v9, v5  }
0xa2: {  	vm6 =	vgt.f32 v14, v6;
	vm7 =	vgt.f32 v9, v5;
	vm3 =	vmand vm5, vm3  }
0xa3: {  	v62 =	vadd.f32 $1.600000000e+01, v61;
	v13 =	vsel vm6, v14, v6;
	vm3 =	vmor vm7, vm3  }
0xa4: {  	v14 =	vsel vm6, v6, v14;
	v5 =	vsel vm3, v9, v5;
	v3 =	vsel vm3, v11, v3  }
0xa5: {  	vm3 =	vgt.f32 v15, v13;
	vm5 =	veq.f32 v8, v5;
	vm7 =	vlt.f32 v12, v3  }
0xa6: {  	v18 =	vld.idx.msk [tilespmem:v4+s31+$0x30 ss:$0x1], $0xffff;
	v9 =	vsel vm6, v61, v10;
	vm4 =	vgt.f32 v8, v5;
	vm5 =	vmand vm5, vm7  }
0xa7: {  	v11 =	vadd.f32 $1.600000000e+01, v62;
	v19 =	vsel vm3, v15, v13;
	vm4 =	vmor vm4, vm5  }
0xa8: {  	v5 =	vsel vm4, v8, v5;
	v3 =	vsel vm4, v12, v3;
	v8 =	vsel vm6, v10, v61  }
0xa9: {  	v7 =	vsel vm3, v62, v9;
	vm4 =	veq.f32 v14, v5;
	vm5 =	vlt.f32 v8, v3  }
0xaa: {  	v6 =	vld.idx.msk [tilespmem:v4+s31+$0x40 ss:$0x1], $0xffff;
	v63 =	vsel vm3, v9, v62;
	vm6 =	vgt.f32 v14, v5;
	vm4 =	vmand vm4, vm5  }
0xab: {  	v13 =	vsel vm3, v13, v15;
	vm3 =	vgt.f32 v18, v19;
	vm4 =	vmor vm6, vm4  }
0xac: {  	v9 =	vadd.f32 $1.600000000e+01, v11;
	v14 =	vsel vm4, v14, v5;
	v8 =	vsel vm4, v8, v3  }
0xad: {  	v10 =	vsel vm3, v19, v18;
	vm4 =	veq.f32 v13, v14;
	vm5 =	vlt.f32 v63, v8  }
0xae: {  	v12 =	vsel vm3, v18, v19;
	vm6 =	vgt.f32 v13, v14;
	vm4 =	vmand vm4, vm5  }
0xaf: {  	v5 =	vadd.f32 $1.600000000e+01, v9;
	vm5 =	vmor vm6, vm4;
	vm4 =	vgt.f32 v6, v12  }
0xb0: {  	s16 =	simm.s32 $0x280;
	v3 =	vld [tilespmem:$0x18690];
	v13 =	vsel vm5, v13, v14;
	v14 =	vsel vm5, v63, v8;
	v8 =	vsel vm4, v6, v12  }
.LBB2_7:
0xb1: {  	s17 =	sshra.s32 s16, $0x2;
	v15 =	vadd.f32 $1.600000000e+01, v5;
	p0 =	sne.s32 s16, $0x3C00;
	s16 =	sadd.s32 $0x280, s16;
	v16 =	vsel vm3, v7, v11;
	v7 =	vsel vm3, v11, v7  }
0xb2: {  	vm3 =	veq.f32 v10, v13;
	v11 =	vld.idx.msk [tilespmem:v4+s17+$0xFFFFFFB0 ss:$0x1], $0xffff;
	vm5 =	vlt.f32 v16, v14;
	v17 =	vsel vm4, v9, v7  }
0xb3: {  	vm6 =	vgt.f32 v10, v13;
	v18 =	vld.idx.msk [tilespmem:v4+s17+$0xFFFFFFC0 ss:$0x1], $0xffff;
	v19 =	vadd.f32 $1.600000000e+01, v15;
	vm3 =	vmand vm3, vm5  }
0xb4: {  	v6 =	vsel vm4, v12, v6;
	v7 =	vsel vm4, v7, v9;
	vm3 =	vmor vm6, vm3  }
0xb5: {  	v9 =	vadd.f32 $1.600000000e+01, v19;
	v10 =	vsel vm3, v10, v13;
	v12 =	vsel vm3, v16, v14  }
0xb6: {  	vm3 =	vgt.f32 v6, v10;
	vm4 =	veq.f32 v6, v10;
	vm5 =	vlt.f32 v7, v12  }
0xb7: {  	v13 =	vld.idx.msk [tilespmem:v4+s17+$0xFFFFFFD0 ss:$0x1], $0xffff;
	v14 =	vadd.f32 $1.600000000e+01, v9;
	vm4 =	vmand vm4, vm5  }
0xb8: {  	vm5 =	vgt.f32 v11, v8;
	vm3 =	vmor vm3, vm4  }
0xb9: {  	v16 =	vsel vm5, v8, v11;
	v20 =	vsel vm5, v17, v5;
	v6 =	vsel vm3, v6, v10  }
0xba: {  	v8 =	vsel vm5, v11, v8;
	v5 =	vsel vm5, v5, v17;
	vm4 =	veq.f32 v16, v6  }
0xbb: {  	vm6 =	vgt.f32 v18, v8;
	v7 =	vsel vm3, v7, v12;
	vm5 =	vgt.f32 v16, v6  }
0xbc: {  	vm3 =	vlt.f32 v20, v7;
	v10 =	vsel vm6, v5, v15;
	v11 =	vsel vm6, v18, v8  }
0xbd: {  	vm3 =	vmand vm4, vm3;
	vm4 =	vgt.f32 v13, v11  }
0xbe: {  	v8 =	vsel vm6, v8, v18;
	v5 =	vsel vm6, v15, v5;
	vm3 =	vmor vm5, vm3;
	v12 =	vld.idx.msk [tilespmem:v4+s17+$0xFFFFFFE0 ss:$0x1], $0xffff  }
0xbf: {  	v6 =	vsel vm3, v16, v6;
	v15 =	vsel vm4, v13, v11;
	v16 =	vsel vm4, v19, v5  }
0xc0: {  	v7 =	vsel vm3, v20, v7;
	vm3 =	vgt.f32 v8, v6;
	vm5 =	veq.f32 v8, v6  }
0xc1: {  	v5 =	vsel vm4, v5, v19;
	vm6 =	vlt.f32 v10, v7  }
0xc2: {  	v11 =	vsel vm4, v11, v13;
	vm5 =	vmand vm5, vm6;
	v13 =	vld.idx.msk [tilespmem:v4+s17+$0xFFFFFFF0 ss:$0x1], $0xffff  }
0xc3: {  	vm3 =	vmor vm3, vm5  }
0xc4: {  	v6 =	vsel vm3, v8, v6;
	v7 =	vsel vm3, v10, v7;
	vm3 =	vgt.f32 v12, v15  }
0xc5: {  	vm4 =	veq.f32 v11, v6;
	v8 =	vsel vm3, v16, v9;
	v10 =	vsel vm3, v12, v15  }
0xc6: {  	vm5 =	vgt.f32 v11, v6;
	vm6 =	vlt.f32 v5, v7;
	v12 =	vsel vm3, v15, v12  }
0xc7: {  	vm4 =	vmand vm4, vm6;
	v15 =	vld.idx.msk [tilespmem:v4+s17+$0x0 ss:$0x1], $0xffff  }
0xc8: {  	vm4 =	vmor vm5, vm4;
	v9 =	vsel vm3, v9, v16;
	vm3 =	vgt.f32 v13, v10  }
0xc9: {  	v6 =	vsel vm4, v11, v6;
	v11 =	vsel vm3, v9, v14;
	v9 =	vsel vm3, v14, v9  }
0xca: {  	v5 =	vsel vm4, v5, v7;
	vm4 =	veq.f32 v12, v6;
	v7 =	vsel vm3, v10, v13;
	v16 =	vld.idx.msk [tilespmem:v4+s17+$0x10 ss:$0x1], $0xffff  }
0xcb: {  	vm5 =	vgt.f32 v12, v6;
	vm6 =	vlt.f32 v8, v5  }
0xcc: {  	vm4 =	vmand vm4, vm6;
	v10 =	vsel vm3, v13, v10  }
0xcd: {  	vm3 =	vmor vm5, vm4;
	v13 =	vadd.f32 $1.600000000e+01, v14;
	vm4 =	vgt.f32 v15, v10;
	v14 =	vld.idx.msk [tilespmem:v4+s17+$0x20 ss:$0x1], $0xffff  }
0xce: {  	v6 =	vsel vm3, v12, v6;
	v5 =	vsel vm3, v8, v5;
	v8 =	vsel vm4, v15, v10  }
0xcf: {  	vm3 =	vlt.f32 v11, v5;
	v10 =	vsel vm4, v10, v15;
	v12 =	vsel vm4, v9, v13  }
0xd0: {  	vm5 =	veq.f32 v7, v6;
	v15 =	vadd.f32 $1.600000000e+01, v13;
	vm6 =	vgt.f32 v16, v8  }
0xd1: {  	vm7 =	vgt.f32 v7, v6;
	vm3 =	vmand vm5, vm3;
	v9 =	vsel vm4, v13, v9  }
0xd2: {  	vm3 =	vmor vm7, vm3;
	v17 =	vadd.f32 $1.600000000e+01, v15;
	v13 =	vsel vm6, v16, v8  }
0xd3: {  	v6 =	vsel vm3, v7, v6;
	v5 =	vsel vm3, v11, v5;
	vm3 =	vgt.f32 v14, v13  }
0xd4: {  	vm4 =	vgt.f32 v10, v6;
	vm5 =	veq.f32 v10, v6;
	vm7 =	vlt.f32 v12, v5;
	v18 =	vld.idx.msk [tilespmem:v4+s17+$0x30 ss:$0x1], $0xffff  }
0xd5: {  	vm5 =	vmand vm5, vm7;
	v11 =	vsel vm6, v15, v9;
	v19 =	vsel vm3, v14, v13  }
0xd6: {  	vm4 =	vmor vm4, vm5;
	v8 =	vsel vm6, v8, v16;
	v7 =	vsel vm3, v17, v11  }
0xd7: {  	v9 =	vsel vm6, v9, v15;
	v10 =	vsel vm4, v10, v6;
	v5 =	vsel vm4, v12, v5  }
0xd8: {  	vm4 =	veq.f32 v8, v10;
	vm5 =	vlt.f32 v9, v5;
	v15 =	vsel vm3, v11, v17;
	v6 =	vld.idx.msk [tilespmem:v4+s17+$0x40 ss:$0x1], $0xffff  }
0xd9: {  	vm6 =	vgt.f32 v8, v10;
	vm4 =	vmand vm4, vm5;
	v11 =	vadd.f32 $1.600000000e+01, v17  }
0xda: {  	v13 =	vsel vm3, v13, v14;
	vm4 =	vmor vm6, vm4;
	vm3 =	vgt.f32 v18, v19  }
.Ltmp2:
0xdb: {  	v8 =	vsel vm4, v8, v10;
	v14 =	vsel vm4, v9, v5;
	v9 =	vadd.f32 $1.600000000e+01, v11;
	(pc) =	sbr.rel @p0 .LBB2_7-.Ltmp2, $4  }
0xdc: {  	vm4 =	veq.f32 v13, v8;
	vm5 =	vlt.f32 v15, v14;
	v10 =	vsel vm3, v19, v18  }
0xdd: {  	vm6 =	vgt.f32 v13, v8;
	vm4 =	vmand vm4, vm5;
	v12 =	vsel vm3, v18, v19  }
0xde: {  	v5 =	vadd.f32 $1.600000000e+01, v9;
	vm5 =	vmor vm6, vm4;
	vm4 =	vgt.f32 v6, v12  }
0xdf: {  	v13 =	vsel vm5, v13, v8;
	v14 =	vsel vm5, v15, v14;
	v8 =	vsel vm4, v6, v12  }
0xe0: {  	v4 =	vsel vm3, v11, v7  }
0xe1: {  	vm5 =	veq.f32 v8, s14;
	v5 =	vsel vm4, v9, v4  }
0xe2: {  	v15 =	vnsel vm5, $0x4E800000, v5  }
0xe3: {  	(xrf0) =	vmin.scan.msk.f32 $0xffff, v15;
	_ =	sdelay $0x1  }
0xe4: {  	v7 =	vsel vm3, v7, v11  }
0xe5: {  	vm3 =	veq.f32 v10, v13;
	vm6 =	vlt.f32 v7, v14  }
0xe6: {  	vm7 =	vgt.f32 v10, v13;
	vm3 =	vmand vm3, vm6  }
0xe7: {  	v6 =	vsel vm4, v12, v6;
	vm3 =	vmor vm7, vm3  }
0xe8: {  	v12 =	vsel vm4, v4, v9;
	v9 =	vsel vm3, v10, v13;
	v10 =	vsel vm3, v7, v14;
	v4, _, _ =	vpop (xrf0)  }
0xe9: {  	vm3 =	veq.f32 v6, v9;
	vm4 =	vlt.f32 v12, v10;
	v4 =	vbroadcast v4, $0xF  }
0xea: {  	vm6 =	vgt.f32 v6, v9;
	vm3 =	vmand vm3, vm4  }
0xeb: {  	vm4 =	vmor vm6, vm3;
	vm3 =	veq.f32 v5, v4  }
0xec: {  	v6 =	vsel vm4, v6, v9;
	vm3 =	vmand vm5, vm3  }
0xed: {  	v6 =	vsel vm3, v6, v8  }
0xee: {  	(xrf0) =	vmax.scan.msk.f32 $0xffff, v6;
	_ =	sdelay $0x3  }
0xef: {  	p0 =	slt.s32 s15, $0x18  }
0xf0: {  	s15 =	simm.s32 @!p0 $0x18  }
0xf1: {  	s16 =	smul.u32 $0xFA0, s15;
	v7, _, _ =	vpop (xrf0)  }
0xf2: {  	s15 =	smul.u32 $0x3E80, s15;
	(v2sf) =	vpush v7, $0xF;
	_ =	sdelay $0x1  }
0xf3: {  	s16 =	scvt.s32.f32 s16;
	s15 =	sshra.s32 s15, $0x2  }
0xf4: {  	s15 =	sadd.s32 $0x50, s15  }
0xf5: {  	v15 =	vadd.f32 s16, v0;
	v9 =	vmov s15;
	_ =	sdelay $0x1  }
0xf6: {  	v11 =	vadd.f32 $1.600000000e+01, v15;
	_ =	sdelay $0x1  }
0xf7: {  	s31 =	simm.s32 $0x0;
	v16 =	vadd.f32 $1.600000000e+01, v11  }
0xf8: {  	v17 =	vld.idx.msk [tilespmem:v9+s31+$0x30 ss:$0x1], $0xffff  }
0xf9: {  	v13 =	vadd.f32 $1.600000000e+01, v16;
	v18 =	vld.idx.msk [tilespmem:v9+s31+$0x10 ss:$0x1], $0xffff  }
0xfa: {  	v19 =	vld.idx.msk [tilespmem:v9+s31+$0x0 ss:$0x1], $0xffff  }
0xfb: {  	v20 =	vld.idx.msk [tilespmem:v9+s31+$0xFFFFFFF0 ss:$0x1], $0xffff;
	v21 =	vadd.f32 $1.600000000e+01, v13  }
0xfc: {  	v14 =	vld.idx.msk [tilespmem:v9+s31+$0xFFFFFFE0 ss:$0x1], $0xffff  }
0xfd: {  	v22 =	vld.idx.msk [tilespmem:v9+s31+$0xFFFFFFD0 ss:$0x1], $0xffff;
	v23 =	vadd.f32 $1.600000000e+01, v21  }
0xfe: {  	v24 =	vld.idx.msk [tilespmem:v9+s31+$0xFFFFFFC0 ss:$0x1], $0xffff;
	s15 =	spop (v2sf)  }
0xff: {  	v27 =	vimm.f32 $1.073741820e+09;
	v25 =	vld.idx.msk [tilespmem:v9+s31+$0xFFFFFFB0 ss:$0x1], $0xffff;
	v26 =	vadd.f32 $1.600000000e+01, v23;
	s13 =	smax.f32 s15, s13  }
0x100: {  	v10 =	vsel vm4, v12, v10;
	v8 =	vmov s14;
	v12 =	vmov s13  }
0x101: {  	v28 =	vld.idx.msk [tilespmem:v9+s31+$0x40 ss:$0x1], $0xffff;
	vm4 =	veq.f32 v14, v12;
	v14 =	vadd.f32 $1.600000000e+01, v26;
	vm6 =	veq.f32 v17, v12  }
0x102: {  	vm5 =	veq.f32 v22, v12;
	vm7 =	veq.f32 v20, v12;
	vm8 =	veq.f32 v19, v12  }
0x103: {  	vm9 =	veq.f32 v18, v12;
	v20 =	vnsel vm5, $0x4E800000, v16;
	v16 =	vadd.f32 $1.600000000e+01, v14  }
0x104: {  	vm10 =	veq.f32 v25, v12;
	vm5 =	veq.f32 v24, v12;
	v17 =	vnsel vm9, $0x4E800000, v26  }
0x105: {  	v19 =	vnsel vm10, $0x4E800000, v15;
	v15 =	vnsel vm6, $0x4E800000, v16;
	v16 =	vadd.f32 $1.600000000e+01, v16  }
0x106: {  	v22 =	vnsel vm7, $0x4E800000, v21;
	v21 =	vnsel vm8, $0x4E800000, v23;
	vm6 =	veq.f32 v28, v12  }
0x107: {  	s14 =	simm.s32 $0x280;
	v18 =	vld.idx.msk [tilespmem:v9+s31+$0x20 ss:$0x1], $0xffff;
	v23 =	vmin.f32 v27, v19;
	v19 =	vnsel vm6, $0x4E800000, v16;
	v16 =	vadd.f32 $1.600000000e+01, v16  }
.LBB2_9:
0x108: {  	p0 =	sne.s32 s14, $0x3C00;
	v24 =	vnsel vm5, $0x4E800000, v11;
	v13 =	vnsel vm4, $0x4E800000, v13;
	s16 =	smov.u32 s14;
	s14 =	sadd.s32 $0x280, s14  }
0x109: {  	v11 =	vadd.f32 $1.600000000e+01, v16;
	v23 =	vmin.f32 v23, v24  }
0x10a: {  	s16 =	sshra.s32 s16, $0x2;
	v20 =	vmin.f32 v23, v20  }
0x10b: {  	v23 =	vadd.f32 $1.600000000e+01, v11;
	v24 =	vld.idx.msk [tilespmem:v9+s16+$0x30 ss:$0x1], $0xffff;
	v13 =	vmin.f32 v20, v13  }
0x10c: {  	vm4 =	veq.f32 v18, v12;
	v25 =	vld.idx.msk [tilespmem:v9+s16+$0x10 ss:$0x1], $0xffff;
	v20 =	vmin.f32 v13, v22  }
0x10d: {  	v14 =	vnsel vm4, $0x4E800000, v14;
	v13 =	vadd.f32 $1.600000000e+01, v23;
	v22 =	vld.idx.msk [tilespmem:v9+s16+$0x0 ss:$0x1], $0xffff;
	v18 =	vmin.f32 v20, v21  }
0x10e: {  	v20 =	vld.idx.msk [tilespmem:v9+s16+$0xFFFFFFF0 ss:$0x1], $0xffff;
	v17 =	vmin.f32 v18, v17  }
0x10f: {  	v21 =	vld.idx.msk [tilespmem:v9+s16+$0xFFFFFFE0 ss:$0x1], $0xffff;
	v26 =	vadd.f32 $1.600000000e+01, v13;
	v14 =	vmin.f32 v17, v14  }
0x110: {  	v17 =	vld.idx.msk [tilespmem:v9+s16+$0xFFFFFFD0 ss:$0x1], $0xffff;
	v14 =	vmin.f32 v14, v15  }
0x111: {  	v15 =	vld.idx.msk [tilespmem:v9+s16+$0xFFFFFFC0 ss:$0x1], $0xffff;
	v27 =	vadd.f32 $1.600000000e+01, v26;
	v19 =	vmin.f32 v14, v19  }
0x112: {  	v28 =	vld.idx.msk [tilespmem:v9+s16+$0xFFFFFFB0 ss:$0x1], $0xffff  }
0x113: {  	v29 =	vadd.f32 $1.600000000e+01, v27;
	v30 =	vld.idx.msk [tilespmem:v9+s16+$0x40 ss:$0x1], $0xffff  }
0x114: {  	v18 =	vld.idx.msk [tilespmem:v9+s16+$0x20 ss:$0x1], $0xffff  }
0x115: {  	vm6 =	veq.f32 v24, v12;
	vm4 =	veq.f32 v21, v12;
	v14 =	vadd.f32 $1.600000000e+01, v29  }
0x116: {  	vm8 =	veq.f32 v22, v12;
	vm7 =	veq.f32 v20, v12;
	vm5 =	veq.f32 v17, v12  }
.Ltmp3:
0x117: {  	vm9 =	veq.f32 v25, v12;
	v20 =	vnsel vm5, $0x4E800000, v23;
	v21 =	vadd.f32 $1.600000000e+01, v14;
	(pc) =	sbr.rel @p0 .LBB2_9-.Ltmp3, $4  }
0x118: {  	v17 =	vnsel vm9, $0x4E800000, v29;
	vm5 =	veq.f32 v15, v12;
	vm10 =	veq.f32 v28, v12  }
0x119: {  	v16 =	vnsel vm10, $0x4E800000, v16;
	v15 =	vnsel vm6, $0x4E800000, v21;
	v24 =	vadd.f32 $1.600000000e+01, v21  }
0x11a: {  	v22 =	vnsel vm7, $0x4E800000, v26;
	v21 =	vnsel vm8, $0x4E800000, v27;
	vm6 =	veq.f32 v30, v12  }
0x11b: {  	v23 =	vmin.f32 v19, v16;
	v19 =	vnsel vm6, $0x4E800000, v24;
	v16 =	vadd.f32 $1.600000000e+01, v24  }
0x11c: {  	v9 =	vnsel vm5, $0x4E800000, v11  }
0x11d: {  	v9 =	vmin.f32 v23, v9  }
0x11e: {  	v60 =	vnsel vm4, $0x4E800000, v13;
	v9 =	vmin.f32 v9, v20  }
0x11f: {  	v9 =	vmin.f32 v9, v60  }
0x120: {  	v7 =	vbroadcast v7, $0xF;
	v9 =	vmin.f32 v9, v22  }
0x121: {  	vm15 =	veq.f32 v18, v12;
	v5 =	vsel vm3, v10, v5;
	v9 =	vmin.f32 v9, v21  }
0x122: {  	v61 =	vnsel vm15, $0x4E800000, v14;
	vm3 =	veq.f32 v6, v7;
	v9 =	vmin.f32 v9, v17  }
0x123: {  	v5 =	vnsel vm3, $0x4E800000, v5;
	v9 =	vmin.f32 v9, v61  }
0x124: {  	(xrf0) =	vmin.scan.msk.f32 $0xffff, v5;
	v62 =	vmin.f32 v9, v15  }
0x125: {  	v6 =	vmin.f32 v62, v19  }
0x126: {  	(xrf0) =	vmin.scan.msk.f32 $0xffff, v6;
	_ =	sdelay $0x3  }
0x127: {  	v5, _, _ =	vpop (xrf0)  }
0x128: {  	(v2sf) =	vpush v5, $0xF  }
0x129: {  	v63, _, _ =	vpop (xrf0)  }
0x12a: {  	(xrf2) =	vadd.scan.msk.f32 $0xffff, v2;
	(v2sf) =	vpush v63, $0xF;
	_ =	sdelay $0x9  }
0x12b: {  	v2, _, _ =	vpop (xrf2)  }
0x12c: {  	v2 =	vbroadcast v2, $0xF  }
0x12d: {  	p0 =	seq.f32 s15, s13;
	vm3 =	vmmov $0x1  }
0x12e: {  	s31 =	sshll.u32 s12, $0x4;
	s12 =	sadd.s32 $0x1, s12;
	v2 =	vnsel vm3, $0x0, v2;
	s14 =	spop (v2sf)  }
0x12f: {  	v2 =	vsel vm1, v2, v8;
	s14 =	simm.s32 @!p0 $0x4E800000;
	p0 =	sne.s32 s12, $0xA  }
.Ltmp4:
0x130: {  	vm3 =	veq.s32 v1, $0x3;
	v2 =	vsel vm2, v2, v4;
	s30 =	spop (v2sf);
	(pc) =	sbr.rel @p0 .LBB2_2-.Ltmp4, $4  }
0x131: {  	v3 =	vbroadcast v3, $0xF;
	v2 =	vsel vm3, s13, v2;
	vm3 =	veq.s32 v1, $0x4;
	s14 =	smin.f32 s14, s30  }
0x132: {  	v2 =	vsel vm3, s14, v2  }
0x133: {  	s13 =	sand.u32 $0x3FFFFFF0, s31;
	v2 =	vsel vm0, v3, v2  }
0x134: {  	[tilespmem:s13+$0x18700] =	vst v2  }
0x135: {  	s11 =	sadd.s32 $0x1, s11  }
0x136: {  	p0 =	sne.s32 s11, s6  }
.Ltmp5:
0x137: {  	_ = 	snop;
	(pc) =	sbr.rel @p0 .LBB2_1-.Ltmp5, $4  }
0x138: {  	[hbm4b:s5+s2] =	stream.linear.scatter [tilespmem:s10], [sflag:$0x1], $0xA0, $0x38;
	[tilespmem:$0x18800] =	vst v63  }
0x139: {  	_ =	swait.ge [sflag:s9], $0xA0  }
0x13a: {  	[sflag:s9] =	ssyncset.done $0x0  }
0x13b: {  	[sflag:s9] =	ssyncadd.s32 $0xFFFFFF60  }
0x13c: {  	_ =	sfence.sel $0x180000  }
0x13d: {  	[bflag:$0x0] =	sbarrier.arrive $0xFFFF  }
0x13e: {  	p0 =	sne.s32 s0, $0x0;
	_ =	strace $0x90000047  }
0x13f: {  	s0 =	sadd.s32 @!p0 $0x100000, s1;
	[bflag:$0x2] =	sbarrier.arrive $0xFFFF  }
0x140: {  	[sflag:s0] =	ssyncadd.tile.s32 @!p0 $0x1;
	_ =	shalt  }
.Lfunc_end2:
_tile_overlayer_lowered:
.L_overlay_start_2:
0x141: {  	(tag) =	ssettag $0x2  }
0x142: {  	s0 =	rddreg [dreg:$0x0];
	s2 =	stileid.u32  }
0x143: {  	s1 =	rddreg [dreg:$0x1];
	p0 =	sne.s32 s2, $0x0  }
0x144: {  	s3 =	rddreg [dreg:$0x2];
	[bflag:$0x3] =	sbarrier.arrive $0xFFFF;
	s2 =	simm.s32 @!p0 $0x1C01  }
0x145: {  	[timem:s3], [sflag:s2] =	dma.local @!p0 [hbm:s0], s1  }
0x146: {  	s0 =	simm.s32 @!p0 $0x1  }
0x147: {  	_ =	swait.ge @!p0 [sflag:s0], s1  }
0x148: {  	s1 =	ssub.s32 @!p0 $0x0, s1;
	[sflag:s0] =	ssyncset.done @!p0 $0x0  }
0x149: {  	[sflag:s0] =	ssyncadd.s32 @!p0 s1  }
0x14a: {  	[bflag:$0x3] =	sbarrier.arrive $0xFFFF  }
0x14b: {  	_ =	shalt  }

</sc_bundles>
